<compile_context>
chip_gen: v7x
topology: tpu7x:2x2x1
jax: 0.10.2.dev20260603
libtpu: 0.0.44.dev20260713+nightly
codegen_flags: <defaults>
</compile_context>

<pallas_src>
import dataclasses
import functools

import numpy as np
import jax
import jax.numpy as jnp
from jax import lax
from jax.experimental import pallas as pl
from jax.experimental.pallas import tpu as pltpu
from jax.experimental.pallas import tpu_sc as plsc

_DIM = 33
_N3 = _DIM * _DIM * _DIM
_FLAT = 3 * _N3
_CPAD = 36224
_PAD = 3 * _CPAD
_B = 4
_H = _W = 512
_HW = _H * _W
_FH = _FW = 32
_FHW = _FH * _FW
_C_IN = 1024
_C_MID = 256
_NLUT = 6
_CH = 1024
_NTEC = 32
_PARTS = _NTEC // _B
_PER_TEC = _HW // _PARTS
_NCHUNK = _PER_TEC // _CH
_INV_BIN = np.float32((_DIM - 1) / 1.000001)


def _resize_mat():
    ys = np.linspace(0.0, float(_H - 1), _FH)
    y0 = np.floor(ys).astype(np.int64)
    y1 = np.clip(y0 + 1, 0, _H - 1)
    wy = (ys - y0).astype(np.float32)
    r = np.zeros((_FH, _H), np.float32)
    r[np.arange(_FH), y0] += 1.0 - wy
    r[np.arange(_FH), y1] += wy
    return r


_RY = _resize_mat()
_EH = np.kron(np.eye(_FH, dtype=np.float32),
              np.ones((_FW, 1), np.float32))
_RXE = np.tile(_RY, (_FH, 1)).astype(np.float32)

_DOT = functools.partial(jnp.dot, precision=lax.Precision.HIGHEST)


def _head_body(fea_ref, maskr_ref, ry_ref, eh_ref, rxe_ref, cw_ref, cb_ref,
               fcw_ref, fcb_ref, l0_ref, l1_ref, l2_ref, l3_ref, l4_ref,
               l5_ref, out_ref):
    ry = ry_ref[...]
    eh = eh_ref[...]
    rxe = rxe_ref[...]
    cw = cw_ref[...]
    cb = cb_ref[...].reshape(_C_MID, 1)
    fcw = fcw_ref[...]
    fcb = fcb_ref[...].reshape(_NLUT, 1)

    eh_bf = eh.astype(jnp.bfloat16)
    masks_wide = jnp.concatenate([maskr_ref[b] for b in range(_B)], axis=1)
    q_all = jnp.dot(ry.astype(jnp.bfloat16),
                    masks_wide.astype(jnp.bfloat16),
                    preferred_element_type=jnp.float32)
    dmfs = []
    for b in range(_B):
        q = q_all[:, b * _W:(b + 1) * _W]
        ehq = jnp.dot(eh_bf, q.astype(jnp.bfloat16),
                      preferred_element_type=jnp.float32)
        dmf = jnp.sum(ehq * rxe, axis=1, keepdims=True)
        dmfs.append(dmf)

    ones_col = jnp.ones((_FHW, 1), jnp.float32)
    dm5 = jnp.concatenate(dmfs + [ones_col], axis=1)
    s_all = jnp.dot(fea_ref[...], dm5.astype(jnp.bfloat16),
                    preferred_element_type=jnp.float32)

    cols = []
    cnts = []
    for b in range(_B):
        s_fg = s_all[b * _C_IN:(b + 1) * _C_IN, b:b + 1]
        s_full = s_all[b * _C_IN:(b + 1) * _C_IN, _B:_B + 1]
        s_bg = s_full - s_fg
        cols += [s_fg, s_bg, s_full]
        m_fg = jnp.sum(dmfs[b], axis=0, keepdims=True)
        m_bg = jnp.sum(1.0 - dmfs[b], axis=0, keepdims=True)
        cnts += [m_fg, m_bg, m_fg + m_bg]
    sp = jnp.concatenate(cols, axis=1)
    cnt = jnp.concatenate(cnts, axis=1)

    feat = _DOT(cw, sp)
    feat = (feat + cb * cnt) / (cnt + 1e-6)

    logits = fcb
    for j in range(3):
        feat_j = jnp.concatenate(
            [feat[:, 3 * b + j:3 * b + j + 1] for b in range(_B)], axis=1)
        logits = logits + _DOT(fcw[:, j * _C_MID:(j + 1) * _C_MID], feat_j)
    z = logits - jnp.max(logits, axis=0, keepdims=True)
    e = jnp.exp(z)
    p_all = e / jnp.sum(e, axis=0, keepdims=True)
    lrefs = (l0_ref, l1_ref, l2_ref, l3_ref, l4_ref, l5_ref)
    accs = [None] * _B
    for n in range(_NLUT):
        val = lrefs[n][...]
        for b in range(_B):
            term = val * p_all[n:n + 1, b:b + 1]
            accs[b] = term if accs[b] is None else accs[b] + term
    for b in range(_B):
        for c in range(3):
            out_ref[b:b + 1, c * _CPAD:c * _CPAD + _N3] = accs[b][c:c + 1, :]


_head = pl.pallas_call(
    _head_body,
    out_shape=jax.ShapeDtypeStruct((_B, _PAD), jnp.float32),
    compiler_params=pltpu.CompilerParams(vmem_limit_bytes=63 * 1024 * 1024),
)


_SC_PARAMS = pltpu.CompilerParams()
if "needs_layout_passes" in pltpu.CompilerParams.__dataclass_fields__:
    _SC_PARAMS = dataclasses.replace(_SC_PARAMS, needs_layout_passes=False)


_ROWS_PER_TEC = _H // _PARTS
_RCH = 2


@functools.partial(
    pl.kernel,
    out_type=jax.ShapeDtypeStruct((_B, 3, _H, _W), jnp.float32),
    mesh=plsc.VectorSubcoreMesh(core_axis_name="c", subcore_axis_name="s"),
    compiler_params=_SC_PARAMS,
    scratch_types=[
        pltpu.VMEM((_PAD,), jnp.float32),
        pltpu.VMEM((2, 3, _RCH, _W), jnp.float32),
        pltpu.VMEM((2, _RCH, _W), jnp.float32),
        pltpu.VMEM((2, 3, _RCH, _W), jnp.float32),
        pltpu.SemaphoreType.DMA((2,)),
        pltpu.SemaphoreType.DMA((2,)),
        pltpu.SemaphoreType.DMA((2,)),
    ],
)
def _sc_apply(img_hbm, mask_hbm, mlut_hbm, out_hbm, lut_v, in_v, m_v, o_v,
              sem_i, sem_m, sem_o):
    wid = lax.axis_index("s") * 2 + lax.axis_index("c")
    batch = wid // _PARTS
    row0 = (wid % _PARTS) * _ROWS_PER_TEC

    lut_copy = pltpu.make_async_copy(mlut_hbm.at[batch], lut_v, sem_o.at[0])
    lut_copy.start()

    offs = (1, _DIM, _DIM + 1,
            _DIM * _DIM, _DIM * _DIM + 1, _DIM * _DIM + _DIM,
            _DIM * _DIM + _DIM + 1)

    def in_copies(g, slot):
        row = row0 + g * _RCH
        return (
            pltpu.make_async_copy(
                img_hbm.at[batch, :, pl.ds(row, _RCH), :],
                in_v.at[slot], sem_i.at[slot]),
            pltpu.make_async_copy(
                mask_hbm.at[batch, 0, pl.ds(row, _RCH), :],
                m_v.at[slot], sem_m.at[slot]),
        )

    def out_copy(g, slot):
        row = row0 + g * _RCH
        return (
            pltpu.make_async_copy(
                o_v.at[slot], out_hbm.at[batch, :, pl.ds(row, _RCH), :],
                sem_o.at[slot]),
        )

    def compute_row(slot, r2):
        @pl.loop(0, _W, step=16)
        def _px(i):
            sl = pl.ds(i, 16)
            rgb = (in_v[slot, 0, r2, sl], in_v[slot, 1, r2, sl],
                   in_v[slot, 2, r2, sl])
            m = m_v[slot, r2, sl]
            rs = rgb[0] * _INV_BIN
            gs = rgb[1] * _INV_BIN
            bs = rgb[2] * _INV_BIN
            ri = rs.astype(jnp.int32)
            gi = gs.astype(jnp.int32)
            bi = bs.astype(jnp.int32)
            fr = rs - ri.astype(jnp.float32)
            fg = gs - gi.astype(jnp.float32)
            fb = bs - bi.astype(jnp.float32)
            wr0 = 1.0 - fr
            wg0 = 1.0 - fg
            wb0 = 1.0 - fb
            w00 = wr0 * wg0
            w10 = fr * wg0
            w01 = wr0 * fg
            w11 = fr * fg
            w = (w00 * wb0, w10 * wb0, w01 * wb0, w11 * wb0,
                 w00 * fb, w10 * fb, w01 * fb, w11 * fb)
            idx0 = ri + gi * _DIM + bi * (_DIM * _DIM)
            idxs = (idx0,) + tuple(idx0 + o for o in offs)
            one_m = 1.0 - m
            for c in range(3):
                plane = lut_v.at[pl.ds(c * _CPAD, _CPAD)]
                v = [plsc.load_gather(plane, [ix]) for ix in idxs]
                acc = (((v[0] * w[0] + v[1] * w[1])
                        + (v[2] * w[2] + v[3] * w[3]))
                       + ((v[4] * w[4] + v[5] * w[5])
                          + (v[6] * w[6] + v[7] * w[7])))
                o_v[slot, c, r2, sl] = acc * m + rgb[c] * one_m

    for c in in_copies(0, 0) + in_copies(1, 1):
        c.start()
    lut_copy.wait()

    @pl.loop(0, _NCHUNK, step=2)
    def _chunk(g):
        for slot in (0, 1):
            gg = g + slot
            for c in in_copies(gg, slot):
                c.wait()

            @pl.when(gg >= 2)
            def _():
                for c in out_copy(gg - 2, slot):
                    c.wait()

            for r2 in range(_RCH):
                compute_row(slot, r2)
            for c in out_copy(gg, slot):
                c.start()

            @pl.when(gg + 2 < _NCHUNK)
            def _():
                for c in in_copies(gg + 2, slot):
                    c.start()

    for c in out_copy(_NCHUNK - 2, 0) + out_copy(_NCHUNK - 1, 1):
        c.wait()


def kernel(encoder_outputs, image, mask, conv_w, conv_b, fc_w, fc_b,
           lut0, lut1, lut2, lut3, lut4, lut5):
    fea = encoder_outputs.reshape(_B * _C_IN, _FHW).astype(jnp.bfloat16)
    maskr = mask.reshape(_B, _H, _W)
    flat6 = [l.reshape(3, _N3) for l in (lut0, lut1, lut2, lut3, lut4, lut5)]

    mlut = _head(fea, maskr, jnp.asarray(_RY), jnp.asarray(_EH),
                 jnp.asarray(_RXE), conv_w, conv_b, fc_w, fc_b, *flat6)

    return _sc_apply(image, mask, mlut)

# --- scband reference (transcript-rebuilt; emitter-appended) ---
"""Pipeline reference for scband-lut-231928234067 (READ-ONLY COPY).

The authoritative reference and input builder live on the scoring server;
editing this copy changes nothing except your own understanding.
"""

import jax, jax.numpy as jnp
import numpy as np

DIM = 33

def make_identity_lut(dim):
    r = jnp.arange(dim, dtype=jnp.float32) / (dim - 1)
    bg, gg, rg = jnp.meshgrid(r, r, r, indexing='ij')
    return jnp.stack([rg, gg, bg], axis=0)

def trilinear_apply(lut, x, dim=DIM):
    binsize = 1.000001 / (dim - 1)
    r, g, b = x[:, 0], x[:, 1], x[:, 2]
    rs, gs, bs = r / binsize, g / binsize, b / binsize
    rid = jnp.clip(jnp.floor(rs).astype(jnp.int32), 0, dim - 2)
    gid = jnp.clip(jnp.floor(gs).astype(jnp.int32), 0, dim - 2)
    bid = jnp.clip(jnp.floor(bs).astype(jnp.int32), 0, dim - 2)
    fr = rs - rid.astype(jnp.float32)
    fg = gs - gid.astype(jnp.float32)
    fb = bs - bid.astype(jnp.float32)
    flat = lut.reshape(3, -1)
    def gat(ri, gi, bi):
        idx = ri + gi * dim + bi * dim * dim
        return jnp.take(flat, idx, axis=1)
    out = (gat(rid, gid, bid) * ((1 - fr) * (1 - fg) * (1 - fb))
         + gat(rid + 1, gid, bid) * (fr * (1 - fg) * (1 - fb))
         + gat(rid, gid + 1, bid) * ((1 - fr) * fg * (1 - fb))
         + gat(rid + 1, gid + 1, bid) * (fr * fg * (1 - fb))
         + gat(rid, gid, bid + 1) * ((1 - fr) * (1 - fg) * fb)
         + gat(rid + 1, gid, bid + 1) * (fr * (1 - fg) * fb)
         + gat(rid, gid + 1, bid + 1) * ((1 - fr) * fg * fb)
         + gat(rid + 1, gid + 1, bid + 1) * (fr * fg * fb))
    return jnp.transpose(out, (1, 0, 2, 3))

def resize_bilinear_ac(x, Ho, Wo):
    B, C, Hi, Wi = x.shape
    ys = jnp.linspace(0.0, Hi - 1.0, Ho)
    xs = jnp.linspace(0.0, Wi - 1.0, Wo)
    y0 = jnp.floor(ys).astype(jnp.int32)
    x0 = jnp.floor(xs).astype(jnp.int32)
    y1 = jnp.clip(y0 + 1, 0, Hi - 1)
    x1 = jnp.clip(x0 + 1, 0, Wi - 1)
    wy = (ys - y0.astype(jnp.float32))[None, None, :, None]
    wx = (xs - x0.astype(jnp.float32))[None, None, None, :]
    a = x[:, :, y0][:, :, :, x0]
    b = x[:, :, y0][:, :, :, x1]
    c = x[:, :, y1][:, :, :, x0]
    d = x[:, :, y1][:, :, :, x1]
    return a * (1 - wy) * (1 - wx) + b * (1 - wy) * wx + c * wy * (1 - wx) + d * wy * wx

def setup_inputs(seed: int = 0):
    key = jax.random.key(seed)
    ks = jax.random.split(key, 8)
    B = 4
    encoder_outputs = jax.random.normal(ks[0], (1, B, 1024, 32, 32), dtype=jnp.float32)
    image = jax.random.uniform(ks[1], (B, 3, 512, 512), dtype=jnp.float32)
    mask = jax.random.uniform(ks[2], (B, 1, 512, 512), dtype=jnp.float32)
    conv_w = jax.random.normal(ks[3], (256, 1024), dtype=jnp.float32) * 0.02
    conv_b = jnp.zeros((256,), dtype=jnp.float32)
    fc_w = jax.random.normal(ks[4], (6, 768), dtype=jnp.float32) * 0.02
    fc_b = jnp.zeros((6,), dtype=jnp.float32)
    lut0 = make_identity_lut(DIM)
    lut1 = jnp.zeros((3, DIM, DIM, DIM), dtype=jnp.float32)
    lut2 = jnp.zeros((3, DIM, DIM, DIM), dtype=jnp.float32)
    lut3 = jnp.zeros((3, DIM, DIM, DIM), dtype=jnp.float32)
    lut4 = jnp.zeros((3, DIM, DIM, DIM), dtype=jnp.float32)
    lut5 = jnp.zeros((3, DIM, DIM, DIM), dtype=jnp.float32)
    return {'encoder_outputs': encoder_outputs, 'image': image, 'mask': mask,
            'conv_w': conv_w, 'conv_b': conv_b, 'fc_w': fc_w, 'fc_b': fc_b,
            'lut0': lut0, 'lut1': lut1, 'lut2': lut2, 'lut3': lut3, 'lut4': lut4, 'lut5': lut5}

def reference(encoder_outputs, image, mask, conv_w, conv_b, fc_w, fc_b, lut0, lut1, lut2, lut3, lut4, lut5):
    fea = encoder_outputs[0]
    x = jnp.einsum('bchw,oc->bohw', fea, conv_w) + conv_b[None, :, None, None]
    down_mask = resize_bilinear_ac(mask, fea.shape[2], fea.shape[3])
    fg_mask = jax.lax.stop_gradient(down_mask)
    bg_mask = jax.lax.stop_gradient(1.0 - fg_mask)
    full_mask = jax.lax.stop_gradient(fg_mask + bg_mask)
    m_fg = fg_mask.sum(axis=(2, 3), keepdims=True)
    m_bg = bg_mask.sum(axis=(2, 3), keepdims=True)
    m_full = full_mask.sum(axis=(2, 3), keepdims=True)
    fg_feature = (x * fg_mask / (m_fg + 1e-06)).sum(axis=(2, 3))
    bg_feature = (x * bg_mask / (m_bg + 1e-06)).sum(axis=(2, 3))
    full_feature = (x * full_mask / (m_full + 1e-06)).sum(axis=(2, 3))
    fgbg = jnp.concatenate([fg_feature, bg_feature, full_feature], axis=1)
    logits = fgbg @ fc_w.T + fc_b[None, :]
    pred_weights = jax.nn.softmax(logits, axis=1)
    luts = [lut0, lut1, lut2, lut3, lut4, lut5]
    combine = jnp.zeros_like(image)
    for n in range(6):
        gen = trilinear_apply(luts[n], image)
        combine = combine + pred_weights[:, n][:, None, None, None] * gen
    combine = combine * mask + image * (1.0 - mask)
    return combine

if __name__ == "__main__":
    import jax
    _d = setup_inputs()
    print(jax.jit(kernel)(*tuple(_d.values())))

</pallas_src>

<mosaic_0001>
#map = affine_map<(d0, d1) -> (0, 0, 0, 0)>
#map1 = affine_map<(d0, d1) -> (0, 0)>
module attributes {stable_mosaic.version = 14 : i64} {
  func.func @_sc_apply(%arg0: i32, %arg1: i32, %arg2: memref<4x3x512x512xf32, #tpu.memory_space<hbm>>, %arg3: memref<4x1x512x512xf32, #tpu.memory_space<hbm>>, %arg4: memref<4x108672xf32, #tpu.memory_space<hbm>>, %arg5: memref<4x3x512x512xf32, #tpu.memory_space<hbm>>, %arg6: memref<108672xf32, #tpu.memory_space<vmem>>, %arg7: memref<2x3x2x512xf32, #tpu.memory_space<vmem>>, %arg8: memref<2x2x512xf32, #tpu.memory_space<vmem>>, %arg9: memref<2x3x2x512xf32, #tpu.memory_space<vmem>>, %arg10: memref<2x!tpu.dma_semaphore, #tpu.memory_space<semaphore_mem>>, %arg11: memref<2x!tpu.dma_semaphore, #tpu.memory_space<semaphore_mem>>, %arg12: memref<2x!tpu.dma_semaphore, #tpu.memory_space<semaphore_mem>>) attributes {dimension_semantics = [#tpu.dimension_semantics<core_parallel>, #tpu.dimension_semantics<subcore_parallel>], iteration_bounds = array<i64: 2, 16>, scalar_prefetch = 0 : i64, scratch_operands = 7 : i64, tpu.core_type = #tpu.core_type<sc_vector_subcore>, window_params = [{transform_indices = #map}, {transform_indices = #map}, {transform_indices = #map1}, {transform_indices = #map}]} {
    %mul3A = arith.constant 2 : i32
    %mul3A_0 = arith.muli %arg1, %mul3A : i32
    %add3A = arith.addi %mul3A_0, %arg0 : i32
    %jit3A = arith.constant 8 : i32
    %div3A = arith.divsi %add3A, %jit3A : i32
    %sign3A = arith.constant 0 : i32
    %sign3A_1 = arith.cmpi sgt, %add3A, %sign3A : i32
    %sign3A_2 = arith.extui %sign3A_1 : i1 to i32
    %sign3A_3 = arith.constant 0 : i32
    %sign3A_4 = arith.cmpi slt, %add3A, %sign3A_3 : i32
    %sign3A_5 = arith.extui %sign3A_4 : i1 to i32
    %sign3A_6 = arith.subi %sign3A_2, %sign3A_5 : i32
    %sign3A_7 = arith.constant 0 : i32
    %sign3A_8 = arith.cmpi sgt, %jit3A, %sign3A_7 : i32
    %sign3A_9 = arith.extui %sign3A_8 : i1 to i32
    %sign3A_10 = arith.constant 0 : i32
    %sign3A_11 = arith.cmpi slt, %jit3A, %sign3A_10 : i32
    %sign3A_12 = arith.extui %sign3A_11 : i1 to i32
    %sign3A_13 = arith.subi %sign3A_9, %sign3A_12 : i32
    %ne3A = arith.cmpi ne, %sign3A_6, %sign3A_13 : i32
    %rem3A = arith.remsi %add3A, %jit3A : i32
    %ne3A_14 = arith.constant 0 : i32
    %ne3A_15 = arith.cmpi ne, %rem3A, %ne3A_14 : i32
    %and3A = arith.andi %ne3A, %ne3A_15 : i1
    %sub3A = arith.constant 1 : i32
    %sub3A_16 = arith.subi %div3A, %sub3A : i32
    %select_n3A = arith.select %and3A, %sub3A_16, %div3A : i32
    %jit3A_17 = arith.constant 8 : i32
    %eq3A = arith.constant 0 : i32
    %eq3A_18 = arith.cmpi eq, %jit3A_17, %eq3A : i32
    %jit3A_19 = arith.constant 1 : i32
    %select_n3A_20 = arith.select %eq3A_18, %jit3A_19, %jit3A_17 : i32
    %rem3A_21 = arith.remsi %add3A, %select_n3A_20 : i32
    %ne3A_22 = arith.constant 0 : i32
    %ne3A_23 = arith.cmpi ne, %rem3A_21, %ne3A_22 : i32
    %lt3A = arith.constant 0 : i32
    %lt3A_24 = arith.cmpi slt, %rem3A_21, %lt3A : i32
    %lt3A_25 = arith.constant 0 : i32
    %lt3A_26 = arith.cmpi slt, %select_n3A_20, %lt3A_25 : i32
    %ne3A_27 = arith.xori %lt3A_24, %lt3A_26 : i1
    %and3A_28 = arith.andi %ne3A_27, %ne3A_23 : i1
    %add3A_29 = arith.addi %rem3A_21, %select_n3A_20 : i32
    %select_n3A_30 = arith.select %and3A_28, %add3A_29, %rem3A_21 : i32
    %mul3A_31 = arith.constant 64 : i32
    %mul3A_32 = arith.muli %select_n3A_30, %mul3A_31 : i32
    %dma_start3A = arith.constant 0 : i32
    %dma_start3A_33 = arith.constant 0 : i32
    %dma_start3A_34 = tpu.memref_slice %arg4[%select_n3A, %dma_start3A_33] : memref<4x108672xf32, #tpu.memory_space<hbm>> -> memref<1x108672xf32, #tpu.memory_space<hbm>>
    %dma_start3A_35 = tpu.memref_squeeze %dma_start3A_34 : memref<1x108672xf32, #tpu.memory_space<hbm>> -> memref<108672xf32, #tpu.memory_space<hbm>>
    %dma_start3A_36 = tpu.memref_slice %arg12[%dma_start3A] : memref<2x!tpu.dma_semaphore, #tpu.memory_space<semaphore_mem>> -> memref<1x!tpu.dma_semaphore, #tpu.memory_space<semaphore_mem>>
    %dma_start3A_37 = tpu.memref_squeeze %dma_start3A_36 : memref<1x!tpu.dma_semaphore, #tpu.memory_space<semaphore_mem>> -> memref<!tpu.dma_semaphore, #tpu.memory_space<semaphore_mem>>
    %dma_start3A_38 = arith.constant 0 : i32
    %dma_start3A_39 = tpu.memref_slice %arg4[%select_n3A, %dma_start3A_38] : memref<4x108672xf32, #tpu.memory_space<hbm>> -> memref<1x108672xf32, #tpu.memory_space<hbm>>
    %dma_start3A_40 = tpu.memref_squeeze %dma_start3A_39 : memref<1x108672xf32, #tpu.memory_space<hbm>> -> memref<108672xf32, #tpu.memory_space<hbm>>
    tpu.enqueue_dma source(%dma_start3A_40 : memref<108672xf32, #tpu.memory_space<hbm>>) target(%arg6 : memref<108672xf32, #tpu.memory_space<vmem>>) target_semaphore(%dma_start3A_37 : memref<!tpu.dma_semaphore, #tpu.memory_space<semaphore_mem>>)
    %add3A_41 = arith.constant 0 : i32
    %add3A_42 = arith.addi %mul3A_32, %add3A_41 : i32
    %add3A_43 = arith.constant 2 : i32
    %add3A_44 = arith.addi %mul3A_32, %add3A_43 : i32
    %dma_start3A_45 = arith.constant 0 : i32
    %dma_start3A_46 = arith.constant 0 : i32
    %dma_start3A_47 = arith.constant 0 : i32
    %dma_start3A_48 = arith.constant 0 : i32
    %dma_start3A_49 = arith.constant 0 : i32
    %dma_start3A_50 = tpu.memref_slice %arg7[%dma_start3A_45, %dma_start3A_47, %dma_start3A_48, %dma_start3A_49] : memref<2x3x2x512xf32, #tpu.memory_space<vmem>> -> memref<1x3x2x512xf32, #tpu.memory_space<vmem>>
    %dma_start3A_51 = tpu.memref_squeeze %dma_start3A_50 : memref<1x3x2x512xf32, #tpu.memory_space<vmem>> -> memref<3x2x512xf32, #tpu.memory_space<vmem>>
    %dma_start3A_52 = arith.constant 0 : i32
    %dma_start3A_53 = arith.constant 0 : i32
    %dma_start3A_54 = tpu.memref_slice %arg2[%select_n3A, %dma_start3A_52, %add3A_42, %dma_start3A_53] : memref<4x3x512x512xf32, #tpu.memory_space<hbm>> -> memref<1x3x2x512xf32, #tpu.memory_space<hbm>>
    %dma_start3A_55 = tpu.memref_squeeze %dma_start3A_54 : memref<1x3x2x512xf32, #tpu.memory_space<hbm>> -> memref<3x2x512xf32, #tpu.memory_space<hbm>>
    %dma_start3A_56 = tpu.memref_slice %arg10[%dma_start3A_46] : memref<2x!tpu.dma_semaphore, #tpu.memory_space<semaphore_mem>> -> memref<1x!tpu.dma_semaphore, #tpu.memory_space<semaphore_mem>>
    %dma_start3A_57 = tpu.memref_squeeze %dma_start3A_56 : memref<1x!tpu.dma_semaphore, #tpu.memory_space<semaphore_mem>> -> memref<!tpu.dma_semaphore, #tpu.memory_space<semaphore_mem>>
    %dma_start3A_58 = arith.constant 0 : i32
    %dma_start3A_59 = arith.constant 0 : i32
    %dma_start3A_60 = arith.constant 0 : i32
    %dma_start3A_61 = tpu.memref_slice %arg7[%dma_start3A_45, %dma_start3A_58, %dma_start3A_59, %dma_start3A_60] : memref<2x3x2x512xf32, #tpu.memory_space<vmem>> -> memref<1x3x2x512xf32, #tpu.memory_space<vmem>>
    %dma_start3A_62 = tpu.memref_squeeze %dma_start3A_61 : memref<1x3x2x512xf32, #tpu.memory_space<vmem>> -> memref<3x2x512xf32, #tpu.memory_space<vmem>>
    %dma_start3A_63 = arith.constant 0 : i32
    %dma_start3A_64 = arith.constant 0 : i32
    %dma_start3A_65 = tpu.memref_slice %arg2[%select_n3A, %dma_start3A_63, %add3A_42, %dma_start3A_64] : memref<4x3x512x512xf32, #tpu.memory_space<hbm>> -> memref<1x3x2x512xf32, #tpu.memory_space<hbm>>
    %dma_start3A_66 = tpu.memref_squeeze %dma_start3A_65 : memref<1x3x2x512xf32, #tpu.memory_space<hbm>> -> memref<3x2x512xf32, #tpu.memory_space<hbm>>
    tpu.enqueue_dma source(%dma_start3A_66 : memref<3x2x512xf32, #tpu.memory_space<hbm>>) target(%dma_start3A_62 : memref<3x2x512xf32, #tpu.memory_space<vmem>>) target_semaphore(%dma_start3A_57 : memref<!tpu.dma_semaphore, #tpu.memory_space<semaphore_mem>>)
    %dma_start3A_67 = arith.constant 0 : i32
    %dma_start3A_68 = arith.constant 0 : i32
    %dma_start3A_69 = arith.constant 0 : i32
    %dma_start3A_70 = arith.constant 0 : i32
    %dma_start3A_71 = arith.constant 0 : i32
    %dma_start3A_72 = tpu.memref_slice %arg8[%dma_start3A_68, %dma_start3A_70, %dma_start3A_71] : memref<2x2x512xf32, #tpu.memory_space<vmem>> -> memref<1x2x512xf32, #tpu.memory_space<vmem>>
    %dma_start3A_73 = tpu.memref_squeeze %dma_start3A_72 : memref<1x2x512xf32, #tpu.memory_space<vmem>> -> memref<2x512xf32, #tpu.memory_space<vmem>>
    %dma_start3A_74 = arith.constant 0 : i32
    %dma_start3A_75 = tpu.memref_slice %arg3[%select_n3A, %dma_start3A_67, %add3A_42, %dma_start3A_74] : memref<4x1x512x512xf32, #tpu.memory_space<hbm>> -> memref<1x1x2x512xf32, #tpu.memory_space<hbm>>
    %dma_start3A_76 = tpu.memref_squeeze %dma_start3A_75 : memref<1x1x2x512xf32, #tpu.memory_space<hbm>> -> memref<2x512xf32, #tpu.memory_space<hbm>>
    %dma_start3A_77 = tpu.memref_slice %arg11[%dma_start3A_69] : memref<2x!tpu.dma_semaphore, #tpu.memory_space<semaphore_mem>> -> memref<1x!tpu.dma_semaphore, #tpu.memory_space<semaphore_mem>>
    %dma_start3A_78 = tpu.memref_squeeze %dma_start3A_77 : memref<1x!tpu.dma_semaphore, #tpu.memory_space<semaphore_mem>> -> memref<!tpu.dma_semaphore, #tpu.memory_space<semaphore_mem>>
    %dma_start3A_79 = arith.constant 0 : i32
    %dma_start3A_80 = arith.constant 0 : i32
    %dma_start3A_81 = tpu.memref_slice %arg8[%dma_start3A_68, %dma_start3A_79, %dma_start3A_80] : memref<2x2x512xf32, #tpu.memory_space<vmem>> -> memref<1x2x512xf32, #tpu.memory_space<vmem>>
    %dma_start3A_82 = tpu.memref_squeeze %dma_start3A_81 : memref<1x2x512xf32, #tpu.memory_space<vmem>> -> memref<2x512xf32, #tpu.memory_space<vmem>>
    %dma_start3A_83 = arith.constant 0 : i32
    %dma_start3A_84 = tpu.memref_slice %arg3[%select_n3A, %dma_start3A_67, %add3A_42, %dma_start3A_83] : memref<4x1x512x512xf32, #tpu.memory_space<hbm>> -> memref<1x1x2x512xf32, #tpu.memory_space<hbm>>
    %dma_start3A_85 = tpu.memref_squeeze %dma_start3A_84 : memref<1x1x2x512xf32, #tpu.memory_space<hbm>> -> memref<2x512xf32, #tpu.memory_space<hbm>>
    tpu.enqueue_dma source(%dma_start3A_85 : memref<2x512xf32, #tpu.memory_space<hbm>>) target(%dma_start3A_82 : memref<2x512xf32, #tpu.memory_space<vmem>>) target_semaphore(%dma_start3A_78 : memref<!tpu.dma_semaphore, #tpu.memory_space<semaphore_mem>>)
    %dma_start3A_86 = arith.constant 1 : i32
    %dma_start3A_87 = arith.constant 1 : i32
    %dma_start3A_88 = arith.constant 0 : i32
    %dma_start3A_89 = arith.constant 0 : i32
    %dma_start3A_90 = arith.constant 0 : i32
    %dma_start3A_91 = tpu.memref_slice %arg7[%dma_start3A_86, %dma_start3A_88, %dma_start3A_89, %dma_start3A_90] : memref<2x3x2x512xf32, #tpu.memory_space<vmem>> -> memref<1x3x2x512xf32, #tpu.memory_space<vmem>>
    %dma_start3A_92 = tpu.memref_squeeze %dma_start3A_91 : memref<1x3x2x512xf32, #tpu.memory_space<vmem>> -> memref<3x2x512xf32, #tpu.memory_space<vmem>>
    %dma_start3A_93 = arith.constant 0 : i32
    %dma_start3A_94 = arith.constant 0 : i32
    %dma_start3A_95 = tpu.memref_slice %arg2[%select_n3A, %dma_start3A_93, %add3A_44, %dma_start3A_94] : memref<4x3x512x512xf32, #tpu.memory_space<hbm>> -> memref<1x3x2x512xf32, #tpu.memory_space<hbm>>
    %dma_start3A_96 = tpu.memref_squeeze %dma_start3A_95 : memref<1x3x2x512xf32, #tpu.memory_space<hbm>> -> memref<3x2x512xf32, #tpu.memory_space<hbm>>
    %dma_start3A_97 = tpu.memref_slice %arg10[%dma_start3A_87] : memref<2x!tpu.dma_semaphore, #tpu.memory_space<semaphore_mem>> -> memref<1x!tpu.dma_semaphore, #tpu.memory_space<semaphore_mem>>
    %dma_start3A_98 = tpu.memref_squeeze %dma_start3A_97 : memref<1x!tpu.dma_semaphore, #tpu.memory_space<semaphore_mem>> -> memref<!tpu.dma_semaphore, #tpu.memory_space<semaphore_mem>>
    %dma_start3A_99 = arith.constant 0 : i32
    %dma_start3A_100 = arith.constant 0 : i32
    %dma_start3A_101 = arith.constant 0 : i32
    %dma_start3A_102 = tpu.memref_slice %arg7[%dma_start3A_86, %dma_start3A_99, %dma_start3A_100, %dma_start3A_101] : memref<2x3x2x512xf32, #tpu.memory_space<vmem>> -> memref<1x3x2x512xf32, #tpu.memory_space<vmem>>
    %dma_start3A_103 = tpu.memref_squeeze %dma_start3A_102 : memref<1x3x2x512xf32, #tpu.memory_space<vmem>> -> memref<3x2x512xf32, #tpu.memory_space<vmem>>
    %dma_start3A_104 = arith.constant 0 : i32
    %dma_start3A_105 = arith.constant 0 : i32
    %dma_start3A_106 = tpu.memref_slice %arg2[%select_n3A, %dma_start3A_104, %add3A_44, %dma_start3A_105] : memref<4x3x512x512xf32, #tpu.memory_space<hbm>> -> memref<1x3x2x512xf32, #tpu.memory_space<hbm>>
    %dma_start3A_107 = tpu.memref_squeeze %dma_start3A_106 : memref<1x3x2x512xf32, #tpu.memory_space<hbm>> -> memref<3x2x512xf32, #tpu.memory_space<hbm>>
    tpu.enqueue_dma source(%dma_start3A_107 : memref<3x2x512xf32, #tpu.memory_space<hbm>>) target(%dma_start3A_103 : memref<3x2x512xf32, #tpu.memory_space<vmem>>) target_semaphore(%dma_start3A_98 : memref<!tpu.dma_semaphore, #tpu.memory_space<semaphore_mem>>)
    %dma_start3A_108 = arith.constant 0 : i32
    %dma_start3A_109 = arith.constant 1 : i32
    %dma_start3A_110 = arith.constant 1 : i32
    %dma_start3A_111 = arith.constant 0 : i32
    %dma_start3A_112 = arith.constant 0 : i32
    %dma_start3A_113 = tpu.memref_slice %arg8[%dma_start3A_109, %dma_start3A_111, %dma_start3A_112] : memref<2x2x512xf32, #tpu.memory_space<vmem>> -> memref<1x2x512xf32, #tpu.memory_space<vmem>>
    %dma_start3A_114 = tpu.memref_squeeze %dma_start3A_113 : memref<1x2x512xf32, #tpu.memory_space<vmem>> -> memref<2x512xf32, #tpu.memory_space<vmem>>
    %dma_start3A_115 = arith.constant 0 : i32
    %dma_start3A_116 = tpu.memref_slice %arg3[%select_n3A, %dma_start3A_108, %add3A_44, %dma_start3A_115] : memref<4x1x512x512xf32, #tpu.memory_space<hbm>> -> memref<1x1x2x512xf32, #tpu.memory_space<hbm>>
    %dma_start3A_117 = tpu.memref_squeeze %dma_start3A_116 : memref<1x1x2x512xf32, #tpu.memory_space<hbm>> -> memref<2x512xf32, #tpu.memory_space<hbm>>
    %dma_start3A_118 = tpu.memref_slice %arg11[%dma_start3A_110] : memref<2x!tpu.dma_semaphore, #tpu.memory_space<semaphore_mem>> -> memref<1x!tpu.dma_semaphore, #tpu.memory_space<semaphore_mem>>
    %dma_start3A_119 = tpu.memref_squeeze %dma_start3A_118 : memref<1x!tpu.dma_semaphore, #tpu.memory_space<semaphore_mem>> -> memref<!tpu.dma_semaphore, #tpu.memory_space<semaphore_mem>>
    %dma_start3A_120 = arith.constant 0 : i32
    %dma_start3A_121 = arith.constant 0 : i32
    %dma_start3A_122 = tpu.memref_slice %arg8[%dma_start3A_109, %dma_start3A_120, %dma_start3A_121] : memref<2x2x512xf32, #tpu.memory_space<vmem>> -> memref<1x2x512xf32, #tpu.memory_space<vmem>>
    %dma_start3A_123 = tpu.memref_squeeze %dma_start3A_122 : memref<1x2x512xf32, #tpu.memory_space<vmem>> -> memref<2x512xf32, #tpu.memory_space<vmem>>
    %dma_start3A_124 = arith.constant 0 : i32
    %dma_start3A_125 = tpu.memref_slice %arg3[%select_n3A, %dma_start3A_108, %add3A_44, %dma_start3A_124] : memref<4x1x512x512xf32, #tpu.memory_space<hbm>> -> memref<1x1x2x512xf32, #tpu.memory_space<hbm>>
    %dma_start3A_126 = tpu.memref_squeeze %dma_start3A_125 : memref<1x1x2x512xf32, #tpu.memory_space<hbm>> -> memref<2x512xf32, #tpu.memory_space<hbm>>
    tpu.enqueue_dma source(%dma_start3A_126 : memref<2x512xf32, #tpu.memory_space<hbm>>) target(%dma_start3A_123 : memref<2x512xf32, #tpu.memory_space<vmem>>) target_semaphore(%dma_start3A_119 : memref<!tpu.dma_semaphore, #tpu.memory_space<semaphore_mem>>)
    %dma_wait3A = arith.constant 0 : i32
    %dma_wait3A_127 = arith.constant 0 : i32
    %dma_wait3A_128 = tpu.memref_slice %arg4[%select_n3A, %dma_wait3A_127] : memref<4x108672xf32, #tpu.memory_space<hbm>> -> memref<1x108672xf32, #tpu.memory_space<hbm>>
    %dma_wait3A_129 = tpu.memref_squeeze %dma_wait3A_128 : memref<1x108672xf32, #tpu.memory_space<hbm>> -> memref<108672xf32, #tpu.memory_space<hbm>>
    %dma_wait3A_130 = tpu.memref_slice %arg12[%dma_wait3A] : memref<2x!tpu.dma_semaphore, #tpu.memory_space<semaphore_mem>> -> memref<1x!tpu.dma_semaphore, #tpu.memory_space<semaphore_mem>>
    %dma_wait3A_131 = tpu.memref_squeeze %dma_wait3A_130 : memref<1x!tpu.dma_semaphore, #tpu.memory_space<semaphore_mem>> -> memref<!tpu.dma_semaphore, #tpu.memory_space<semaphore_mem>>
    %dma_wait3A_132 = arith.constant 0 : i32
    %dma_wait3A_133 = tpu.memref_slice %arg4[%select_n3A, %dma_wait3A_132] : memref<4x108672xf32, #tpu.memory_space<hbm>> -> memref<1x108672xf32, #tpu.memory_space<hbm>>
    %dma_wait3A_134 = tpu.memref_squeeze %dma_wait3A_133 : memref<1x108672xf32, #tpu.memory_space<hbm>> -> memref<108672xf32, #tpu.memory_space<hbm>>
    tpu.wait_dma2 semaphore(%dma_wait3A_131 : memref<!tpu.dma_semaphore, #tpu.memory_space<semaphore_mem>>) src(%dma_wait3A_134 : memref<108672xf32, #tpu.memory_space<hbm>>) dst(%arg6 : memref<108672xf32, #tpu.memory_space<vmem>>)
    %scan3A = arith.constant 0 : i32
    %scan3A_135 = arith.constant 16 : i32
    %scan3A_136 = arith.addi %scan3A, %scan3A_135 : i32
    %scan3A_137 = arith.constant 1 : i32
    scf.for %scan3A_187 = %scan3A to %scan3A_136 step %scan3A_137  : i32 {
      %mul3A_188 = arith.constant 2 : i32
      %mul3A_189 = arith.muli %scan3A_187, %mul3A_188 : i32
      %add3A_190 = arith.constant 0 : i32
      %add3A_191 = arith.addi %add3A_190, %mul3A_189 : i32
      %add3A_192 = arith.constant 0 : i32
      %add3A_193 = arith.addi %add3A_191, %add3A_192 : i32
      %mul3A_194 = arith.constant 2 : i32
      %mul3A_195 = arith.muli %add3A_193, %mul3A_194 : i32
      %add3A_196 = arith.addi %mul3A_32, %mul3A_195 : i32
      %dma_wait3A_197 = arith.constant 0 : i32
      %dma_wait3A_198 = arith.constant 0 : i32
      %dma_wait3A_199 = arith.constant 0 : i32
      %dma_wait3A_200 = arith.constant 0 : i32
      %dma_wait3A_201 = arith.constant 0 : i32
      %dma_wait3A_202 = tpu.memref_slice %arg7[%dma_wait3A_197, %dma_wait3A_199, %dma_wait3A_200, %dma_wait3A_201] : memref<2x3x2x512xf32, #tpu.memory_space<vmem>> -> memref<1x3x2x512xf32, #tpu.memory_space<vmem>>
      %dma_wait3A_203 = tpu.memref_squeeze %dma_wait3A_202 : memref<1x3x2x512xf32, #tpu.memory_space<vmem>> -> memref<3x2x512xf32, #tpu.memory_space<vmem>>
      %dma_wait3A_204 = arith.constant 0 : i32
      %dma_wait3A_205 = arith.constant 0 : i32
      %dma_wait3A_206 = tpu.memref_slice %arg2[%select_n3A, %dma_wait3A_204, %add3A_196, %dma_wait3A_205] : memref<4x3x512x512xf32, #tpu.memory_space<hbm>> -> memref<1x3x2x512xf32, #tpu.memory_space<hbm>>
      %dma_wait3A_207 = tpu.memref_squeeze %dma_wait3A_206 : memref<1x3x2x512xf32, #tpu.memory_space<hbm>> -> memref<3x2x512xf32, #tpu.memory_space<hbm>>
      %dma_wait3A_208 = tpu.memref_slice %arg10[%dma_wait3A_198] : memref<2x!tpu.dma_semaphore, #tpu.memory_space<semaphore_mem>> -> memref<1x!tpu.dma_semaphore, #tpu.memory_space<semaphore_mem>>
      %dma_wait3A_209 = tpu.memref_squeeze %dma_wait3A_208 : memref<1x!tpu.dma_semaphore, #tpu.memory_space<semaphore_mem>> -> memref<!tpu.dma_semaphore, #tpu.memory_space<semaphore_mem>>
      %dma_wait3A_210 = arith.constant 0 : i32
      %dma_wait3A_211 = arith.constant 0 : i32
      %dma_wait3A_212 = arith.constant 0 : i32
      %dma_wait3A_213 = tpu.memref_slice %arg7[%dma_wait3A_197, %dma_wait3A_210, %dma_wait3A_211, %dma_wait3A_212] : memref<2x3x2x512xf32, #tpu.memory_space<vmem>> -> memref<1x3x2x512xf32, #tpu.memory_space<vmem>>
      %dma_wait3A_214 = tpu.memref_squeeze %dma_wait3A_213 : memref<1x3x2x512xf32, #tpu.memory_space<vmem>> -> memref<3x2x512xf32, #tpu.memory_space<vmem>>
      %dma_wait3A_215 = arith.constant 0 : i32
      %dma_wait3A_216 = arith.constant 0 : i32
      %dma_wait3A_217 = tpu.memref_slice %arg2[%select_n3A, %dma_wait3A_215, %add3A_196, %dma_wait3A_216] : memref<4x3x512x512xf32, #tpu.memory_space<hbm>> -> memref<1x3x2x512xf32, #tpu.memory_space<hbm>>
      %dma_wait3A_218 = tpu.memref_squeeze %dma_wait3A_217 : memref<1x3x2x512xf32, #tpu.memory_space<hbm>> -> memref<3x2x512xf32, #tpu.memory_space<hbm>>
      tpu.wait_dma2 semaphore(%dma_wait3A_209 : memref<!tpu.dma_semaphore, #tpu.memory_space<semaphore_mem>>) src(%dma_wait3A_218 : memref<3x2x512xf32, #tpu.memory_space<hbm>>) dst(%dma_wait3A_214 : memref<3x2x512xf32, #tpu.memory_space<vmem>>)
      %dma_wait3A_219 = arith.constant 0 : i32
      %dma_wait3A_220 = arith.constant 0 : i32
      %dma_wait3A_221 = arith.constant 0 : i32
      %dma_wait3A_222 = arith.constant 0 : i32
      %dma_wait3A_223 = arith.constant 0 : i32
      %dma_wait3A_224 = tpu.memref_slice %arg8[%dma_wait3A_220, %dma_wait3A_222, %dma_wait3A_223] : memref<2x2x512xf32, #tpu.memory_space<vmem>> -> memref<1x2x512xf32, #tpu.memory_space<vmem>>
      %dma_wait3A_225 = tpu.memref_squeeze %dma_wait3A_224 : memref<1x2x512xf32, #tpu.memory_space<vmem>> -> memref<2x512xf32, #tpu.memory_space<vmem>>
      %dma_wait3A_226 = arith.constant 0 : i32
      %dma_wait3A_227 = tpu.memref_slice %arg3[%select_n3A, %dma_wait3A_219, %add3A_196, %dma_wait3A_226] : memref<4x1x512x512xf32, #tpu.memory_space<hbm>> -> memref<1x1x2x512xf32, #tpu.memory_space<hbm>>
      %dma_wait3A_228 = tpu.memref_squeeze %dma_wait3A_227 : memref<1x1x2x512xf32, #tpu.memory_space<hbm>> -> memref<2x512xf32, #tpu.memory_space<hbm>>
      %dma_wait3A_229 = tpu.memref_slice %arg11[%dma_wait3A_221] : memref<2x!tpu.dma_semaphore, #tpu.memory_space<semaphore_mem>> -> memref<1x!tpu.dma_semaphore, #tpu.memory_space<semaphore_mem>>
      %dma_wait3A_230 = tpu.memref_squeeze %dma_wait3A_229 : memref<1x!tpu.dma_semaphore, #tpu.memory_space<semaphore_mem>> -> memref<!tpu.dma_semaphore, #tpu.memory_space<semaphore_mem>>
      %dma_wait3A_231 = arith.constant 0 : i32
      %dma_wait3A_232 = arith.constant 0 : i32
      %dma_wait3A_233 = tpu.memref_slice %arg8[%dma_wait3A_220, %dma_wait3A_231, %dma_wait3A_232] : memref<2x2x512xf32, #tpu.memory_space<vmem>> -> memref<1x2x512xf32, #tpu.memory_space<vmem>>
      %dma_wait3A_234 = tpu.memref_squeeze %dma_wait3A_233 : memref<1x2x512xf32, #tpu.memory_space<vmem>> -> memref<2x512xf32, #tpu.memory_space<vmem>>
      %dma_wait3A_235 = arith.constant 0 : i32
      %dma_wait3A_236 = tpu.memref_slice %arg3[%select_n3A, %dma_wait3A_219, %add3A_196, %dma_wait3A_235] : memref<4x1x512x512xf32, #tpu.memory_space<hbm>> -> memref<1x1x2x512xf32, #tpu.memory_space<hbm>>
      %dma_wait3A_237 = tpu.memref_squeeze %dma_wait3A_236 : memref<1x1x2x512xf32, #tpu.memory_space<hbm>> -> memref<2x512xf32, #tpu.memory_space<hbm>>
      tpu.wait_dma2 semaphore(%dma_wait3A_230 : memref<!tpu.dma_semaphore, #tpu.memory_space<semaphore_mem>>) src(%dma_wait3A_237 : memref<2x512xf32, #tpu.memory_space<hbm>>) dst(%dma_wait3A_234 : memref<2x512xf32, #tpu.memory_space<vmem>>)
      %ge3A = arith.constant 2 : i32
      %ge3A_238 = arith.cmpi sge, %add3A_193, %ge3A : i32
      %convert_element_type3A = arith.extui %ge3A_238 : i1 to i32
      %cond3A = arith.constant 0 : i32
      %cond3A_239 = arith.cmpi ne, %convert_element_type3A, %cond3A : i32
      scf.if %cond3A_239 {
        %sub3A_375 = arith.constant 2 : i32
        %sub3A_376 = arith.subi %add3A_193, %sub3A_375 : i32
        %mul3A_377 = arith.constant 2 : i32
        %mul3A_378 = arith.muli %sub3A_376, %mul3A_377 : i32
        %add3A_379 = arith.addi %mul3A_32, %mul3A_378 : i32
        %dma_wait3A_380 = arith.constant 0 : i32
        %dma_wait3A_381 = arith.constant 0 : i32
        %dma_wait3A_382 = arith.constant 0 : i32
        %dma_wait3A_383 = arith.constant 0 : i32
        %dma_wait3A_384 = arith.constant 0 : i32
        %dma_wait3A_385 = tpu.memref_slice %arg9[%dma_wait3A_380, %dma_wait3A_382, %dma_wait3A_383, %dma_wait3A_384] : memref<2x3x2x512xf32, #tpu.memory_space<vmem>> -> memref<1x3x2x512xf32, #tpu.memory_space<vmem>>
        %dma_wait3A_386 = tpu.memref_squeeze %dma_wait3A_385 : memref<1x3x2x512xf32, #tpu.memory_space<vmem>> -> memref<3x2x512xf32, #tpu.memory_space<vmem>>
        %dma_wait3A_387 = arith.constant 0 : i32
        %dma_wait3A_388 = arith.constant 0 : i32
        %dma_wait3A_389 = tpu.memref_slice %arg5[%select_n3A, %dma_wait3A_387, %add3A_379, %dma_wait3A_388] : memref<4x3x512x512xf32, #tpu.memory_space<hbm>> -> memref<1x3x2x512xf32, #tpu.memory_space<hbm>>
        %dma_wait3A_390 = tpu.memref_squeeze %dma_wait3A_389 : memref<1x3x2x512xf32, #tpu.memory_space<hbm>> -> memref<3x2x512xf32, #tpu.memory_space<hbm>>
        %dma_wait3A_391 = tpu.memref_slice %arg12[%dma_wait3A_381] : memref<2x!tpu.dma_semaphore, #tpu.memory_space<semaphore_mem>> -> memref<1x!tpu.dma_semaphore, #tpu.memory_space<semaphore_mem>>
        %dma_wait3A_392 = tpu.memref_squeeze %dma_wait3A_391 : memref<1x!tpu.dma_semaphore, #tpu.memory_space<semaphore_mem>> -> memref<!tpu.dma_semaphore, #tpu.memory_space<semaphore_mem>>
        %dma_wait3A_393 = arith.constant 0 : i32
        %dma_wait3A_394 = arith.constant 0 : i32
        %dma_wait3A_395 = tpu.memref_slice %arg5[%select_n3A, %dma_wait3A_393, %add3A_379, %dma_wait3A_394] : memref<4x3x512x512xf32, #tpu.memory_space<hbm>> -> memref<1x3x2x512xf32, #tpu.memory_space<hbm>>
        %dma_wait3A_396 = tpu.memref_squeeze %dma_wait3A_395 : memref<1x3x2x512xf32, #tpu.memory_space<hbm>> -> memref<3x2x512xf32, #tpu.memory_space<hbm>>
        %dma_wait3A_397 = arith.constant 0 : i32
        %dma_wait3A_398 = arith.constant 0 : i32
        %dma_wait3A_399 = arith.constant 0 : i32
        %dma_wait3A_400 = tpu.memref_slice %arg9[%dma_wait3A_380, %dma_wait3A_397, %dma_wait3A_398, %dma_wait3A_399] : memref<2x3x2x512xf32, #tpu.memory_space<vmem>> -> memref<1x3x2x512xf32, #tpu.memory_space<vmem>>
        %dma_wait3A_401 = tpu.memref_squeeze %dma_wait3A_400 : memref<1x3x2x512xf32, #tpu.memory_space<vmem>> -> memref<3x2x512xf32, #tpu.memory_space<vmem>>
        tpu.wait_dma2 semaphore(%dma_wait3A_392 : memref<!tpu.dma_semaphore, #tpu.memory_space<semaphore_mem>>) src(%dma_wait3A_401 : memref<3x2x512xf32, #tpu.memory_space<vmem>>) dst(%dma_wait3A_396 : memref<3x2x512xf32, #tpu.memory_space<hbm>>)
      } else {
      }
      %scan3A_240 = arith.constant 0 : i32
      %scan3A_241 = arith.constant 32 : i32
      %scan3A_242 = arith.addi %scan3A_240, %scan3A_241 : i32
      %scan3A_243 = arith.constant 1 : i32
      scf.for %scan3A_375 = %scan3A_240 to %scan3A_242 step %scan3A_243  : i32 {
        %mul3A_376 = arith.constant 16 : i32
        %mul3A_377 = arith.muli %scan3A_375, %mul3A_376 : i32
        %add3A_378 = arith.constant 0 : i32
        %add3A_379 = arith.addi %add3A_378, %mul3A_377 : i32
        %get3A = arith.constant 0 : i32
        %get3A_380 = arith.constant 0 : i32
        %get3A_381 = arith.constant 0 : i32
        %get3A_382 = arith.index_cast %get3A : i32 to index
        %get3A_383 = arith.index_cast %get3A_380 : i32 to index
        %get3A_384 = arith.index_cast %get3A_381 : i32 to index
        %get3A_385 = arith.index_cast %add3A_379 : i32 to index
        %get3A_386 = tpu.vector_load %arg7[%get3A_382, %get3A_383, %get3A_384, %get3A_385] {strides = array<i32>} : memref<2x3x2x512xf32, #tpu.memory_space<vmem>>, vector<16xf32>,
        %get3A_387 = arith.constant 0 : i32
        %get3A_388 = arith.constant 1 : i32
        %get3A_389 = arith.constant 0 : i32
        %get3A_390 = arith.index_cast %get3A_387 : i32 to index
        %get3A_391 = arith.index_cast %get3A_388 : i32 to index
        %get3A_392 = arith.index_cast %get3A_389 : i32 to index
        %get3A_393 = arith.index_cast %add3A_379 : i32 to index
        %get3A_394 = tpu.vector_load %arg7[%get3A_390, %get3A_391, %get3A_392, %get3A_393] {strides = array<i32>} : memref<2x3x2x512xf32, #tpu.memory_space<vmem>>, vector<16xf32>,
        %get3A_395 = arith.constant 0 : i32
        %get3A_396 = arith.constant 2 : i32
        %get3A_397 = arith.constant 0 : i32
        %get3A_398 = arith.index_cast %get3A_395 : i32 to index
        %get3A_399 = arith.index_cast %get3A_396 : i32 to index
        %get3A_400 = arith.index_cast %get3A_397 : i32 to index
        %get3A_401 = arith.index_cast %add3A_379 : i32 to index
        %get3A_402 = tpu.vector_load %arg7[%get3A_398, %get3A_399, %get3A_400, %get3A_401] {strides = array<i32>} : memref<2x3x2x512xf32, #tpu.memory_space<vmem>>, vector<16xf32>,
        %get3A_403 = arith.constant 0 : i32
        %get3A_404 = arith.constant 0 : i32
        %get3A_405 = arith.index_cast %get3A_403 : i32 to index
        %get3A_406 = arith.index_cast %get3A_404 : i32 to index
        %get3A_407 = arith.index_cast %add3A_379 : i32 to index
        %get3A_408 = tpu.vector_load %arg8[%get3A_405, %get3A_406, %get3A_407] {strides = array<i32>} : memref<2x2x512xf32, #tpu.memory_space<vmem>>, vector<16xf32>,
        %mul3A_409 = arith.constant 31.9999676 : f32
        %mul3A_410 = vector.broadcast %mul3A_409 : f32 to vector<16xf32>
        %mul3A_411 = arith.mulf %get3A_386, %mul3A_410 : vector<16xf32>
        %mul3A_412 = arith.constant 31.9999676 : f32
        %mul3A_413 = vector.broadcast %mul3A_412 : f32 to vector<16xf32>
        %mul3A_414 = arith.mulf %get3A_394, %mul3A_413 : vector<16xf32>
        %mul3A_415 = arith.constant 31.9999676 : f32
        %mul3A_416 = vector.broadcast %mul3A_415 : f32 to vector<16xf32>
        %mul3A_417 = arith.mulf %get3A_402, %mul3A_416 : vector<16xf32>
        %convert_element_type3A_418 = arith.fptosi %mul3A_411 : vector<16xf32> to vector<16xi32>
        %convert_element_type3A_419 = arith.fptosi %mul3A_414 : vector<16xf32> to vector<16xi32>
        %convert_element_type3A_420 = arith.fptosi %mul3A_417 : vector<16xf32> to vector<16xi32>
        %convert_element_type3A_421 = arith.sitofp %convert_element_type3A_418 : vector<16xi32> to vector<16xf32>
        %sub3A_422 = arith.subf %mul3A_411, %convert_element_type3A_421 : vector<16xf32>
        %convert_element_type3A_423 = arith.sitofp %convert_element_type3A_419 : vector<16xi32> to vector<16xf32>
        %sub3A_424 = arith.subf %mul3A_414, %convert_element_type3A_423 : vector<16xf32>
        %convert_element_type3A_425 = arith.sitofp %convert_element_type3A_420 : vector<16xi32> to vector<16xf32>
        %sub3A_426 = arith.subf %mul3A_417, %convert_element_type3A_425 : vector<16xf32>
        %sub3A_427 = arith.constant 1.000000e+00 : f32
        %sub3A_428 = vector.broadcast %sub3A_427 : f32 to vector<16xf32>
        %sub3A_429 = arith.subf %sub3A_428, %sub3A_422 : vector<16xf32>
        %sub3A_430 = arith.constant 1.000000e+00 : f32
        %sub3A_431 = vector.broadcast %sub3A_430 : f32 to vector<16xf32>
        %sub3A_432 = arith.subf %sub3A_431, %sub3A_424 : vector<16xf32>
        %sub3A_433 = arith.constant 1.000000e+00 : f32
        %sub3A_434 = vector.broadcast %sub3A_433 : f32 to vector<16xf32>
        %sub3A_435 = arith.subf %sub3A_434, %sub3A_426 : vector<16xf32>
        %mul3A_436 = arith.mulf %sub3A_429, %sub3A_432 : vector<16xf32>
        %mul3A_437 = arith.mulf %sub3A_422, %sub3A_432 : vector<16xf32>
        %mul3A_438 = arith.mulf %sub3A_429, %sub3A_424 : vector<16xf32>
        %mul3A_439 = arith.mulf %sub3A_422, %sub3A_424 : vector<16xf32>
        %mul3A_440 = arith.mulf %mul3A_436, %sub3A_435 : vector<16xf32>
        %mul3A_441 = arith.mulf %mul3A_437, %sub3A_435 : vector<16xf32>
        %mul3A_442 = arith.mulf %mul3A_438, %sub3A_435 : vector<16xf32>
        %mul3A_443 = arith.mulf %mul3A_439, %sub3A_435 : vector<16xf32>
        %mul3A_444 = arith.mulf %mul3A_436, %sub3A_426 : vector<16xf32>
        %mul3A_445 = arith.mulf %mul3A_437, %sub3A_426 : vector<16xf32>
        %mul3A_446 = arith.mulf %mul3A_438, %sub3A_426 : vector<16xf32>
        %mul3A_447 = arith.mulf %mul3A_439, %sub3A_426 : vector<16xf32>
        %mul3A_448 = arith.constant 33 : i32
        %mul3A_449 = vector.broadcast %mul3A_448 : i32 to vector<16xi32>
        %mul3A_450 = arith.muli %convert_element_type3A_419, %mul3A_449 : vector<16xi32>
        %add3A_451 = arith.addi %convert_element_type3A_418, %mul3A_450 : vector<16xi32>
        %mul3A_452 = arith.constant 1089 : i32
        %mul3A_453 = vector.broadcast %mul3A_452 : i32 to vector<16xi32>
        %mul3A_454 = arith.muli %convert_element_type3A_420, %mul3A_453 : vector<16xi32>
        %add3A_455 = arith.addi %add3A_451, %mul3A_454 : vector<16xi32>
        %add3A_456 = arith.constant 1 : i32
        %add3A_457 = vector.broadcast %add3A_456 : i32 to vector<16xi32>
        %add3A_458 = arith.addi %add3A_455, %add3A_457 : vector<16xi32>
        %add3A_459 = arith.constant 33 : i32
        %add3A_460 = vector.broadcast %add3A_459 : i32 to vector<16xi32>
        %add3A_461 = arith.addi %add3A_455, %add3A_460 : vector<16xi32>
        %add3A_462 = arith.constant 34 : i32
        %add3A_463 = vector.broadcast %add3A_462 : i32 to vector<16xi32>
        %add3A_464 = arith.addi %add3A_455, %add3A_463 : vector<16xi32>
        %add3A_465 = arith.constant 1089 : i32
        %add3A_466 = vector.broadcast %add3A_465 : i32 to vector<16xi32>
        %add3A_467 = arith.addi %add3A_455, %add3A_466 : vector<16xi32>
        %add3A_468 = arith.constant 1090 : i32
        %add3A_469 = vector.broadcast %add3A_468 : i32 to vector<16xi32>
        %add3A_470 = arith.addi %add3A_455, %add3A_469 : vector<16xi32>
        %add3A_471 = arith.constant 1122 : i32
        %add3A_472 = vector.broadcast %add3A_471 : i32 to vector<16xi32>
        %add3A_473 = arith.addi %add3A_455, %add3A_472 : vector<16xi32>
        %add3A_474 = arith.constant 1123 : i32
        %add3A_475 = vector.broadcast %add3A_474 : i32 to vector<16xi32>
        %add3A_476 = arith.addi %add3A_455, %add3A_475 : vector<16xi32>
        %sub3A_477 = arith.constant 1.000000e+00 : f32
        %sub3A_478 = vector.broadcast %sub3A_477 : f32 to vector<16xf32>
        %sub3A_479 = arith.subf %sub3A_478, %get3A_408 : vector<16xf32>
        %gather3A = arith.constant 0 : i32
        %gather3A_480 = tpu.memref_slice %arg6[%gather3A] : memref<108672xf32, #tpu.memory_space<vmem>> -> memref<36224xf32, #tpu.memory_space<vmem>>
        %gather3A_481 = tpu.vector_load_idx %gather3A_480[%add3A_455] : memref<36224xf32, #tpu.memory_space<vmem>>[vector<16xi32>], vector<16xf32>,
        %gather3A_482 = arith.constant 0 : i32
        %gather3A_483 = tpu.memref_slice %arg6[%gather3A_482] : memref<108672xf32, #tpu.memory_space<vmem>> -> memref<36224xf32, #tpu.memory_space<vmem>>
        %gather3A_484 = tpu.vector_load_idx %gather3A_483[%add3A_458] : memref<36224xf32, #tpu.memory_space<vmem>>[vector<16xi32>], vector<16xf32>,
        %gather3A_485 = arith.constant 0 : i32
        %gather3A_486 = tpu.memref_slice %arg6[%gather3A_485] : memref<108672xf32, #tpu.memory_space<vmem>> -> memref<36224xf32, #tpu.memory_space<vmem>>
        %gather3A_487 = tpu.vector_load_idx %gather3A_486[%add3A_461] : memref<36224xf32, #tpu.memory_space<vmem>>[vector<16xi32>], vector<16xf32>,
        %gather3A_488 = arith.constant 0 : i32
        %gather3A_489 = tpu.memref_slice %arg6[%gather3A_488] : memref<108672xf32, #tpu.memory_space<vmem>> -> memref<36224xf32, #tpu.memory_space<vmem>>
        %gather3A_490 = tpu.vector_load_idx %gather3A_489[%add3A_464] : memref<36224xf32, #tpu.memory_space<vmem>>[vector<16xi32>], vector<16xf32>,
        %gather3A_491 = arith.constant 0 : i32
        %gather3A_492 = tpu.memref_slice %arg6[%gather3A_491] : memref<108672xf32, #tpu.memory_space<vmem>> -> memref<36224xf32, #tpu.memory_space<vmem>>
        %gather3A_493 = tpu.vector_load_idx %gather3A_492[%add3A_467] : memref<36224xf32, #tpu.memory_space<vmem>>[vector<16xi32>], vector<16xf32>,
        %gather3A_494 = arith.constant 0 : i32
        %gather3A_495 = tpu.memref_slice %arg6[%gather3A_494] : memref<108672xf32, #tpu.memory_space<vmem>> -> memref<36224xf32, #tpu.memory_space<vmem>>
        %gather3A_496 = tpu.vector_load_idx %gather3A_495[%add3A_470] : memref<36224xf32, #tpu.memory_space<vmem>>[vector<16xi32>], vector<16xf32>,
        %gather3A_497 = arith.constant 0 : i32
        %gather3A_498 = tpu.memref_slice %arg6[%gather3A_497] : memref<108672xf32, #tpu.memory_space<vmem>> -> memref<36224xf32, #tpu.memory_space<vmem>>
        %gather3A_499 = tpu.vector_load_idx %gather3A_498[%add3A_473] : memref<36224xf32, #tpu.memory_space<vmem>>[vector<16xi32>], vector<16xf32>,
        %gather3A_500 = arith.constant 0 : i32
        %gather3A_501 = tpu.memref_slice %arg6[%gather3A_500] : memref<108672xf32, #tpu.memory_space<vmem>> -> memref<36224xf32, #tpu.memory_space<vmem>>
        %gather3A_502 = tpu.vector_load_idx %gather3A_501[%add3A_476] : memref<36224xf32, #tpu.memory_space<vmem>>[vector<16xi32>], vector<16xf32>,
        %mul3A_503 = arith.mulf %gather3A_481, %mul3A_440 : vector<16xf32>
        %mul3A_504 = arith.mulf %gather3A_484, %mul3A_441 : vector<16xf32>
        %add3A_505 = arith.addf %mul3A_503, %mul3A_504 : vector<16xf32>
        %mul3A_506 = arith.mulf %gather3A_487, %mul3A_442 : vector<16xf32>
        %mul3A_507 = arith.mulf %gather3A_490, %mul3A_443 : vector<16xf32>
        %add3A_508 = arith.addf %mul3A_506, %mul3A_507 : vector<16xf32>
        %add3A_509 = arith.addf %add3A_505, %add3A_508 : vector<16xf32>
        %mul3A_510 = arith.mulf %gather3A_493, %mul3A_444 : vector<16xf32>
        %mul3A_511 = arith.mulf %gather3A_496, %mul3A_445 : vector<16xf32>
        %add3A_512 = arith.addf %mul3A_510, %mul3A_511 : vector<16xf32>
        %mul3A_513 = arith.mulf %gather3A_499, %mul3A_446 : vector<16xf32>
        %mul3A_514 = arith.mulf %gather3A_502, %mul3A_447 : vector<16xf32>
        %add3A_515 = arith.addf %mul3A_513, %mul3A_514 : vector<16xf32>
        %add3A_516 = arith.addf %add3A_512, %add3A_515 : vector<16xf32>
        %add3A_517 = arith.addf %add3A_509, %add3A_516 : vector<16xf32>
        %mul3A_518 = arith.mulf %add3A_517, %get3A_408 : vector<16xf32>
        %mul3A_519 = arith.mulf %get3A_386, %sub3A_479 : vector<16xf32>
        %add3A_520 = arith.addf %mul3A_518, %mul3A_519 : vector<16xf32>
        %swap3A = arith.constant 0 : i32
        %swap3A_521 = arith.constant 0 : i32
        %swap3A_522 = arith.constant 0 : i32
        %swap3A_523 = arith.index_cast %swap3A : i32 to index
        %swap3A_524 = arith.index_cast %swap3A_521 : i32 to index
        %swap3A_525 = arith.index_cast %swap3A_522 : i32 to index
        %swap3A_526 = arith.index_cast %add3A_379 : i32 to index
        %swap3A_527 = tpu.vector_load %arg9[%swap3A_523, %swap3A_524, %swap3A_525, %swap3A_526] {strides = array<i32>} : memref<2x3x2x512xf32, #tpu.memory_space<vmem>>, vector<16xf32>,
        tpu.vector_store %arg9[%swap3A_523, %swap3A_524, %swap3A_525, %swap3A_526], %add3A_520 {strides = array<i32>} : memref<2x3x2x512xf32, #tpu.memory_space<vmem>>, vector<16xf32>,
        %gather3A_528 = arith.constant 36224 : i32
        %gather3A_529 = tpu.memref_slice %arg6[%gather3A_528] : memref<108672xf32, #tpu.memory_space<vmem>> -> memref<36224xf32, #tpu.memory_space<vmem>>
        %gather3A_530 = tpu.vector_load_idx %gather3A_529[%add3A_455] : memref<36224xf32, #tpu.memory_space<vmem>>[vector<16xi32>], vector<16xf32>,
        %gather3A_531 = arith.constant 36224 : i32
        %gather3A_532 = tpu.memref_slice %arg6[%gather3A_531] : memref<108672xf32, #tpu.memory_space<vmem>> -> memref<36224xf32, #tpu.memory_space<vmem>>
        %gather3A_533 = tpu.vector_load_idx %gather3A_532[%add3A_458] : memref<36224xf32, #tpu.memory_space<vmem>>[vector<16xi32>], vector<16xf32>,
        %gather3A_534 = arith.constant 36224 : i32
        %gather3A_535 = tpu.memref_slice %arg6[%gather3A_534] : memref<108672xf32, #tpu.memory_space<vmem>> -> memref<36224xf32, #tpu.memory_space<vmem>>
        %gather3A_536 = tpu.vector_load_idx %gather3A_535[%add3A_461] : memref<36224xf32, #tpu.memory_space<vmem>>[vector<16xi32>], vector<16xf32>,
        %gather3A_537 = arith.constant 36224 : i32
        %gather3A_538 = tpu.memref_slice %arg6[%gather3A_537] : memref<108672xf32, #tpu.memory_space<vmem>> -> memref<36224xf32, #tpu.memory_space<vmem>>
        %gather3A_539 = tpu.vector_load_idx %gather3A_538[%add3A_464] : memref<36224xf32, #tpu.memory_space<vmem>>[vector<16xi32>], vector<16xf32>,
        %gather3A_540 = arith.constant 36224 : i32
        %gather3A_541 = tpu.memref_slice %arg6[%gather3A_540] : memref<108672xf32, #tpu.memory_space<vmem>> -> memref<36224xf32, #tpu.memory_space<vmem>>
        %gather3A_542 = tpu.vector_load_idx %gather3A_541[%add3A_467] : memref<36224xf32, #tpu.memory_space<vmem>>[vector<16xi32>], vector<16xf32>,
        %gather3A_543 = arith.constant 36224 : i32
        %gather3A_544 = tpu.memref_slice %arg6[%gather3A_543] : memref<108672xf32, #tpu.memory_space<vmem>> -> memref<36224xf32, #tpu.memory_space<vmem>>
        %gather3A_545 = tpu.vector_load_idx %gather3A_544[%add3A_470] : memref<36224xf32, #tpu.memory_space<vmem>>[vector<16xi32>], vector<16xf32>,
        %gather3A_546 = arith.constant 36224 : i32
        %gather3A_547 = tpu.memref_slice %arg6[%gather3A_546] : memref<108672xf32, #tpu.memory_space<vmem>> -> memref<36224xf32, #tpu.memory_space<vmem>>
        %gather3A_548 = tpu.vector_load_idx %gather3A_547[%add3A_473] : memref<36224xf32, #tpu.memory_space<vmem>>[vector<16xi32>], vector<16xf32>,
        %gather3A_549 = arith.constant 36224 : i32
        %gather3A_550 = tpu.memref_slice %arg6[%gather3A_549] : memref<108672xf32, #tpu.memory_space<vmem>> -> memref<36224xf32, #tpu.memory_space<vmem>>
        %gather3A_551 = tpu.vector_load_idx %gather3A_550[%add3A_476] : memref<36224xf32, #tpu.memory_space<vmem>>[vector<16xi32>], vector<16xf32>,
        %mul3A_552 = arith.mulf %gather3A_530, %mul3A_440 : vector<16xf32>
        %mul3A_553 = arith.mulf %gather3A_533, %mul3A_441 : vector<16xf32>
        %add3A_554 = arith.addf %mul3A_552, %mul3A_553 : vector<16xf32>
        %mul3A_555 = arith.mulf %gather3A_536, %mul3A_442 : vector<16xf32>
        %mul3A_556 = arith.mulf %gather3A_539, %mul3A_443 : vector<16xf32>
        %add3A_557 = arith.addf %mul3A_555, %mul3A_556 : vector<16xf32>
        %add3A_558 = arith.addf %add3A_554, %add3A_557 : vector<16xf32>
        %mul3A_559 = arith.mulf %gather3A_542, %mul3A_444 : vector<16xf32>
        %mul3A_560 = arith.mulf %gather3A_545, %mul3A_445 : vector<16xf32>
        %add3A_561 = arith.addf %mul3A_559, %mul3A_560 : vector<16xf32>
        %mul3A_562 = arith.mulf %gather3A_548, %mul3A_446 : vector<16xf32>
        %mul3A_563 = arith.mulf %gather3A_551, %mul3A_447 : vector<16xf32>
        %add3A_564 = arith.addf %mul3A_562, %mul3A_563 : vector<16xf32>
        %add3A_565 = arith.addf %add3A_561, %add3A_564 : vector<16xf32>
        %add3A_566 = arith.addf %add3A_558, %add3A_565 : vector<16xf32>
        %mul3A_567 = arith.mulf %add3A_566, %get3A_408 : vector<16xf32>
        %mul3A_568 = arith.mulf %get3A_394, %sub3A_479 : vector<16xf32>
        %add3A_569 = arith.addf %mul3A_567, %mul3A_568 : vector<16xf32>
        %swap3A_570 = arith.constant 0 : i32
        %swap3A_571 = arith.constant 1 : i32
        %swap3A_572 = arith.constant 0 : i32
        %swap3A_573 = arith.index_cast %swap3A_570 : i32 to index
        %swap3A_574 = arith.index_cast %swap3A_571 : i32 to index
        %swap3A_575 = arith.index_cast %swap3A_572 : i32 to index
        %swap3A_576 = arith.index_cast %add3A_379 : i32 to index
        %swap3A_577 = tpu.vector_load %arg9[%swap3A_573, %swap3A_574, %swap3A_575, %swap3A_576] {strides = array<i32>} : memref<2x3x2x512xf32, #tpu.memory_space<vmem>>, vector<16xf32>,
        tpu.vector_store %arg9[%swap3A_573, %swap3A_574, %swap3A_575, %swap3A_576], %add3A_569 {strides = array<i32>} : memref<2x3x2x512xf32, #tpu.memory_space<vmem>>, vector<16xf32>,
        %gather3A_578 = arith.constant 72448 : i32
        %gather3A_579 = tpu.memref_slice %arg6[%gather3A_578] : memref<108672xf32, #tpu.memory_space<vmem>> -> memref<36224xf32, #tpu.memory_space<vmem>>
        %gather3A_580 = tpu.vector_load_idx %gather3A_579[%add3A_455] : memref<36224xf32, #tpu.memory_space<vmem>>[vector<16xi32>], vector<16xf32>,
        %gather3A_581 = arith.constant 72448 : i32
        %gather3A_582 = tpu.memref_slice %arg6[%gather3A_581] : memref<108672xf32, #tpu.memory_space<vmem>> -> memref<36224xf32, #tpu.memory_space<vmem>>
        %gather3A_583 = tpu.vector_load_idx %gather3A_582[%add3A_458] : memref<36224xf32, #tpu.memory_space<vmem>>[vector<16xi32>], vector<16xf32>,
        %gather3A_584 = arith.constant 72448 : i32
        %gather3A_585 = tpu.memref_slice %arg6[%gather3A_584] : memref<108672xf32, #tpu.memory_space<vmem>> -> memref<36224xf32, #tpu.memory_space<vmem>>
        %gather3A_586 = tpu.vector_load_idx %gather3A_585[%add3A_461] : memref<36224xf32, #tpu.memory_space<vmem>>[vector<16xi32>], vector<16xf32>,
        %gather3A_587 = arith.constant 72448 : i32
        %gather3A_588 = tpu.memref_slice %arg6[%gather3A_587] : memref<108672xf32, #tpu.memory_space<vmem>> -> memref<36224xf32, #tpu.memory_space<vmem>>
        %gather3A_589 = tpu.vector_load_idx %gather3A_588[%add3A_464] : memref<36224xf32, #tpu.memory_space<vmem>>[vector<16xi32>], vector<16xf32>,
        %gather3A_590 = arith.constant 72448 : i32
        %gather3A_591 = tpu.memref_slice %arg6[%gather3A_590] : memref<108672xf32, #tpu.memory_space<vmem>> -> memref<36224xf32, #tpu.memory_space<vmem>>
        %gather3A_592 = tpu.vector_load_idx %gather3A_591[%add3A_467] : memref<36224xf32, #tpu.memory_space<vmem>>[vector<16xi32>], vector<16xf32>,
        %gather3A_593 = arith.constant 72448 : i32
        %gather3A_594 = tpu.memref_slice %arg6[%gather3A_593] : memref<108672xf32, #tpu.memory_space<vmem>> -> memref<36224xf32, #tpu.memory_space<vmem>>
        %gather3A_595 = tpu.vector_load_idx %gather3A_594[%add3A_470] : memref<36224xf32, #tpu.memory_space<vmem>>[vector<16xi32>], vector<16xf32>,
        %gather3A_596 = arith.constant 72448 : i32
        %gather3A_597 = tpu.memref_slice %arg6[%gather3A_596] : memref<108672xf32, #tpu.memory_space<vmem>> -> memref<36224xf32, #tpu.memory_space<vmem>>
        %gather3A_598 = tpu.vector_load_idx %gather3A_597[%add3A_473] : memref<36224xf32, #tpu.memory_space<vmem>>[vector<16xi32>], vector<16xf32>,
        %gather3A_599 = arith.constant 72448 : i32
        %gather3A_600 = tpu.memref_slice %arg6[%gather3A_599] : memref<108672xf32, #tpu.memory_space<vmem>> -> memref<36224xf32, #tpu.memory_space<vmem>>
        %gather3A_601 = tpu.vector_load_idx %gather3A_600[%add3A_476] : memref<36224xf32, #tpu.memory_space<vmem>>[vector<16xi32>], vector<16xf32>,
        %mul3A_602 = arith.mulf %gather3A_580, %mul3A_440 : vector<16xf32>
        %mul3A_603 = arith.mulf %gather3A_583, %mul3A_441 : vector<16xf32>
        %add3A_604 = arith.addf %mul3A_602, %mul3A_603 : vector<16xf32>
        %mul3A_605 = arith.mulf %gather3A_586, %mul3A_442 : vector<16xf32>
        %mul3A_606 = arith.mulf %gather3A_589, %mul3A_443 : vector<16xf32>
        %add3A_607 = arith.addf %mul3A_605, %mul3A_606 : vector<16xf32>
        %add3A_608 = arith.addf %add3A_604, %add3A_607 : vector<16xf32>
        %mul3A_609 = arith.mulf %gather3A_592, %mul3A_444 : vector<16xf32>
        %mul3A_610 = arith.mulf %gather3A_595, %mul3A_445 : vector<16xf32>
        %add3A_611 = arith.addf %mul3A_609, %mul3A_610 : vector<16xf32>
        %mul3A_612 = arith.mulf %gather3A_598, %mul3A_446 : vector<16xf32>
        %mul3A_613 = arith.mulf %gather3A_601, %mul3A_447 : vector<16xf32>
        %add3A_614 = arith.addf %mul3A_612, %mul3A_613 : vector<16xf32>
        %add3A_615 = arith.addf %add3A_611, %add3A_614 : vector<16xf32>
        %add3A_616 = arith.addf %add3A_608, %add3A_615 : vector<16xf32>
        %mul3A_617 = arith.mulf %add3A_616, %get3A_408 : vector<16xf32>
        %mul3A_618 = arith.mulf %get3A_402, %sub3A_479 : vector<16xf32>
        %add3A_619 = arith.addf %mul3A_617, %mul3A_618 : vector<16xf32>
        %swap3A_620 = arith.constant 0 : i32
        %swap3A_621 = arith.constant 2 : i32
        %swap3A_622 = arith.constant 0 : i32
        %swap3A_623 = arith.index_cast %swap3A_620 : i32 to index
        %swap3A_624 = arith.index_cast %swap3A_621 : i32 to index
        %swap3A_625 = arith.index_cast %swap3A_622 : i32 to index
        %swap3A_626 = arith.index_cast %add3A_379 : i32 to index
        %swap3A_627 = tpu.vector_load %arg9[%swap3A_623, %swap3A_624, %swap3A_625, %swap3A_626] {strides = array<i32>} : memref<2x3x2x512xf32, #tpu.memory_space<vmem>>, vector<16xf32>,
        tpu.vector_store %arg9[%swap3A_623, %swap3A_624, %swap3A_625, %swap3A_626], %add3A_619 {strides = array<i32>} : memref<2x3x2x512xf32, #tpu.memory_space<vmem>>, vector<16xf32>,
      }
      %scan3A_244 = arith.constant 32 : i32
      %scan3A_245 = arith.constant 0 : i32
      %scan3A_246 = arith.constant 32 : i32
      %scan3A_247 = arith.addi %scan3A_245, %scan3A_246 : i32
      %scan3A_248 = arith.constant 1 : i32
      scf.for %scan3A_375 = %scan3A_245 to %scan3A_247 step %scan3A_248  : i32 {
        %mul3A_376 = arith.constant 16 : i32
        %mul3A_377 = arith.muli %scan3A_375, %mul3A_376 : i32
        %add3A_378 = arith.constant 0 : i32
        %add3A_379 = arith.addi %add3A_378, %mul3A_377 : i32
        %get3A = arith.constant 0 : i32
        %get3A_380 = arith.constant 0 : i32
        %get3A_381 = arith.constant 1 : i32
        %get3A_382 = arith.index_cast %get3A : i32 to index
        %get3A_383 = arith.index_cast %get3A_380 : i32 to index
        %get3A_384 = arith.index_cast %get3A_381 : i32 to index
        %get3A_385 = arith.index_cast %add3A_379 : i32 to index
        %get3A_386 = tpu.vector_load %arg7[%get3A_382, %get3A_383, %get3A_384, %get3A_385] {strides = array<i32>} : memref<2x3x2x512xf32, #tpu.memory_space<vmem>>, vector<16xf32>,
        %get3A_387 = arith.constant 0 : i32
        %get3A_388 = arith.constant 1 : i32
        %get3A_389 = arith.constant 1 : i32
        %get3A_390 = arith.index_cast %get3A_387 : i32 to index
        %get3A_391 = arith.index_cast %get3A_388 : i32 to index
        %get3A_392 = arith.index_cast %get3A_389 : i32 to index
        %get3A_393 = arith.index_cast %add3A_379 : i32 to index
        %get3A_394 = tpu.vector_load %arg7[%get3A_390, %get3A_391, %get3A_392, %get3A_393] {strides = array<i32>} : memref<2x3x2x512xf32, #tpu.memory_space<vmem>>, vector<16xf32>,
        %get3A_395 = arith.constant 0 : i32
        %get3A_396 = arith.constant 2 : i32
        %get3A_397 = arith.constant 1 : i32
        %get3A_398 = arith.index_cast %get3A_395 : i32 to index
        %get3A_399 = arith.index_cast %get3A_396 : i32 to index
        %get3A_400 = arith.index_cast %get3A_397 : i32 to index
        %get3A_401 = arith.index_cast %add3A_379 : i32 to index
        %get3A_402 = tpu.vector_load %arg7[%get3A_398, %get3A_399, %get3A_400, %get3A_401] {strides = array<i32>} : memref<2x3x2x512xf32, #tpu.memory_space<vmem>>, vector<16xf32>,
        %get3A_403 = arith.constant 0 : i32
        %get3A_404 = arith.constant 1 : i32
        %get3A_405 = arith.index_cast %get3A_403 : i32 to index
        %get3A_406 = arith.index_cast %get3A_404 : i32 to index
        %get3A_407 = arith.index_cast %add3A_379 : i32 to index
        %get3A_408 = tpu.vector_load %arg8[%get3A_405, %get3A_406, %get3A_407] {strides = array<i32>} : memref<2x2x512xf32, #tpu.memory_space<vmem>>, vector<16xf32>,
        %mul3A_409 = arith.constant 31.9999676 : f32
        %mul3A_410 = vector.broadcast %mul3A_409 : f32 to vector<16xf32>
        %mul3A_411 = arith.mulf %get3A_386, %mul3A_410 : vector<16xf32>
        %mul3A_412 = arith.constant 31.9999676 : f32
        %mul3A_413 = vector.broadcast %mul3A_412 : f32 to vector<16xf32>
        %mul3A_414 = arith.mulf %get3A_394, %mul3A_413 : vector<16xf32>
        %mul3A_415 = arith.constant 31.9999676 : f32
        %mul3A_416 = vector.broadcast %mul3A_415 : f32 to vector<16xf32>
        %mul3A_417 = arith.mulf %get3A_402, %mul3A_416 : vector<16xf32>
        %convert_element_type3A_418 = arith.fptosi %mul3A_411 : vector<16xf32> to vector<16xi32>
        %convert_element_type3A_419 = arith.fptosi %mul3A_414 : vector<16xf32> to vector<16xi32>
        %convert_element_type3A_420 = arith.fptosi %mul3A_417 : vector<16xf32> to vector<16xi32>
        %convert_element_type3A_421 = arith.sitofp %convert_element_type3A_418 : vector<16xi32> to vector<16xf32>
        %sub3A_422 = arith.subf %mul3A_411, %convert_element_type3A_421 : vector<16xf32>
        %convert_element_type3A_423 = arith.sitofp %convert_element_type3A_419 : vector<16xi32> to vector<16xf32>
        %sub3A_424 = arith.subf %mul3A_414, %convert_element_type3A_423 : vector<16xf32>
        %convert_element_type3A_425 = arith.sitofp %convert_element_type3A_420 : vector<16xi32> to vector<16xf32>
        %sub3A_426 = arith.subf %mul3A_417, %convert_element_type3A_425 : vector<16xf32>
        %sub3A_427 = arith.constant 1.000000e+00 : f32
        %sub3A_428 = vector.broadcast %sub3A_427 : f32 to vector<16xf32>
        %sub3A_429 = arith.subf %sub3A_428, %sub3A_422 : vector<16xf32>
        %sub3A_430 = arith.constant 1.000000e+00 : f32
        %sub3A_431 = vector.broadcast %sub3A_430 : f32 to vector<16xf32>
        %sub3A_432 = arith.subf %sub3A_431, %sub3A_424 : vector<16xf32>
        %sub3A_433 = arith.constant 1.000000e+00 : f32
        %sub3A_434 = vector.broadcast %sub3A_433 : f32 to vector<16xf32>
        %sub3A_435 = arith.subf %sub3A_434, %sub3A_426 : vector<16xf32>
        %mul3A_436 = arith.mulf %sub3A_429, %sub3A_432 : vector<16xf32>
        %mul3A_437 = arith.mulf %sub3A_422, %sub3A_432 : vector<16xf32>
        %mul3A_438 = arith.mulf %sub3A_429, %sub3A_424 : vector<16xf32>
        %mul3A_439 = arith.mulf %sub3A_422, %sub3A_424 : vector<16xf32>
        %mul3A_440 = arith.mulf %mul3A_436, %sub3A_435 : vector<16xf32>
        %mul3A_441 = arith.mulf %mul3A_437, %sub3A_435 : vector<16xf32>
        %mul3A_442 = arith.mulf %mul3A_438, %sub3A_435 : vector<16xf32>
        %mul3A_443 = arith.mulf %mul3A_439, %sub3A_435 : vector<16xf32>
        %mul3A_444 = arith.mulf %mul3A_436, %sub3A_426 : vector<16xf32>
        %mul3A_445 = arith.mulf %mul3A_437, %sub3A_426 : vector<16xf32>
        %mul3A_446 = arith.mulf %mul3A_438, %sub3A_426 : vector<16xf32>
        %mul3A_447 = arith.mulf %mul3A_439, %sub3A_426 : vector<16xf32>
        %mul3A_448 = arith.constant 33 : i32
        %mul3A_449 = vector.broadcast %mul3A_448 : i32 to vector<16xi32>
        %mul3A_450 = arith.muli %convert_element_type3A_419, %mul3A_449 : vector<16xi32>
        %add3A_451 = arith.addi %convert_element_type3A_418, %mul3A_450 : vector<16xi32>
        %mul3A_452 = arith.constant 1089 : i32
        %mul3A_453 = vector.broadcast %mul3A_452 : i32 to vector<16xi32>
        %mul3A_454 = arith.muli %convert_element_type3A_420, %mul3A_453 : vector<16xi32>
        %add3A_455 = arith.addi %add3A_451, %mul3A_454 : vector<16xi32>
        %add3A_456 = arith.constant 1 : i32
        %add3A_457 = vector.broadcast %add3A_456 : i32 to vector<16xi32>
        %add3A_458 = arith.addi %add3A_455, %add3A_457 : vector<16xi32>
        %add3A_459 = arith.constant 33 : i32
        %add3A_460 = vector.broadcast %add3A_459 : i32 to vector<16xi32>
        %add3A_461 = arith.addi %add3A_455, %add3A_460 : vector<16xi32>
        %add3A_462 = arith.constant 34 : i32
        %add3A_463 = vector.broadcast %add3A_462 : i32 to vector<16xi32>
        %add3A_464 = arith.addi %add3A_455, %add3A_463 : vector<16xi32>
        %add3A_465 = arith.constant 1089 : i32
        %add3A_466 = vector.broadcast %add3A_465 : i32 to vector<16xi32>
        %add3A_467 = arith.addi %add3A_455, %add3A_466 : vector<16xi32>
        %add3A_468 = arith.constant 1090 : i32
        %add3A_469 = vector.broadcast %add3A_468 : i32 to vector<16xi32>
        %add3A_470 = arith.addi %add3A_455, %add3A_469 : vector<16xi32>
        %add3A_471 = arith.constant 1122 : i32
        %add3A_472 = vector.broadcast %add3A_471 : i32 to vector<16xi32>
        %add3A_473 = arith.addi %add3A_455, %add3A_472 : vector<16xi32>
        %add3A_474 = arith.constant 1123 : i32
        %add3A_475 = vector.broadcast %add3A_474 : i32 to vector<16xi32>
        %add3A_476 = arith.addi %add3A_455, %add3A_475 : vector<16xi32>
        %sub3A_477 = arith.constant 1.000000e+00 : f32
        %sub3A_478 = vector.broadcast %sub3A_477 : f32 to vector<16xf32>
        %sub3A_479 = arith.subf %sub3A_478, %get3A_408 : vector<16xf32>
        %gather3A = arith.constant 0 : i32
        %gather3A_480 = tpu.memref_slice %arg6[%gather3A] : memref<108672xf32, #tpu.memory_space<vmem>> -> memref<36224xf32, #tpu.memory_space<vmem>>
        %gather3A_481 = tpu.vector_load_idx %gather3A_480[%add3A_455] : memref<36224xf32, #tpu.memory_space<vmem>>[vector<16xi32>], vector<16xf32>,
        %gather3A_482 = arith.constant 0 : i32
        %gather3A_483 = tpu.memref_slice %arg6[%gather3A_482] : memref<108672xf32, #tpu.memory_space<vmem>> -> memref<36224xf32, #tpu.memory_space<vmem>>
        %gather3A_484 = tpu.vector_load_idx %gather3A_483[%add3A_458] : memref<36224xf32, #tpu.memory_space<vmem>>[vector<16xi32>], vector<16xf32>,
        %gather3A_485 = arith.constant 0 : i32
        %gather3A_486 = tpu.memref_slice %arg6[%gather3A_485] : memref<108672xf32, #tpu.memory_space<vmem>> -> memref<36224xf32, #tpu.memory_space<vmem>>
        %gather3A_487 = tpu.vector_load_idx %gather3A_486[%add3A_461] : memref<36224xf32, #tpu.memory_space<vmem>>[vector<16xi32>], vector<16xf32>,
        %gather3A_488 = arith.constant 0 : i32
        %gather3A_489 = tpu.memref_slice %arg6[%gather3A_488] : memref<108672xf32, #tpu.memory_space<vmem>> -> memref<36224xf32, #tpu.memory_space<vmem>>
        %gather3A_490 = tpu.vector_load_idx %gather3A_489[%add3A_464] : memref<36224xf32, #tpu.memory_space<vmem>>[vector<16xi32>], vector<16xf32>,
        %gather3A_491 = arith.constant 0 : i32
        %gather3A_492 = tpu.memref_slice %arg6[%gather3A_491] : memref<108672xf32, #tpu.memory_space<vmem>> -> memref<36224xf32, #tpu.memory_space<vmem>>
        %gather3A_493 = tpu.vector_load_idx %gather3A_492[%add3A_467] : memref<36224xf32, #tpu.memory_space<vmem>>[vector<16xi32>], vector<16xf32>,
        %gather3A_494 = arith.constant 0 : i32
        %gather3A_495 = tpu.memref_slice %arg6[%gather3A_494] : memref<108672xf32, #tpu.memory_space<vmem>> -> memref<36224xf32, #tpu.memory_space<vmem>>
        %gather3A_496 = tpu.vector_load_idx %gather3A_495[%add3A_470] : memref<36224xf32, #tpu.memory_space<vmem>>[vector<16xi32>], vector<16xf32>,
        %gather3A_497 = arith.constant 0 : i32
        %gather3A_498 = tpu.memref_slice %arg6[%gather3A_497] : memref<108672xf32, #tpu.memory_space<vmem>> -> memref<36224xf32, #tpu.memory_space<vmem>>
        %gather3A_499 = tpu.vector_load_idx %gather3A_498[%add3A_473] : memref<36224xf32, #tpu.memory_space<vmem>>[vector<16xi32>], vector<16xf32>,
        %gather3A_500 = arith.constant 0 : i32
        %gather3A_501 = tpu.memref_slice %arg6[%gather3A_500] : memref<108672xf32, #tpu.memory_space<vmem>> -> memref<36224xf32, #tpu.memory_space<vmem>>
        %gather3A_502 = tpu.vector_load_idx %gather3A_501[%add3A_476] : memref<36224xf32, #tpu.memory_space<vmem>>[vector<16xi32>], vector<16xf32>,
        %mul3A_503 = arith.mulf %gather3A_481, %mul3A_440 : vector<16xf32>
        %mul3A_504 = arith.mulf %gather3A_484, %mul3A_441 : vector<16xf32>
        %add3A_505 = arith.addf %mul3A_503, %mul3A_504 : vector<16xf32>
        %mul3A_506 = arith.mulf %gather3A_487, %mul3A_442 : vector<16xf32>
        %mul3A_507 = arith.mulf %gather3A_490, %mul3A_443 : vector<16xf32>
        %add3A_508 = arith.addf %mul3A_506, %mul3A_507 : vector<16xf32>
        %add3A_509 = arith.addf %add3A_505, %add3A_508 : vector<16xf32>
        %mul3A_510 = arith.mulf %gather3A_493, %mul3A_444 : vector<16xf32>
        %mul3A_511 = arith.mulf %gather3A_496, %mul3A_445 : vector<16xf32>
        %add3A_512 = arith.addf %mul3A_510, %mul3A_511 : vector<16xf32>
        %mul3A_513 = arith.mulf %gather3A_499, %mul3A_446 : vector<16xf32>
        %mul3A_514 = arith.mulf %gather3A_502, %mul3A_447 : vector<16xf32>
        %add3A_515 = arith.addf %mul3A_513, %mul3A_514 : vector<16xf32>
        %add3A_516 = arith.addf %add3A_512, %add3A_515 : vector<16xf32>
        %add3A_517 = arith.addf %add3A_509, %add3A_516 : vector<16xf32>
        %mul3A_518 = arith.mulf %add3A_517, %get3A_408 : vector<16xf32>
        %mul3A_519 = arith.mulf %get3A_386, %sub3A_479 : vector<16xf32>
        %add3A_520 = arith.addf %mul3A_518, %mul3A_519 : vector<16xf32>
        %swap3A = arith.constant 0 : i32
        %swap3A_521 = arith.constant 0 : i32
        %swap3A_522 = arith.constant 1 : i32
        %swap3A_523 = arith.index_cast %swap3A : i32 to index
        %swap3A_524 = arith.index_cast %swap3A_521 : i32 to index
        %swap3A_525 = arith.index_cast %swap3A_522 : i32 to index
        %swap3A_526 = arith.index_cast %add3A_379 : i32 to index
        %swap3A_527 = tpu.vector_load %arg9[%swap3A_523, %swap3A_524, %swap3A_525, %swap3A_526] {strides = array<i32>} : memref<2x3x2x512xf32, #tpu.memory_space<vmem>>, vector<16xf32>,
        tpu.vector_store %arg9[%swap3A_523, %swap3A_524, %swap3A_525, %swap3A_526], %add3A_520 {strides = array<i32>} : memref<2x3x2x512xf32, #tpu.memory_space<vmem>>, vector<16xf32>,
        %gather3A_528 = arith.constant 36224 : i32
        %gather3A_529 = tpu.memref_slice %arg6[%gather3A_528] : memref<108672xf32, #tpu.memory_space<vmem>> -> memref<36224xf32, #tpu.memory_space<vmem>>
        %gather3A_530 = tpu.vector_load_idx %gather3A_529[%add3A_455] : memref<36224xf32, #tpu.memory_space<vmem>>[vector<16xi32>], vector<16xf32>,
        %gather3A_531 = arith.constant 36224 : i32
        %gather3A_532 = tpu.memref_slice %arg6[%gather3A_531] : memref<108672xf32, #tpu.memory_space<vmem>> -> memref<36224xf32, #tpu.memory_space<vmem>>
        %gather3A_533 = tpu.vector_load_idx %gather3A_532[%add3A_458] : memref<36224xf32, #tpu.memory_space<vmem>>[vector<16xi32>], vector<16xf32>,
        %gather3A_534 = arith.constant 36224 : i32
        %gather3A_535 = tpu.memref_slice %arg6[%gather3A_534] : memref<108672xf32, #tpu.memory_space<vmem>> -> memref<36224xf32, #tpu.memory_space<vmem>>
        %gather3A_536 = tpu.vector_load_idx %gather3A_535[%add3A_461] : memref<36224xf32, #tpu.memory_space<vmem>>[vector<16xi32>], vector<16xf32>,
        %gather3A_537 = arith.constant 36224 : i32
        %gather3A_538 = tpu.memref_slice %arg6[%gather3A_537] : memref<108672xf32, #tpu.memory_space<vmem>> -> memref<36224xf32, #tpu.memory_space<vmem>>
        %gather3A_539 = tpu.vector_load_idx %gather3A_538[%add3A_464] : memref<36224xf32, #tpu.memory_space<vmem>>[vector<16xi32>], vector<16xf32>,
        %gather3A_540 = arith.constant 36224 : i32
        %gather3A_541 = tpu.memref_slice %arg6[%gather3A_540] : memref<108672xf32, #tpu.memory_space<vmem>> -> memref<36224xf32, #tpu.memory_space<vmem>>
        %gather3A_542 = tpu.vector_load_idx %gather3A_541[%add3A_467] : memref<36224xf32, #tpu.memory_space<vmem>>[vector<16xi32>], vector<16xf32>,
        %gather3A_543 = arith.constant 36224 : i32
        %gather3A_544 = tpu.memref_slice %arg6[%gather3A_543] : memref<108672xf32, #tpu.memory_space<vmem>> -> memref<36224xf32, #tpu.memory_space<vmem>>
        %gather3A_545 = tpu.vector_load_idx %gather3A_544[%add3A_470] : memref<36224xf32, #tpu.memory_space<vmem>>[vector<16xi32>], vector<16xf32>,
        %gather3A_546 = arith.constant 36224 : i32
        %gather3A_547 = tpu.memref_slice %arg6[%gather3A_546] : memref<108672xf32, #tpu.memory_space<vmem>> -> memref<36224xf32, #tpu.memory_space<vmem>>
        %gather3A_548 = tpu.vector_load_idx %gather3A_547[%add3A_473] : memref<36224xf32, #tpu.memory_space<vmem>>[vector<16xi32>], vector<16xf32>,
        %gather3A_549 = arith.constant 36224 : i32
        %gather3A_550 = tpu.memref_slice %arg6[%gather3A_549] : memref<108672xf32, #tpu.memory_space<vmem>> -> memref<36224xf32, #tpu.memory_space<vmem>>
        %gather3A_551 = tpu.vector_load_idx %gather3A_550[%add3A_476] : memref<36224xf32, #tpu.memory_space<vmem>>[vector<16xi32>], vector<16xf32>,
        %mul3A_552 = arith.mulf %gather3A_530, %mul3A_440 : vector<16xf32>
        %mul3A_553 = arith.mulf %gather3A_533, %mul3A_441 : vector<16xf32>
        %add3A_554 = arith.addf %mul3A_552, %mul3A_553 : vector<16xf32>
        %mul3A_555 = arith.mulf %gather3A_536, %mul3A_442 : vector<16xf32>
        %mul3A_556 = arith.mulf %gather3A_539, %mul3A_443 : vector<16xf32>
        %add3A_557 = arith.addf %mul3A_555, %mul3A_556 : vector<16xf32>
        %add3A_558 = arith.addf %add3A_554, %add3A_557 : vector<16xf32>
        %mul3A_559 = arith.mulf %gather3A_542, %mul3A_444 : vector<16xf32>
        %mul3A_560 = arith.mulf %gather3A_545, %mul3A_445 : vector<16xf32>
        %add3A_561 = arith.addf %mul3A_559, %mul3A_560 : vector<16xf32>
        %mul3A_562 = arith.mulf %gather3A_548, %mul3A_446 : vector<16xf32>
        %mul3A_563 = arith.mulf %gather3A_551, %mul3A_447 : vector<16xf32>
        %add3A_564 = arith.addf %mul3A_562, %mul3A_563 : vector<16xf32>
        %add3A_565 = arith.addf %add3A_561, %add3A_564 : vector<16xf32>
        %add3A_566 = arith.addf %add3A_558, %add3A_565 : vector<16xf32>
        %mul3A_567 = arith.mulf %add3A_566, %get3A_408 : vector<16xf32>
        %mul3A_568 = arith.mulf %get3A_394, %sub3A_479 : vector<16xf32>
        %add3A_569 = arith.addf %mul3A_567, %mul3A_568 : vector<16xf32>
        %swap3A_570 = arith.constant 0 : i32
        %swap3A_571 = arith.constant 1 : i32
        %swap3A_572 = arith.constant 1 : i32
        %swap3A_573 = arith.index_cast %swap3A_570 : i32 to index
        %swap3A_574 = arith.index_cast %swap3A_571 : i32 to index
        %swap3A_575 = arith.index_cast %swap3A_572 : i32 to index
        %swap3A_576 = arith.index_cast %add3A_379 : i32 to index
        %swap3A_577 = tpu.vector_load %arg9[%swap3A_573, %swap3A_574, %swap3A_575, %swap3A_576] {strides = array<i32>} : memref<2x3x2x512xf32, #tpu.memory_space<vmem>>, vector<16xf32>,
        tpu.vector_store %arg9[%swap3A_573, %swap3A_574, %swap3A_575, %swap3A_576], %add3A_569 {strides = array<i32>} : memref<2x3x2x512xf32, #tpu.memory_space<vmem>>, vector<16xf32>,
        %gather3A_578 = arith.constant 72448 : i32
        %gather3A_579 = tpu.memref_slice %arg6[%gather3A_578] : memref<108672xf32, #tpu.memory_space<vmem>> -> memref<36224xf32, #tpu.memory_space<vmem>>
        %gather3A_580 = tpu.vector_load_idx %gather3A_579[%add3A_455] : memref<36224xf32, #tpu.memory_space<vmem>>[vector<16xi32>], vector<16xf32>,
        %gather3A_581 = arith.constant 72448 : i32
        %gather3A_582 = tpu.memref_slice %arg6[%gather3A_581] : memref<108672xf32, #tpu.memory_space<vmem>> -> memref<36224xf32, #tpu.memory_space<vmem>>
        %gather3A_583 = tpu.vector_load_idx %gather3A_582[%add3A_458] : memref<36224xf32, #tpu.memory_space<vmem>>[vector<16xi32>], vector<16xf32>,
        %gather3A_584 = arith.constant 72448 : i32
        %gather3A_585 = tpu.memref_slice %arg6[%gather3A_584] : memref<108672xf32, #tpu.memory_space<vmem>> -> memref<36224xf32, #tpu.memory_space<vmem>>
        %gather3A_586 = tpu.vector_load_idx %gather3A_585[%add3A_461] : memref<36224xf32, #tpu.memory_space<vmem>>[vector<16xi32>], vector<16xf32>,
        %gather3A_587 = arith.constant 72448 : i32
        %gather3A_588 = tpu.memref_slice %arg6[%gather3A_587] : memref<108672xf32, #tpu.memory_space<vmem>> -> memref<36224xf32, #tpu.memory_space<vmem>>
        %gather3A_589 = tpu.vector_load_idx %gather3A_588[%add3A_464] : memref<36224xf32, #tpu.memory_space<vmem>>[vector<16xi32>], vector<16xf32>,
        %gather3A_590 = arith.constant 72448 : i32
        %gather3A_591 = tpu.memref_slice %arg6[%gather3A_590] : memref<108672xf32, #tpu.memory_space<vmem>> -> memref<36224xf32, #tpu.memory_space<vmem>>
        %gather3A_592 = tpu.vector_load_idx %gather3A_591[%add3A_467] : memref<36224xf32, #tpu.memory_space<vmem>>[vector<16xi32>], vector<16xf32>,
        %gather3A_593 = arith.constant 72448 : i32
        %gather3A_594 = tpu.memref_slice %arg6[%gather3A_593] : memref<108672xf32, #tpu.memory_space<vmem>> -> memref<36224xf32, #tpu.memory_space<vmem>>
        %gather3A_595 = tpu.vector_load_idx %gather3A_594[%add3A_470] : memref<36224xf32, #tpu.memory_space<vmem>>[vector<16xi32>], vector<16xf32>,
        %gather3A_596 = arith.constant 72448 : i32
        %gather3A_597 = tpu.memref_slice %arg6[%gather3A_596] : memref<108672xf32, #tpu.memory_space<vmem>> -> memref<36224xf32, #tpu.memory_space<vmem>>
        %gather3A_598 = tpu.vector_load_idx %gather3A_597[%add3A_473] : memref<36224xf32, #tpu.memory_space<vmem>>[vector<16xi32>], vector<16xf32>,
        %gather3A_599 = arith.constant 72448 : i32
        %gather3A_600 = tpu.memref_slice %arg6[%gather3A_599] : memref<108672xf32, #tpu.memory_space<vmem>> -> memref<36224xf32, #tpu.memory_space<vmem>>
        %gather3A_601 = tpu.vector_load_idx %gather3A_600[%add3A_476] : memref<36224xf32, #tpu.memory_space<vmem>>[vector<16xi32>], vector<16xf32>,
        %mul3A_602 = arith.mulf %gather3A_580, %mul3A_440 : vector<16xf32>
        %mul3A_603 = arith.mulf %gather3A_583, %mul3A_441 : vector<16xf32>
        %add3A_604 = arith.addf %mul3A_602, %mul3A_603 : vector<16xf32>
        %mul3A_605 = arith.mulf %gather3A_586, %mul3A_442 : vector<16xf32>
        %mul3A_606 = arith.mulf %gather3A_589, %mul3A_443 : vector<16xf32>
        %add3A_607 = arith.addf %mul3A_605, %mul3A_606 : vector<16xf32>
        %add3A_608 = arith.addf %add3A_604, %add3A_607 : vector<16xf32>
        %mul3A_609 = arith.mulf %gather3A_592, %mul3A_444 : vector<16xf32>
        %mul3A_610 = arith.mulf %gather3A_595, %mul3A_445 : vector<16xf32>
        %add3A_611 = arith.addf %mul3A_609, %mul3A_610 : vector<16xf32>
        %mul3A_612 = arith.mulf %gather3A_598, %mul3A_446 : vector<16xf32>
        %mul3A_613 = arith.mulf %gather3A_601, %mul3A_447 : vector<16xf32>
        %add3A_614 = arith.addf %mul3A_612, %mul3A_613 : vector<16xf32>
        %add3A_615 = arith.addf %add3A_611, %add3A_614 : vector<16xf32>
        %add3A_616 = arith.addf %add3A_608, %add3A_615 : vector<16xf32>
        %mul3A_617 = arith.mulf %add3A_616, %get3A_408 : vector<16xf32>
        %mul3A_618 = arith.mulf %get3A_402, %sub3A_479 : vector<16xf32>
        %add3A_619 = arith.addf %mul3A_617, %mul3A_618 : vector<16xf32>
        %swap3A_620 = arith.constant 0 : i32
        %swap3A_621 = arith.constant 2 : i32
        %swap3A_622 = arith.constant 1 : i32
        %swap3A_623 = arith.index_cast %swap3A_620 : i32 to index
        %swap3A_624 = arith.index_cast %swap3A_621 : i32 to index
        %swap3A_625 = arith.index_cast %swap3A_622 : i32 to index
        %swap3A_626 = arith.index_cast %add3A_379 : i32 to index
        %swap3A_627 = tpu.vector_load %arg9[%swap3A_623, %swap3A_624, %swap3A_625, %swap3A_626] {strides = array<i32>} : memref<2x3x2x512xf32, #tpu.memory_space<vmem>>, vector<16xf32>,
        tpu.vector_store %arg9[%swap3A_623, %swap3A_624, %swap3A_625, %swap3A_626], %add3A_619 {strides = array<i32>} : memref<2x3x2x512xf32, #tpu.memory_space<vmem>>, vector<16xf32>,
      }
      %scan3A_249 = arith.constant 32 : i32
      %mul3A_250 = arith.constant 2 : i32
      %mul3A_251 = arith.muli %add3A_193, %mul3A_250 : i32
      %add3A_252 = arith.addi %mul3A_32, %mul3A_251 : i32
      %dma_start3A_253 = arith.constant 0 : i32
      %dma_start3A_254 = arith.constant 0 : i32
      %dma_start3A_255 = arith.constant 0 : i32
      %dma_start3A_256 = arith.constant 0 : i32
      %dma_start3A_257 = arith.constant 0 : i32
      %dma_start3A_258 = tpu.memref_slice %arg9[%dma_start3A_253, %dma_start3A_255, %dma_start3A_256, %dma_start3A_257] : memref<2x3x2x512xf32, #tpu.memory_space<vmem>> -> memref<1x3x2x512xf32, #tpu.memory_space<vmem>>
      %dma_start3A_259 = tpu.memref_squeeze %dma_start3A_258 : memref<1x3x2x512xf32, #tpu.memory_space<vmem>> -> memref<3x2x512xf32, #tpu.memory_space<vmem>>
      %dma_start3A_260 = arith.constant 0 : i32
      %dma_start3A_261 = arith.constant 0 : i32
      %dma_start3A_262 = tpu.memref_slice %arg5[%select_n3A, %dma_start3A_260, %add3A_252, %dma_start3A_261] : memref<4x3x512x512xf32, #tpu.memory_space<hbm>> -> memref<1x3x2x512xf32, #tpu.memory_space<hbm>>
      %dma_start3A_263 = tpu.memref_squeeze %dma_start3A_262 : memref<1x3x2x512xf32, #tpu.memory_space<hbm>> -> memref<3x2x512xf32, #tpu.memory_space<hbm>>
      %dma_start3A_264 = tpu.memref_slice %arg12[%dma_start3A_254] : memref<2x!tpu.dma_semaphore, #tpu.memory_space<semaphore_mem>> -> memref<1x!tpu.dma_semaphore, #tpu.memory_space<semaphore_mem>>
      %dma_start3A_265 = tpu.memref_squeeze %dma_start3A_264 : memref<1x!tpu.dma_semaphore, #tpu.memory_space<semaphore_mem>> -> memref<!tpu.dma_semaphore, #tpu.memory_space<semaphore_mem>>
      %dma_start3A_266 = arith.constant 0 : i32
      %dma_start3A_267 = arith.constant 0 : i32
      %dma_start3A_268 = tpu.memref_slice %arg5[%select_n3A, %dma_start3A_266, %add3A_252, %dma_start3A_267] : memref<4x3x512x512xf32, #tpu.memory_space<hbm>> -> memref<1x3x2x512xf32, #tpu.memory_space<hbm>>
      %dma_start3A_269 = tpu.memref_squeeze %dma_start3A_268 : memref<1x3x2x512xf32, #tpu.memory_space<hbm>> -> memref<3x2x512xf32, #tpu.memory_space<hbm>>
      %dma_start3A_270 = arith.constant 0 : i32
      %dma_start3A_271 = arith.constant 0 : i32
      %dma_start3A_272 = arith.constant 0 : i32
      %dma_start3A_273 = tpu.memref_slice %arg9[%dma_start3A_253, %dma_start3A_270, %dma_start3A_271, %dma_start3A_272] : memref<2x3x2x512xf32, #tpu.memory_space<vmem>> -> memref<1x3x2x512xf32, #tpu.memory_space<vmem>>
      %dma_start3A_274 = tpu.memref_squeeze %dma_start3A_273 : memref<1x3x2x512xf32, #tpu.memory_space<vmem>> -> memref<3x2x512xf32, #tpu.memory_space<vmem>>
      tpu.enqueue_dma source(%dma_start3A_274 : memref<3x2x512xf32, #tpu.memory_space<vmem>>) target(%dma_start3A_269 : memref<3x2x512xf32, #tpu.memory_space<hbm>>) target_semaphore(%dma_start3A_265 : memref<!tpu.dma_semaphore, #tpu.memory_space<semaphore_mem>>)
      %add3A_275 = arith.constant 2 : i32
      %add3A_276 = arith.addi %add3A_193, %add3A_275 : i32
      %lt3A_277 = arith.constant 32 : i32
      %lt3A_278 = arith.cmpi slt, %add3A_276, %lt3A_277 : i32
      %convert_element_type3A_279 = arith.extui %lt3A_278 : i1 to i32
      %cond3A_280 = arith.constant 0 : i32
      %cond3A_281 = arith.cmpi ne, %convert_element_type3A_279, %cond3A_280 : i32
      scf.if %cond3A_281 {
        %add3A_375 = arith.constant 2 : i32
        %add3A_376 = arith.addi %add3A_193, %add3A_375 : i32
        %mul3A_377 = arith.constant 2 : i32
        %mul3A_378 = arith.muli %add3A_376, %mul3A_377 : i32
        %add3A_379 = arith.addi %mul3A_32, %mul3A_378 : i32
        %dma_start3A_380 = arith.constant 0 : i32
        %dma_start3A_381 = arith.constant 0 : i32
        %dma_start3A_382 = arith.constant 0 : i32
        %dma_start3A_383 = arith.constant 0 : i32
        %dma_start3A_384 = arith.constant 0 : i32
        %dma_start3A_385 = tpu.memref_slice %arg7[%dma_start3A_380, %dma_start3A_382, %dma_start3A_383, %dma_start3A_384] : memref<2x3x2x512xf32, #tpu.memory_space<vmem>> -> memref<1x3x2x512xf32, #tpu.memory_space<vmem>>
        %dma_start3A_386 = tpu.memref_squeeze %dma_start3A_385 : memref<1x3x2x512xf32, #tpu.memory_space<vmem>> -> memref<3x2x512xf32, #tpu.memory_space<vmem>>
        %dma_start3A_387 = arith.constant 0 : i32
        %dma_start3A_388 = arith.constant 0 : i32
        %dma_start3A_389 = tpu.memref_slice %arg2[%select_n3A, %dma_start3A_387, %add3A_379, %dma_start3A_388] : memref<4x3x512x512xf32, #tpu.memory_space<hbm>> -> memref<1x3x2x512xf32, #tpu.memory_space<hbm>>
        %dma_start3A_390 = tpu.memref_squeeze %dma_start3A_389 : memref<1x3x2x512xf32, #tpu.memory_space<hbm>> -> memref<3x2x512xf32, #tpu.memory_space<hbm>>
        %dma_start3A_391 = tpu.memref_slice %arg10[%dma_start3A_381] : memref<2x!tpu.dma_semaphore, #tpu.memory_space<semaphore_mem>> -> memref<1x!tpu.dma_semaphore, #tpu.memory_space<semaphore_mem>>
        %dma_start3A_392 = tpu.memref_squeeze %dma_start3A_391 : memref<1x!tpu.dma_semaphore, #tpu.memory_space<semaphore_mem>> -> memref<!tpu.dma_semaphore, #tpu.memory_space<semaphore_mem>>
        %dma_start3A_393 = arith.constant 0 : i32
        %dma_start3A_394 = arith.constant 0 : i32
        %dma_start3A_395 = arith.constant 0 : i32
        %dma_start3A_396 = tpu.memref_slice %arg7[%dma_start3A_380, %dma_start3A_393, %dma_start3A_394, %dma_start3A_395] : memref<2x3x2x512xf32, #tpu.memory_space<vmem>> -> memref<1x3x2x512xf32, #tpu.memory_space<vmem>>
        %dma_start3A_397 = tpu.memref_squeeze %dma_start3A_396 : memref<1x3x2x512xf32, #tpu.memory_space<vmem>> -> memref<3x2x512xf32, #tpu.memory_space<vmem>>
        %dma_start3A_398 = arith.constant 0 : i32
        %dma_start3A_399 = arith.constant 0 : i32
        %dma_start3A_400 = tpu.memref_slice %arg2[%select_n3A, %dma_start3A_398, %add3A_379, %dma_start3A_399] : memref<4x3x512x512xf32, #tpu.memory_space<hbm>> -> memref<1x3x2x512xf32, #tpu.memory_space<hbm>>
        %dma_start3A_401 = tpu.memref_squeeze %dma_start3A_400 : memref<1x3x2x512xf32, #tpu.memory_space<hbm>> -> memref<3x2x512xf32, #tpu.memory_space<hbm>>
        tpu.enqueue_dma source(%dma_start3A_401 : memref<3x2x512xf32, #tpu.memory_space<hbm>>) target(%dma_start3A_397 : memref<3x2x512xf32, #tpu.memory_space<vmem>>) target_semaphore(%dma_start3A_392 : memref<!tpu.dma_semaphore, #tpu.memory_space<semaphore_mem>>)
        %dma_start3A_402 = arith.constant 0 : i32
        %dma_start3A_403 = arith.constant 0 : i32
        %dma_start3A_404 = arith.constant 0 : i32
        %dma_start3A_405 = arith.constant 0 : i32
        %dma_start3A_406 = arith.constant 0 : i32
        %dma_start3A_407 = tpu.memref_slice %arg8[%dma_start3A_403, %dma_start3A_405, %dma_start3A_406] : memref<2x2x512xf32, #tpu.memory_space<vmem>> -> memref<1x2x512xf32, #tpu.memory_space<vmem>>
        %dma_start3A_408 = tpu.memref_squeeze %dma_start3A_407 : memref<1x2x512xf32, #tpu.memory_space<vmem>> -> memref<2x512xf32, #tpu.memory_space<vmem>>
        %dma_start3A_409 = arith.constant 0 : i32
        %dma_start3A_410 = tpu.memref_slice %arg3[%select_n3A, %dma_start3A_402, %add3A_379, %dma_start3A_409] : memref<4x1x512x512xf32, #tpu.memory_space<hbm>> -> memref<1x1x2x512xf32, #tpu.memory_space<hbm>>
        %dma_start3A_411 = tpu.memref_squeeze %dma_start3A_410 : memref<1x1x2x512xf32, #tpu.memory_space<hbm>> -> memref<2x512xf32, #tpu.memory_space<hbm>>
        %dma_start3A_412 = tpu.memref_slice %arg11[%dma_start3A_404] : memref<2x!tpu.dma_semaphore, #tpu.memory_space<semaphore_mem>> -> memref<1x!tpu.dma_semaphore, #tpu.memory_space<semaphore_mem>>
        %dma_start3A_413 = tpu.memref_squeeze %dma_start3A_412 : memref<1x!tpu.dma_semaphore, #tpu.memory_space<semaphore_mem>> -> memref<!tpu.dma_semaphore, #tpu.memory_space<semaphore_mem>>
        %dma_start3A_414 = arith.constant 0 : i32
        %dma_start3A_415 = arith.constant 0 : i32
        %dma_start3A_416 = tpu.memref_slice %arg8[%dma_start3A_403, %dma_start3A_414, %dma_start3A_415] : memref<2x2x512xf32, #tpu.memory_space<vmem>> -> memref<1x2x512xf32, #tpu.memory_space<vmem>>
        %dma_start3A_417 = tpu.memref_squeeze %dma_start3A_416 : memref<1x2x512xf32, #tpu.memory_space<vmem>> -> memref<2x512xf32, #tpu.memory_space<vmem>>
        %dma_start3A_418 = arith.constant 0 : i32
        %dma_start3A_419 = tpu.memref_slice %arg3[%select_n3A, %dma_start3A_402, %add3A_379, %dma_start3A_418] : memref<4x1x512x512xf32, #tpu.memory_space<hbm>> -> memref<1x1x2x512xf32, #tpu.memory_space<hbm>>
        %dma_start3A_420 = tpu.memref_squeeze %dma_start3A_419 : memref<1x1x2x512xf32, #tpu.memory_space<hbm>> -> memref<2x512xf32, #tpu.memory_space<hbm>>
        tpu.enqueue_dma source(%dma_start3A_420 : memref<2x512xf32, #tpu.memory_space<hbm>>) target(%dma_start3A_417 : memref<2x512xf32, #tpu.memory_space<vmem>>) target_semaphore(%dma_start3A_413 : memref<!tpu.dma_semaphore, #tpu.memory_space<semaphore_mem>>)
      } else {
      }
      %add3A_282 = arith.constant 1 : i32
      %add3A_283 = arith.addi %add3A_191, %add3A_282 : i32
      %mul3A_284 = arith.constant 2 : i32
      %mul3A_285 = arith.muli %add3A_283, %mul3A_284 : i32
      %add3A_286 = arith.addi %mul3A_32, %mul3A_285 : i32
      %dma_wait3A_287 = arith.constant 1 : i32
      %dma_wait3A_288 = arith.constant 1 : i32
      %dma_wait3A_289 = arith.constant 0 : i32
      %dma_wait3A_290 = arith.constant 0 : i32
      %dma_wait3A_291 = arith.constant 0 : i32
      %dma_wait3A_292 = tpu.memref_slice %arg7[%dma_wait3A_287, %dma_wait3A_289, %dma_wait3A_290, %dma_wait3A_291] : memref<2x3x2x512xf32, #tpu.memory_space<vmem>> -> memref<1x3x2x512xf32, #tpu.memory_space<vmem>>
      %dma_wait3A_293 = tpu.memref_squeeze %dma_wait3A_292 : memref<1x3x2x512xf32, #tpu.memory_space<vmem>> -> memref<3x2x512xf32, #tpu.memory_space<vmem>>
      %dma_wait3A_294 = arith.constant 0 : i32
      %dma_wait3A_295 = arith.constant 0 : i32
      %dma_wait3A_296 = tpu.memref_slice %arg2[%select_n3A, %dma_wait3A_294, %add3A_286, %dma_wait3A_295] : memref<4x3x512x512xf32, #tpu.memory_space<hbm>> -> memref<1x3x2x512xf32, #tpu.memory_space<hbm>>
      %dma_wait3A_297 = tpu.memref_squeeze %dma_wait3A_296 : memref<1x3x2x512xf32, #tpu.memory_space<hbm>> -> memref<3x2x512xf32, #tpu.memory_space<hbm>>
      %dma_wait3A_298 = tpu.memref_slice %arg10[%dma_wait3A_288] : memref<2x!tpu.dma_semaphore, #tpu.memory_space<semaphore_mem>> -> memref<1x!tpu.dma_semaphore, #tpu.memory_space<semaphore_mem>>
      %dma_wait3A_299 = tpu.memref_squeeze %dma_wait3A_298 : memref<1x!tpu.dma_semaphore, #tpu.memory_space<semaphore_mem>> -> memref<!tpu.dma_semaphore, #tpu.memory_space<semaphore_mem>>
      %dma_wait3A_300 = arith.constant 0 : i32
      %dma_wait3A_301 = arith.constant 0 : i32
      %dma_wait3A_302 = arith.constant 0 : i32
      %dma_wait3A_303 = tpu.memref_slice %arg7[%dma_wait3A_287, %dma_wait3A_300, %dma_wait3A_301, %dma_wait3A_302] : memref<2x3x2x512xf32, #tpu.memory_space<vmem>> -> memref<1x3x2x512xf32, #tpu.memory_space<vmem>>
      %dma_wait3A_304 = tpu.memref_squeeze %dma_wait3A_303 : memref<1x3x2x512xf32, #tpu.memory_space<vmem>> -> memref<3x2x512xf32, #tpu.memory_space<vmem>>
      %dma_wait3A_305 = arith.constant 0 : i32
      %dma_wait3A_306 = arith.constant 0 : i32
      %dma_wait3A_307 = tpu.memref_slice %arg2[%select_n3A, %dma_wait3A_305, %add3A_286, %dma_wait3A_306] : memref<4x3x512x512xf32, #tpu.memory_space<hbm>> -> memref<1x3x2x512xf32, #tpu.memory_space<hbm>>
      %dma_wait3A_308 = tpu.memref_squeeze %dma_wait3A_307 : memref<1x3x2x512xf32, #tpu.memory_space<hbm>> -> memref<3x2x512xf32, #tpu.memory_space<hbm>>
      tpu.wait_dma2 semaphore(%dma_wait3A_299 : memref<!tpu.dma_semaphore, #tpu.memory_space<semaphore_mem>>) src(%dma_wait3A_308 : memref<3x2x512xf32, #tpu.memory_space<hbm>>) dst(%dma_wait3A_304 : memref<3x2x512xf32, #tpu.memory_space<vmem>>)
      %dma_wait3A_309 = arith.constant 0 : i32
      %dma_wait3A_310 = arith.constant 1 : i32
      %dma_wait3A_311 = arith.constant 1 : i32
      %dma_wait3A_312 = arith.constant 0 : i32
      %dma_wait3A_313 = arith.constant 0 : i32
      %dma_wait3A_314 = tpu.memref_slice %arg8[%dma_wait3A_310, %dma_wait3A_312, %dma_wait3A_313] : memref<2x2x512xf32, #tpu.memory_space<vmem>> -> memref<1x2x512xf32, #tpu.memory_space<vmem>>
      %dma_wait3A_315 = tpu.memref_squeeze %dma_wait3A_314 : memref<1x2x512xf32, #tpu.memory_space<vmem>> -> memref<2x512xf32, #tpu.memory_space<vmem>>
      %dma_wait3A_316 = arith.constant 0 : i32
      %dma_wait3A_317 = tpu.memref_slice %arg3[%select_n3A, %dma_wait3A_309, %add3A_286, %dma_wait3A_316] : memref<4x1x512x512xf32, #tpu.memory_space<hbm>> -> memref<1x1x2x512xf32, #tpu.memory_space<hbm>>
      %dma_wait3A_318 = tpu.memref_squeeze %dma_wait3A_317 : memref<1x1x2x512xf32, #tpu.memory_space<hbm>> -> memref<2x512xf32, #tpu.memory_space<hbm>>
      %dma_wait3A_319 = tpu.memref_slice %arg11[%dma_wait3A_311] : memref<2x!tpu.dma_semaphore, #tpu.memory_space<semaphore_mem>> -> memref<1x!tpu.dma_semaphore, #tpu.memory_space<semaphore_mem>>
      %dma_wait3A_320 = tpu.memref_squeeze %dma_wait3A_319 : memref<1x!tpu.dma_semaphore, #tpu.memory_space<semaphore_mem>> -> memref<!tpu.dma_semaphore, #tpu.memory_space<semaphore_mem>>
      %dma_wait3A_321 = arith.constant 0 : i32
      %dma_wait3A_322 = arith.constant 0 : i32
      %dma_wait3A_323 = tpu.memref_slice %arg8[%dma_wait3A_310, %dma_wait3A_321, %dma_wait3A_322] : memref<2x2x512xf32, #tpu.memory_space<vmem>> -> memref<1x2x512xf32, #tpu.memory_space<vmem>>
      %dma_wait3A_324 = tpu.memref_squeeze %dma_wait3A_323 : memref<1x2x512xf32, #tpu.memory_space<vmem>> -> memref<2x512xf32, #tpu.memory_space<vmem>>
      %dma_wait3A_325 = arith.constant 0 : i32
      %dma_wait3A_326 = tpu.memref_slice %arg3[%select_n3A, %dma_wait3A_309, %add3A_286, %dma_wait3A_325] : memref<4x1x512x512xf32, #tpu.memory_space<hbm>> -> memref<1x1x2x512xf32, #tpu.memory_space<hbm>>
      %dma_wait3A_327 = tpu.memref_squeeze %dma_wait3A_326 : memref<1x1x2x512xf32, #tpu.memory_space<hbm>> -> memref<2x512xf32, #tpu.memory_space<hbm>>
      tpu.wait_dma2 semaphore(%dma_wait3A_320 : memref<!tpu.dma_semaphore, #tpu.memory_space<semaphore_mem>>) src(%dma_wait3A_327 : memref<2x512xf32, #tpu.memory_space<hbm>>) dst(%dma_wait3A_324 : memref<2x512xf32, #tpu.memory_space<vmem>>)
      %ge3A_328 = arith.constant 2 : i32
      %ge3A_329 = arith.cmpi sge, %add3A_283, %ge3A_328 : i32
      %convert_element_type3A_330 = arith.extui %ge3A_329 : i1 to i32
      %cond3A_331 = arith.constant 0 : i32
      %cond3A_332 = arith.cmpi ne, %convert_element_type3A_330, %cond3A_331 : i32
      scf.if %cond3A_332 {
        %sub3A_375 = arith.constant 2 : i32
        %sub3A_376 = arith.subi %add3A_283, %sub3A_375 : i32
        %mul3A_377 = arith.constant 2 : i32
        %mul3A_378 = arith.muli %sub3A_376, %mul3A_377 : i32
        %add3A_379 = arith.addi %mul3A_32, %mul3A_378 : i32
        %dma_wait3A_380 = arith.constant 1 : i32
        %dma_wait3A_381 = arith.constant 1 : i32
        %dma_wait3A_382 = arith.constant 0 : i32
        %dma_wait3A_383 = arith.constant 0 : i32
        %dma_wait3A_384 = arith.constant 0 : i32
        %dma_wait3A_385 = tpu.memref_slice %arg9[%dma_wait3A_380, %dma_wait3A_382, %dma_wait3A_383, %dma_wait3A_384] : memref<2x3x2x512xf32, #tpu.memory_space<vmem>> -> memref<1x3x2x512xf32, #tpu.memory_space<vmem>>
        %dma_wait3A_386 = tpu.memref_squeeze %dma_wait3A_385 : memref<1x3x2x512xf32, #tpu.memory_space<vmem>> -> memref<3x2x512xf32, #tpu.memory_space<vmem>>
        %dma_wait3A_387 = arith.constant 0 : i32
        %dma_wait3A_388 = arith.constant 0 : i32
        %dma_wait3A_389 = tpu.memref_slice %arg5[%select_n3A, %dma_wait3A_387, %add3A_379, %dma_wait3A_388] : memref<4x3x512x512xf32, #tpu.memory_space<hbm>> -> memref<1x3x2x512xf32, #tpu.memory_space<hbm>>
        %dma_wait3A_390 = tpu.memref_squeeze %dma_wait3A_389 : memref<1x3x2x512xf32, #tpu.memory_space<hbm>> -> memref<3x2x512xf32, #tpu.memory_space<hbm>>
        %dma_wait3A_391 = tpu.memref_slice %arg12[%dma_wait3A_381] : memref<2x!tpu.dma_semaphore, #tpu.memory_space<semaphore_mem>> -> memref<1x!tpu.dma_semaphore, #tpu.memory_space<semaphore_mem>>
        %dma_wait3A_392 = tpu.memref_squeeze %dma_wait3A_391 : memref<1x!tpu.dma_semaphore, #tpu.memory_space<semaphore_mem>> -> memref<!tpu.dma_semaphore, #tpu.memory_space<semaphore_mem>>
        %dma_wait3A_393 = arith.constant 0 : i32
        %dma_wait3A_394 = arith.constant 0 : i32
        %dma_wait3A_395 = tpu.memref_slice %arg5[%select_n3A, %dma_wait3A_393, %add3A_379, %dma_wait3A_394] : memref<4x3x512x512xf32, #tpu.memory_space<hbm>> -> memref<1x3x2x512xf32, #tpu.memory_space<hbm>>
        %dma_wait3A_396 = tpu.memref_squeeze %dma_wait3A_395 : memref<1x3x2x512xf32, #tpu.memory_space<hbm>> -> memref<3x2x512xf32, #tpu.memory_space<hbm>>
        %dma_wait3A_397 = arith.constant 0 : i32
        %dma_wait3A_398 = arith.constant 0 : i32
        %dma_wait3A_399 = arith.constant 0 : i32
        %dma_wait3A_400 = tpu.memref_slice %arg9[%dma_wait3A_380, %dma_wait3A_397, %dma_wait3A_398, %dma_wait3A_399] : memref<2x3x2x512xf32, #tpu.memory_space<vmem>> -> memref<1x3x2x512xf32, #tpu.memory_space<vmem>>
        %dma_wait3A_401 = tpu.memref_squeeze %dma_wait3A_400 : memref<1x3x2x512xf32, #tpu.memory_space<vmem>> -> memref<3x2x512xf32, #tpu.memory_space<vmem>>
        tpu.wait_dma2 semaphore(%dma_wait3A_392 : memref<!tpu.dma_semaphore, #tpu.memory_space<semaphore_mem>>) src(%dma_wait3A_401 : memref<3x2x512xf32, #tpu.memory_space<vmem>>) dst(%dma_wait3A_396 : memref<3x2x512xf32, #tpu.memory_space<hbm>>)
      } else {
      }
      %scan3A_333 = arith.constant 0 : i32
      %scan3A_334 = arith.constant 32 : i32
      %scan3A_335 = arith.addi %scan3A_333, %scan3A_334 : i32
      %scan3A_336 = arith.constant 1 : i32
      scf.for %scan3A_375 = %scan3A_333 to %scan3A_335 step %scan3A_336  : i32 {
        %mul3A_376 = arith.constant 16 : i32
        %mul3A_377 = arith.muli %scan3A_375, %mul3A_376 : i32
        %add3A_378 = arith.constant 0 : i32
        %add3A_379 = arith.addi %add3A_378, %mul3A_377 : i32
        %get3A = arith.constant 1 : i32
        %get3A_380 = arith.constant 0 : i32
        %get3A_381 = arith.constant 0 : i32
        %get3A_382 = arith.index_cast %get3A : i32 to index
        %get3A_383 = arith.index_cast %get3A_380 : i32 to index
        %get3A_384 = arith.index_cast %get3A_381 : i32 to index
        %get3A_385 = arith.index_cast %add3A_379 : i32 to index
        %get3A_386 = tpu.vector_load %arg7[%get3A_382, %get3A_383, %get3A_384, %get3A_385] {strides = array<i32>} : memref<2x3x2x512xf32, #tpu.memory_space<vmem>>, vector<16xf32>,
        %get3A_387 = arith.constant 1 : i32
        %get3A_388 = arith.constant 1 : i32
        %get3A_389 = arith.constant 0 : i32
        %get3A_390 = arith.index_cast %get3A_387 : i32 to index
        %get3A_391 = arith.index_cast %get3A_388 : i32 to index
        %get3A_392 = arith.index_cast %get3A_389 : i32 to index
        %get3A_393 = arith.index_cast %add3A_379 : i32 to index
        %get3A_394 = tpu.vector_load %arg7[%get3A_390, %get3A_391, %get3A_392, %get3A_393] {strides = array<i32>} : memref<2x3x2x512xf32, #tpu.memory_space<vmem>>, vector<16xf32>,
        %get3A_395 = arith.constant 1 : i32
        %get3A_396 = arith.constant 2 : i32
        %get3A_397 = arith.constant 0 : i32
        %get3A_398 = arith.index_cast %get3A_395 : i32 to index
        %get3A_399 = arith.index_cast %get3A_396 : i32 to index
        %get3A_400 = arith.index_cast %get3A_397 : i32 to index
        %get3A_401 = arith.index_cast %add3A_379 : i32 to index
        %get3A_402 = tpu.vector_load %arg7[%get3A_398, %get3A_399, %get3A_400, %get3A_401] {strides = array<i32>} : memref<2x3x2x512xf32, #tpu.memory_space<vmem>>, vector<16xf32>,
        %get3A_403 = arith.constant 1 : i32
        %get3A_404 = arith.constant 0 : i32
        %get3A_405 = arith.index_cast %get3A_403 : i32 to index
        %get3A_406 = arith.index_cast %get3A_404 : i32 to index
        %get3A_407 = arith.index_cast %add3A_379 : i32 to index
        %get3A_408 = tpu.vector_load %arg8[%get3A_405, %get3A_406, %get3A_407] {strides = array<i32>} : memref<2x2x512xf32, #tpu.memory_space<vmem>>, vector<16xf32>,
        %mul3A_409 = arith.constant 31.9999676 : f32
        %mul3A_410 = vector.broadcast %mul3A_409 : f32 to vector<16xf32>
        %mul3A_411 = arith.mulf %get3A_386, %mul3A_410 : vector<16xf32>
        %mul3A_412 = arith.constant 31.9999676 : f32
        %mul3A_413 = vector.broadcast %mul3A_412 : f32 to vector<16xf32>
        %mul3A_414 = arith.mulf %get3A_394, %mul3A_413 : vector<16xf32>
        %mul3A_415 = arith.constant 31.9999676 : f32
        %mul3A_416 = vector.broadcast %mul3A_415 : f32 to vector<16xf32>
        %mul3A_417 = arith.mulf %get3A_402, %mul3A_416 : vector<16xf32>
        %convert_element_type3A_418 = arith.fptosi %mul3A_411 : vector<16xf32> to vector<16xi32>
        %convert_element_type3A_419 = arith.fptosi %mul3A_414 : vector<16xf32> to vector<16xi32>
        %convert_element_type3A_420 = arith.fptosi %mul3A_417 : vector<16xf32> to vector<16xi32>
        %convert_element_type3A_421 = arith.sitofp %convert_element_type3A_418 : vector<16xi32> to vector<16xf32>
        %sub3A_422 = arith.subf %mul3A_411, %convert_element_type3A_421 : vector<16xf32>
        %convert_element_type3A_423 = arith.sitofp %convert_element_type3A_419 : vector<16xi32> to vector<16xf32>
        %sub3A_424 = arith.subf %mul3A_414, %convert_element_type3A_423 : vector<16xf32>
        %convert_element_type3A_425 = arith.sitofp %convert_element_type3A_420 : vector<16xi32> to vector<16xf32>
        %sub3A_426 = arith.subf %mul3A_417, %convert_element_type3A_425 : vector<16xf32>
        %sub3A_427 = arith.constant 1.000000e+00 : f32
        %sub3A_428 = vector.broadcast %sub3A_427 : f32 to vector<16xf32>
        %sub3A_429 = arith.subf %sub3A_428, %sub3A_422 : vector<16xf32>
        %sub3A_430 = arith.constant 1.000000e+00 : f32
        %sub3A_431 = vector.broadcast %sub3A_430 : f32 to vector<16xf32>
        %sub3A_432 = arith.subf %sub3A_431, %sub3A_424 : vector<16xf32>
        %sub3A_433 = arith.constant 1.000000e+00 : f32
        %sub3A_434 = vector.broadcast %sub3A_433 : f32 to vector<16xf32>
        %sub3A_435 = arith.subf %sub3A_434, %sub3A_426 : vector<16xf32>
        %mul3A_436 = arith.mulf %sub3A_429, %sub3A_432 : vector<16xf32>
        %mul3A_437 = arith.mulf %sub3A_422, %sub3A_432 : vector<16xf32>
        %mul3A_438 = arith.mulf %sub3A_429, %sub3A_424 : vector<16xf32>
        %mul3A_439 = arith.mulf %sub3A_422, %sub3A_424 : vector<16xf32>
        %mul3A_440 = arith.mulf %mul3A_436, %sub3A_435 : vector<16xf32>
        %mul3A_441 = arith.mulf %mul3A_437, %sub3A_435 : vector<16xf32>
        %mul3A_442 = arith.mulf %mul3A_438, %sub3A_435 : vector<16xf32>
        %mul3A_443 = arith.mulf %mul3A_439, %sub3A_435 : vector<16xf32>
        %mul3A_444 = arith.mulf %mul3A_436, %sub3A_426 : vector<16xf32>
        %mul3A_445 = arith.mulf %mul3A_437, %sub3A_426 : vector<16xf32>
        %mul3A_446 = arith.mulf %mul3A_438, %sub3A_426 : vector<16xf32>
        %mul3A_447 = arith.mulf %mul3A_439, %sub3A_426 : vector<16xf32>
        %mul3A_448 = arith.constant 33 : i32
        %mul3A_449 = vector.broadcast %mul3A_448 : i32 to vector<16xi32>
        %mul3A_450 = arith.muli %convert_element_type3A_419, %mul3A_449 : vector<16xi32>
        %add3A_451 = arith.addi %convert_element_type3A_418, %mul3A_450 : vector<16xi32>
        %mul3A_452 = arith.constant 1089 : i32
        %mul3A_453 = vector.broadcast %mul3A_452 : i32 to vector<16xi32>
        %mul3A_454 = arith.muli %convert_element_type3A_420, %mul3A_453 : vector<16xi32>
        %add3A_455 = arith.addi %add3A_451, %mul3A_454 : vector<16xi32>
        %add3A_456 = arith.constant 1 : i32
        %add3A_457 = vector.broadcast %add3A_456 : i32 to vector<16xi32>
        %add3A_458 = arith.addi %add3A_455, %add3A_457 : vector<16xi32>
        %add3A_459 = arith.constant 33 : i32
        %add3A_460 = vector.broadcast %add3A_459 : i32 to vector<16xi32>
        %add3A_461 = arith.addi %add3A_455, %add3A_460 : vector<16xi32>
        %add3A_462 = arith.constant 34 : i32
        %add3A_463 = vector.broadcast %add3A_462 : i32 to vector<16xi32>
        %add3A_464 = arith.addi %add3A_455, %add3A_463 : vector<16xi32>
        %add3A_465 = arith.constant 1089 : i32
        %add3A_466 = vector.broadcast %add3A_465 : i32 to vector<16xi32>
        %add3A_467 = arith.addi %add3A_455, %add3A_466 : vector<16xi32>
        %add3A_468 = arith.constant 1090 : i32
        %add3A_469 = vector.broadcast %add3A_468 : i32 to vector<16xi32>
        %add3A_470 = arith.addi %add3A_455, %add3A_469 : vector<16xi32>
        %add3A_471 = arith.constant 1122 : i32
        %add3A_472 = vector.broadcast %add3A_471 : i32 to vector<16xi32>
        %add3A_473 = arith.addi %add3A_455, %add3A_472 : vector<16xi32>
        %add3A_474 = arith.constant 1123 : i32
        %add3A_475 = vector.broadcast %add3A_474 : i32 to vector<16xi32>
        %add3A_476 = arith.addi %add3A_455, %add3A_475 : vector<16xi32>
        %sub3A_477 = arith.constant 1.000000e+00 : f32
        %sub3A_478 = vector.broadcast %sub3A_477 : f32 to vector<16xf32>
        %sub3A_479 = arith.subf %sub3A_478, %get3A_408 : vector<16xf32>
        %gather3A = arith.constant 0 : i32
        %gather3A_480 = tpu.memref_slice %arg6[%gather3A] : memref<108672xf32, #tpu.memory_space<vmem>> -> memref<36224xf32, #tpu.memory_space<vmem>>
        %gather3A_481 = tpu.vector_load_idx %gather3A_480[%add3A_455] : memref<36224xf32, #tpu.memory_space<vmem>>[vector<16xi32>], vector<16xf32>,
        %gather3A_482 = arith.constant 0 : i32
        %gather3A_483 = tpu.memref_slice %arg6[%gather3A_482] : memref<108672xf32, #tpu.memory_space<vmem>> -> memref<36224xf32, #tpu.memory_space<vmem>>
        %gather3A_484 = tpu.vector_load_idx %gather3A_483[%add3A_458] : memref<36224xf32, #tpu.memory_space<vmem>>[vector<16xi32>], vector<16xf32>,
        %gather3A_485 = arith.constant 0 : i32
        %gather3A_486 = tpu.memref_slice %arg6[%gather3A_485] : memref<108672xf32, #tpu.memory_space<vmem>> -> memref<36224xf32, #tpu.memory_space<vmem>>
        %gather3A_487 = tpu.vector_load_idx %gather3A_486[%add3A_461] : memref<36224xf32, #tpu.memory_space<vmem>>[vector<16xi32>], vector<16xf32>,
        %gather3A_488 = arith.constant 0 : i32
        %gather3A_489 = tpu.memref_slice %arg6[%gather3A_488] : memref<108672xf32, #tpu.memory_space<vmem>> -> memref<36224xf32, #tpu.memory_space<vmem>>
        %gather3A_490 = tpu.vector_load_idx %gather3A_489[%add3A_464] : memref<36224xf32, #tpu.memory_space<vmem>>[vector<16xi32>], vector<16xf32>,
        %gather3A_491 = arith.constant 0 : i32
        %gather3A_492 = tpu.memref_slice %arg6[%gather3A_491] : memref<108672xf32, #tpu.memory_space<vmem>> -> memref<36224xf32, #tpu.memory_space<vmem>>
        %gather3A_493 = tpu.vector_load_idx %gather3A_492[%add3A_467] : memref<36224xf32, #tpu.memory_space<vmem>>[vector<16xi32>], vector<16xf32>,
        %gather3A_494 = arith.constant 0 : i32
        %gather3A_495 = tpu.memref_slice %arg6[%gather3A_494] : memref<108672xf32, #tpu.memory_space<vmem>> -> memref<36224xf32, #tpu.memory_space<vmem>>
        %gather3A_496 = tpu.vector_load_idx %gather3A_495[%add3A_470] : memref<36224xf32, #tpu.memory_space<vmem>>[vector<16xi32>], vector<16xf32>,
        %gather3A_497 = arith.constant 0 : i32
        %gather3A_498 = tpu.memref_slice %arg6[%gather3A_497] : memref<108672xf32, #tpu.memory_space<vmem>> -> memref<36224xf32, #tpu.memory_space<vmem>>
        %gather3A_499 = tpu.vector_load_idx %gather3A_498[%add3A_473] : memref<36224xf32, #tpu.memory_space<vmem>>[vector<16xi32>], vector<16xf32>,
        %gather3A_500 = arith.constant 0 : i32
        %gather3A_501 = tpu.memref_slice %arg6[%gather3A_500] : memref<108672xf32, #tpu.memory_space<vmem>> -> memref<36224xf32, #tpu.memory_space<vmem>>
        %gather3A_502 = tpu.vector_load_idx %gather3A_501[%add3A_476] : memref<36224xf32, #tpu.memory_space<vmem>>[vector<16xi32>], vector<16xf32>,
        %mul3A_503 = arith.mulf %gather3A_481, %mul3A_440 : vector<16xf32>
        %mul3A_504 = arith.mulf %gather3A_484, %mul3A_441 : vector<16xf32>
        %add3A_505 = arith.addf %mul3A_503, %mul3A_504 : vector<16xf32>
        %mul3A_506 = arith.mulf %gather3A_487, %mul3A_442 : vector<16xf32>
        %mul3A_507 = arith.mulf %gather3A_490, %mul3A_443 : vector<16xf32>
        %add3A_508 = arith.addf %mul3A_506, %mul3A_507 : vector<16xf32>
        %add3A_509 = arith.addf %add3A_505, %add3A_508 : vector<16xf32>
        %mul3A_510 = arith.mulf %gather3A_493, %mul3A_444 : vector<16xf32>
        %mul3A_511 = arith.mulf %gather3A_496, %mul3A_445 : vector<16xf32>
        %add3A_512 = arith.addf %mul3A_510, %mul3A_511 : vector<16xf32>
        %mul3A_513 = arith.mulf %gather3A_499, %mul3A_446 : vector<16xf32>
        %mul3A_514 = arith.mulf %gather3A_502, %mul3A_447 : vector<16xf32>
        %add3A_515 = arith.addf %mul3A_513, %mul3A_514 : vector<16xf32>
        %add3A_516 = arith.addf %add3A_512, %add3A_515 : vector<16xf32>
        %add3A_517 = arith.addf %add3A_509, %add3A_516 : vector<16xf32>
        %mul3A_518 = arith.mulf %add3A_517, %get3A_408 : vector<16xf32>
        %mul3A_519 = arith.mulf %get3A_386, %sub3A_479 : vector<16xf32>
        %add3A_520 = arith.addf %mul3A_518, %mul3A_519 : vector<16xf32>
        %swap3A = arith.constant 1 : i32
        %swap3A_521 = arith.constant 0 : i32
        %swap3A_522 = arith.constant 0 : i32
        %swap3A_523 = arith.index_cast %swap3A : i32 to index
        %swap3A_524 = arith.index_cast %swap3A_521 : i32 to index
        %swap3A_525 = arith.index_cast %swap3A_522 : i32 to index
        %swap3A_526 = arith.index_cast %add3A_379 : i32 to index
        %swap3A_527 = tpu.vector_load %arg9[%swap3A_523, %swap3A_524, %swap3A_525, %swap3A_526] {strides = array<i32>} : memref<2x3x2x512xf32, #tpu.memory_space<vmem>>, vector<16xf32>,
        tpu.vector_store %arg9[%swap3A_523, %swap3A_524, %swap3A_525, %swap3A_526], %add3A_520 {strides = array<i32>} : memref<2x3x2x512xf32, #tpu.memory_space<vmem>>, vector<16xf32>,
        %gather3A_528 = arith.constant 36224 : i32
        %gather3A_529 = tpu.memref_slice %arg6[%gather3A_528] : memref<108672xf32, #tpu.memory_space<vmem>> -> memref<36224xf32, #tpu.memory_space<vmem>>
        %gather3A_530 = tpu.vector_load_idx %gather3A_529[%add3A_455] : memref<36224xf32, #tpu.memory_space<vmem>>[vector<16xi32>], vector<16xf32>,
        %gather3A_531 = arith.constant 36224 : i32
        %gather3A_532 = tpu.memref_slice %arg6[%gather3A_531] : memref<108672xf32, #tpu.memory_space<vmem>> -> memref<36224xf32, #tpu.memory_space<vmem>>
        %gather3A_533 = tpu.vector_load_idx %gather3A_532[%add3A_458] : memref<36224xf32, #tpu.memory_space<vmem>>[vector<16xi32>], vector<16xf32>,
        %gather3A_534 = arith.constant 36224 : i32
        %gather3A_535 = tpu.memref_slice %arg6[%gather3A_534] : memref<108672xf32, #tpu.memory_space<vmem>> -> memref<36224xf32, #tpu.memory_space<vmem>>
        %gather3A_536 = tpu.vector_load_idx %gather3A_535[%add3A_461] : memref<36224xf32, #tpu.memory_space<vmem>>[vector<16xi32>], vector<16xf32>,
        %gather3A_537 = arith.constant 36224 : i32
        %gather3A_538 = tpu.memref_slice %arg6[%gather3A_537] : memref<108672xf32, #tpu.memory_space<vmem>> -> memref<36224xf32, #tpu.memory_space<vmem>>
        %gather3A_539 = tpu.vector_load_idx %gather3A_538[%add3A_464] : memref<36224xf32, #tpu.memory_space<vmem>>[vector<16xi32>], vector<16xf32>,
        %gather3A_540 = arith.constant 36224 : i32
        %gather3A_541 = tpu.memref_slice %arg6[%gather3A_540] : memref<108672xf32, #tpu.memory_space<vmem>> -> memref<36224xf32, #tpu.memory_space<vmem>>
        %gather3A_542 = tpu.vector_load_idx %gather3A_541[%add3A_467] : memref<36224xf32, #tpu.memory_space<vmem>>[vector<16xi32>], vector<16xf32>,
        %gather3A_543 = arith.constant 36224 : i32
        %gather3A_544 = tpu.memref_slice %arg6[%gather3A_543] : memref<108672xf32, #tpu.memory_space<vmem>> -> memref<36224xf32, #tpu.memory_space<vmem>>
        %gather3A_545 = tpu.vector_load_idx %gather3A_544[%add3A_470] : memref<36224xf32, #tpu.memory_space<vmem>>[vector<16xi32>], vector<16xf32>,
        %gather3A_546 = arith.constant 36224 : i32
        %gather3A_547 = tpu.memref_slice %arg6[%gather3A_546] : memref<108672xf32, #tpu.memory_space<vmem>> -> memref<36224xf32, #tpu.memory_space<vmem>>
        %gather3A_548 = tpu.vector_load_idx %gather3A_547[%add3A_473] : memref<36224xf32, #tpu.memory_space<vmem>>[vector<16xi32>], vector<16xf32>,
        %gather3A_549 = arith.constant 36224 : i32
        %gather3A_550 = tpu.memref_slice %arg6[%gather3A_549] : memref<108672xf32, #tpu.memory_space<vmem>> -> memref<36224xf32, #tpu.memory_space<vmem>>
        %gather3A_551 = tpu.vector_load_idx %gather3A_550[%add3A_476] : memref<36224xf32, #tpu.memory_space<vmem>>[vector<16xi32>], vector<16xf32>,
        %mul3A_552 = arith.mulf %gather3A_530, %mul3A_440 : vector<16xf32>
        %mul3A_553 = arith.mulf %gather3A_533, %mul3A_441 : vector<16xf32>
        %add3A_554 = arith.addf %mul3A_552, %mul3A_553 : vector<16xf32>
        %mul3A_555 = arith.mulf %gather3A_536, %mul3A_442 : vector<16xf32>
        %mul3A_556 = arith.mulf %gather3A_539, %mul3A_443 : vector<16xf32>
        %add3A_557 = arith.addf %mul3A_555, %mul3A_556 : vector<16xf32>
        %add3A_558 = arith.addf %add3A_554, %add3A_557 : vector<16xf32>
        %mul3A_559 = arith.mulf %gather3A_542, %mul3A_444 : vector<16xf32>
        %mul3A_560 = arith.mulf %gather3A_545, %mul3A_445 : vector<16xf32>
        %add3A_561 = arith.addf %mul3A_559, %mul3A_560 : vector<16xf32>
        %mul3A_562 = arith.mulf %gather3A_548, %mul3A_446 : vector<16xf32>
        %mul3A_563 = arith.mulf %gather3A_551, %mul3A_447 : vector<16xf32>
        %add3A_564 = arith.addf %mul3A_562, %mul3A_563 : vector<16xf32>
        %add3A_565 = arith.addf %add3A_561, %add3A_564 : vector<16xf32>
        %add3A_566 = arith.addf %add3A_558, %add3A_565 : vector<16xf32>
        %mul3A_567 = arith.mulf %add3A_566, %get3A_408 : vector<16xf32>
        %mul3A_568 = arith.mulf %get3A_394, %sub3A_479 : vector<16xf32>
        %add3A_569 = arith.addf %mul3A_567, %mul3A_568 : vector<16xf32>
        %swap3A_570 = arith.constant 1 : i32
        %swap3A_571 = arith.constant 1 : i32
        %swap3A_572 = arith.constant 0 : i32
        %swap3A_573 = arith.index_cast %swap3A_570 : i32 to index
        %swap3A_574 = arith.index_cast %swap3A_571 : i32 to index
        %swap3A_575 = arith.index_cast %swap3A_572 : i32 to index
        %swap3A_576 = arith.index_cast %add3A_379 : i32 to index
        %swap3A_577 = tpu.vector_load %arg9[%swap3A_573, %swap3A_574, %swap3A_575, %swap3A_576] {strides = array<i32>} : memref<2x3x2x512xf32, #tpu.memory_space<vmem>>, vector<16xf32>,
        tpu.vector_store %arg9[%swap3A_573, %swap3A_574, %swap3A_575, %swap3A_576], %add3A_569 {strides = array<i32>} : memref<2x3x2x512xf32, #tpu.memory_space<vmem>>, vector<16xf32>,
        %gather3A_578 = arith.constant 72448 : i32
        %gather3A_579 = tpu.memref_slice %arg6[%gather3A_578] : memref<108672xf32, #tpu.memory_space<vmem>> -> memref<36224xf32, #tpu.memory_space<vmem>>
        %gather3A_580 = tpu.vector_load_idx %gather3A_579[%add3A_455] : memref<36224xf32, #tpu.memory_space<vmem>>[vector<16xi32>], vector<16xf32>,
        %gather3A_581 = arith.constant 72448 : i32
        %gather3A_582 = tpu.memref_slice %arg6[%gather3A_581] : memref<108672xf32, #tpu.memory_space<vmem>> -> memref<36224xf32, #tpu.memory_space<vmem>>
        %gather3A_583 = tpu.vector_load_idx %gather3A_582[%add3A_458] : memref<36224xf32, #tpu.memory_space<vmem>>[vector<16xi32>], vector<16xf32>,
        %gather3A_584 = arith.constant 72448 : i32
        %gather3A_585 = tpu.memref_slice %arg6[%gather3A_584] : memref<108672xf32, #tpu.memory_space<vmem>> -> memref<36224xf32, #tpu.memory_space<vmem>>
        %gather3A_586 = tpu.vector_load_idx %gather3A_585[%add3A_461] : memref<36224xf32, #tpu.memory_space<vmem>>[vector<16xi32>], vector<16xf32>,
        %gather3A_587 = arith.constant 72448 : i32
        %gather3A_588 = tpu.memref_slice %arg6[%gather3A_587] : memref<108672xf32, #tpu.memory_space<vmem>> -> memref<36224xf32, #tpu.memory_space<vmem>>
        %gather3A_589 = tpu.vector_load_idx %gather3A_588[%add3A_464] : memref<36224xf32, #tpu.memory_space<vmem>>[vector<16xi32>], vector<16xf32>,
        %gather3A_590 = arith.constant 72448 : i32
        %gather3A_591 = tpu.memref_slice %arg6[%gather3A_590] : memref<108672xf32, #tpu.memory_space<vmem>> -> memref<36224xf32, #tpu.memory_space<vmem>>
        %gather3A_592 = tpu.vector_load_idx %gather3A_591[%add3A_467] : memref<36224xf32, #tpu.memory_space<vmem>>[vector<16xi32>], vector<16xf32>,
        %gather3A_593 = arith.constant 72448 : i32
        %gather3A_594 = tpu.memref_slice %arg6[%gather3A_593] : memref<108672xf32, #tpu.memory_space<vmem>> -> memref<36224xf32, #tpu.memory_space<vmem>>
        %gather3A_595 = tpu.vector_load_idx %gather3A_594[%add3A_470] : memref<36224xf32, #tpu.memory_space<vmem>>[vector<16xi32>], vector<16xf32>,
        %gather3A_596 = arith.constant 72448 : i32
        %gather3A_597 = tpu.memref_slice %arg6[%gather3A_596] : memref<108672xf32, #tpu.memory_space<vmem>> -> memref<36224xf32, #tpu.memory_space<vmem>>
        %gather3A_598 = tpu.vector_load_idx %gather3A_597[%add3A_473] : memref<36224xf32, #tpu.memory_space<vmem>>[vector<16xi32>], vector<16xf32>,
        %gather3A_599 = arith.constant 72448 : i32
        %gather3A_600 = tpu.memref_slice %arg6[%gather3A_599] : memref<108672xf32, #tpu.memory_space<vmem>> -> memref<36224xf32, #tpu.memory_space<vmem>>
        %gather3A_601 = tpu.vector_load_idx %gather3A_600[%add3A_476] : memref<36224xf32, #tpu.memory_space<vmem>>[vector<16xi32>], vector<16xf32>,
        %mul3A_602 = arith.mulf %gather3A_580, %mul3A_440 : vector<16xf32>
        %mul3A_603 = arith.mulf %gather3A_583, %mul3A_441 : vector<16xf32>
        %add3A_604 = arith.addf %mul3A_602, %mul3A_603 : vector<16xf32>
        %mul3A_605 = arith.mulf %gather3A_586, %mul3A_442 : vector<16xf32>
        %mul3A_606 = arith.mulf %gather3A_589, %mul3A_443 : vector<16xf32>
        %add3A_607 = arith.addf %mul3A_605, %mul3A_606 : vector<16xf32>
        %add3A_608 = arith.addf %add3A_604, %add3A_607 : vector<16xf32>
        %mul3A_609 = arith.mulf %gather3A_592, %mul3A_444 : vector<16xf32>
        %mul3A_610 = arith.mulf %gather3A_595, %mul3A_445 : vector<16xf32>
        %add3A_611 = arith.addf %mul3A_609, %mul3A_610 : vector<16xf32>
        %mul3A_612 = arith.mulf %gather3A_598, %mul3A_446 : vector<16xf32>
        %mul3A_613 = arith.mulf %gather3A_601, %mul3A_447 : vector<16xf32>
        %add3A_614 = arith.addf %mul3A_612, %mul3A_613 : vector<16xf32>
        %add3A_615 = arith.addf %add3A_611, %add3A_614 : vector<16xf32>
        %add3A_616 = arith.addf %add3A_608, %add3A_615 : vector<16xf32>
        %mul3A_617 = arith.mulf %add3A_616, %get3A_408 : vector<16xf32>
        %mul3A_618 = arith.mulf %get3A_402, %sub3A_479 : vector<16xf32>
        %add3A_619 = arith.addf %mul3A_617, %mul3A_618 : vector<16xf32>
        %swap3A_620 = arith.constant 1 : i32
        %swap3A_621 = arith.constant 2 : i32
        %swap3A_622 = arith.constant 0 : i32
        %swap3A_623 = arith.index_cast %swap3A_620 : i32 to index
        %swap3A_624 = arith.index_cast %swap3A_621 : i32 to index
        %swap3A_625 = arith.index_cast %swap3A_622 : i32 to index
        %swap3A_626 = arith.index_cast %add3A_379 : i32 to index
        %swap3A_627 = tpu.vector_load %arg9[%swap3A_623, %swap3A_624, %swap3A_625, %swap3A_626] {strides = array<i32>} : memref<2x3x2x512xf32, #tpu.memory_space<vmem>>, vector<16xf32>,
        tpu.vector_store %arg9[%swap3A_623, %swap3A_624, %swap3A_625, %swap3A_626], %add3A_619 {strides = array<i32>} : memref<2x3x2x512xf32, #tpu.memory_space<vmem>>, vector<16xf32>,
      }
      %scan3A_337 = arith.constant 32 : i32
      %scan3A_338 = arith.constant 0 : i32
      %scan3A_339 = arith.constant 32 : i32
      %scan3A_340 = arith.addi %scan3A_338, %scan3A_339 : i32
      %scan3A_341 = arith.constant 1 : i32
      scf.for %scan3A_375 = %scan3A_338 to %scan3A_340 step %scan3A_341  : i32 {
        %mul3A_376 = arith.constant 16 : i32
        %mul3A_377 = arith.muli %scan3A_375, %mul3A_376 : i32
        %add3A_378 = arith.constant 0 : i32
        %add3A_379 = arith.addi %add3A_378, %mul3A_377 : i32
        %get3A = arith.constant 1 : i32
        %get3A_380 = arith.constant 0 : i32
        %get3A_381 = arith.constant 1 : i32
        %get3A_382 = arith.index_cast %get3A : i32 to index
        %get3A_383 = arith.index_cast %get3A_380 : i32 to index
        %get3A_384 = arith.index_cast %get3A_381 : i32 to index
        %get3A_385 = arith.index_cast %add3A_379 : i32 to index
        %get3A_386 = tpu.vector_load %arg7[%get3A_382, %get3A_383, %get3A_384, %get3A_385] {strides = array<i32>} : memref<2x3x2x512xf32, #tpu.memory_space<vmem>>, vector<16xf32>,
        %get3A_387 = arith.constant 1 : i32
        %get3A_388 = arith.constant 1 : i32
        %get3A_389 = arith.constant 1 : i32
        %get3A_390 = arith.index_cast %get3A_387 : i32 to index
        %get3A_391 = arith.index_cast %get3A_388 : i32 to index
        %get3A_392 = arith.index_cast %get3A_389 : i32 to index
        %get3A_393 = arith.index_cast %add3A_379 : i32 to index
        %get3A_394 = tpu.vector_load %arg7[%get3A_390, %get3A_391, %get3A_392, %get3A_393] {strides = array<i32>} : memref<2x3x2x512xf32, #tpu.memory_space<vmem>>, vector<16xf32>,
        %get3A_395 = arith.constant 1 : i32
        %get3A_396 = arith.constant 2 : i32
        %get3A_397 = arith.constant 1 : i32
        %get3A_398 = arith.index_cast %get3A_395 : i32 to index
        %get3A_399 = arith.index_cast %get3A_396 : i32 to index
        %get3A_400 = arith.index_cast %get3A_397 : i32 to index
        %get3A_401 = arith.index_cast %add3A_379 : i32 to index
        %get3A_402 = tpu.vector_load %arg7[%get3A_398, %get3A_399, %get3A_400, %get3A_401] {strides = array<i32>} : memref<2x3x2x512xf32, #tpu.memory_space<vmem>>, vector<16xf32>,
        %get3A_403 = arith.constant 1 : i32
        %get3A_404 = arith.constant 1 : i32
        %get3A_405 = arith.index_cast %get3A_403 : i32 to index
        %get3A_406 = arith.index_cast %get3A_404 : i32 to index
        %get3A_407 = arith.index_cast %add3A_379 : i32 to index
        %get3A_408 = tpu.vector_load %arg8[%get3A_405, %get3A_406, %get3A_407] {strides = array<i32>} : memref<2x2x512xf32, #tpu.memory_space<vmem>>, vector<16xf32>,
        %mul3A_409 = arith.constant 31.9999676 : f32
        %mul3A_410 = vector.broadcast %mul3A_409 : f32 to vector<16xf32>
        %mul3A_411 = arith.mulf %get3A_386, %mul3A_410 : vector<16xf32>
        %mul3A_412 = arith.constant 31.9999676 : f32
        %mul3A_413 = vector.broadcast %mul3A_412 : f32 to vector<16xf32>
        %mul3A_414 = arith.mulf %get3A_394, %mul3A_413 : vector<16xf32>
        %mul3A_415 = arith.constant 31.9999676 : f32
        %mul3A_416 = vector.broadcast %mul3A_415 : f32 to vector<16xf32>
        %mul3A_417 = arith.mulf %get3A_402, %mul3A_416 : vector<16xf32>
        %convert_element_type3A_418 = arith.fptosi %mul3A_411 : vector<16xf32> to vector<16xi32>
        %convert_element_type3A_419 = arith.fptosi %mul3A_414 : vector<16xf32> to vector<16xi32>
        %convert_element_type3A_420 = arith.fptosi %mul3A_417 : vector<16xf32> to vector<16xi32>
        %convert_element_type3A_421 = arith.sitofp %convert_element_type3A_418 : vector<16xi32> to vector<16xf32>
        %sub3A_422 = arith.subf %mul3A_411, %convert_element_type3A_421 : vector<16xf32>
        %convert_element_type3A_423 = arith.sitofp %convert_element_type3A_419 : vector<16xi32> to vector<16xf32>
        %sub3A_424 = arith.subf %mul3A_414, %convert_element_type3A_423 : vector<16xf32>
        %convert_element_type3A_425 = arith.sitofp %convert_element_type3A_420 : vector<16xi32> to vector<16xf32>
        %sub3A_426 = arith.subf %mul3A_417, %convert_element_type3A_425 : vector<16xf32>
        %sub3A_427 = arith.constant 1.000000e+00 : f32
        %sub3A_428 = vector.broadcast %sub3A_427 : f32 to vector<16xf32>
        %sub3A_429 = arith.subf %sub3A_428, %sub3A_422 : vector<16xf32>
        %sub3A_430 = arith.constant 1.000000e+00 : f32
        %sub3A_431 = vector.broadcast %sub3A_430 : f32 to vector<16xf32>
        %sub3A_432 = arith.subf %sub3A_431, %sub3A_424 : vector<16xf32>
        %sub3A_433 = arith.constant 1.000000e+00 : f32
        %sub3A_434 = vector.broadcast %sub3A_433 : f32 to vector<16xf32>
        %sub3A_435 = arith.subf %sub3A_434, %sub3A_426 : vector<16xf32>
        %mul3A_436 = arith.mulf %sub3A_429, %sub3A_432 : vector<16xf32>
        %mul3A_437 = arith.mulf %sub3A_422, %sub3A_432 : vector<16xf32>
        %mul3A_438 = arith.mulf %sub3A_429, %sub3A_424 : vector<16xf32>
        %mul3A_439 = arith.mulf %sub3A_422, %sub3A_424 : vector<16xf32>
        %mul3A_440 = arith.mulf %mul3A_436, %sub3A_435 : vector<16xf32>
        %mul3A_441 = arith.mulf %mul3A_437, %sub3A_435 : vector<16xf32>
        %mul3A_442 = arith.mulf %mul3A_438, %sub3A_435 : vector<16xf32>
        %mul3A_443 = arith.mulf %mul3A_439, %sub3A_435 : vector<16xf32>
        %mul3A_444 = arith.mulf %mul3A_436, %sub3A_426 : vector<16xf32>
        %mul3A_445 = arith.mulf %mul3A_437, %sub3A_426 : vector<16xf32>
        %mul3A_446 = arith.mulf %mul3A_438, %sub3A_426 : vector<16xf32>
        %mul3A_447 = arith.mulf %mul3A_439, %sub3A_426 : vector<16xf32>
        %mul3A_448 = arith.constant 33 : i32
        %mul3A_449 = vector.broadcast %mul3A_448 : i32 to vector<16xi32>
        %mul3A_450 = arith.muli %convert_element_type3A_419, %mul3A_449 : vector<16xi32>
        %add3A_451 = arith.addi %convert_element_type3A_418, %mul3A_450 : vector<16xi32>
        %mul3A_452 = arith.constant 1089 : i32
        %mul3A_453 = vector.broadcast %mul3A_452 : i32 to vector<16xi32>
        %mul3A_454 = arith.muli %convert_element_type3A_420, %mul3A_453 : vector<16xi32>
        %add3A_455 = arith.addi %add3A_451, %mul3A_454 : vector<16xi32>
        %add3A_456 = arith.constant 1 : i32
        %add3A_457 = vector.broadcast %add3A_456 : i32 to vector<16xi32>
        %add3A_458 = arith.addi %add3A_455, %add3A_457 : vector<16xi32>
        %add3A_459 = arith.constant 33 : i32
        %add3A_460 = vector.broadcast %add3A_459 : i32 to vector<16xi32>
        %add3A_461 = arith.addi %add3A_455, %add3A_460 : vector<16xi32>
        %add3A_462 = arith.constant 34 : i32
        %add3A_463 = vector.broadcast %add3A_462 : i32 to vector<16xi32>
        %add3A_464 = arith.addi %add3A_455, %add3A_463 : vector<16xi32>
        %add3A_465 = arith.constant 1089 : i32
        %add3A_466 = vector.broadcast %add3A_465 : i32 to vector<16xi32>
        %add3A_467 = arith.addi %add3A_455, %add3A_466 : vector<16xi32>
        %add3A_468 = arith.constant 1090 : i32
        %add3A_469 = vector.broadcast %add3A_468 : i32 to vector<16xi32>
        %add3A_470 = arith.addi %add3A_455, %add3A_469 : vector<16xi32>
        %add3A_471 = arith.constant 1122 : i32
        %add3A_472 = vector.broadcast %add3A_471 : i32 to vector<16xi32>
        %add3A_473 = arith.addi %add3A_455, %add3A_472 : vector<16xi32>
        %add3A_474 = arith.constant 1123 : i32
        %add3A_475 = vector.broadcast %add3A_474 : i32 to vector<16xi32>
        %add3A_476 = arith.addi %add3A_455, %add3A_475 : vector<16xi32>
        %sub3A_477 = arith.constant 1.000000e+00 : f32
        %sub3A_478 = vector.broadcast %sub3A_477 : f32 to vector<16xf32>
        %sub3A_479 = arith.subf %sub3A_478, %get3A_408 : vector<16xf32>
        %gather3A = arith.constant 0 : i32
        %gather3A_480 = tpu.memref_slice %arg6[%gather3A] : memref<108672xf32, #tpu.memory_space<vmem>> -> memref<36224xf32, #tpu.memory_space<vmem>>
        %gather3A_481 = tpu.vector_load_idx %gather3A_480[%add3A_455] : memref<36224xf32, #tpu.memory_space<vmem>>[vector<16xi32>], vector<16xf32>,
        %gather3A_482 = arith.constant 0 : i32
        %gather3A_483 = tpu.memref_slice %arg6[%gather3A_482] : memref<108672xf32, #tpu.memory_space<vmem>> -> memref<36224xf32, #tpu.memory_space<vmem>>
        %gather3A_484 = tpu.vector_load_idx %gather3A_483[%add3A_458] : memref<36224xf32, #tpu.memory_space<vmem>>[vector<16xi32>], vector<16xf32>,
        %gather3A_485 = arith.constant 0 : i32
        %gather3A_486 = tpu.memref_slice %arg6[%gather3A_485] : memref<108672xf32, #tpu.memory_space<vmem>> -> memref<36224xf32, #tpu.memory_space<vmem>>
        %gather3A_487 = tpu.vector_load_idx %gather3A_486[%add3A_461] : memref<36224xf32, #tpu.memory_space<vmem>>[vector<16xi32>], vector<16xf32>,
        %gather3A_488 = arith.constant 0 : i32
        %gather3A_489 = tpu.memref_slice %arg6[%gather3A_488] : memref<108672xf32, #tpu.memory_space<vmem>> -> memref<36224xf32, #tpu.memory_space<vmem>>
        %gather3A_490 = tpu.vector_load_idx %gather3A_489[%add3A_464] : memref<36224xf32, #tpu.memory_space<vmem>>[vector<16xi32>], vector<16xf32>,
        %gather3A_491 = arith.constant 0 : i32
        %gather3A_492 = tpu.memref_slice %arg6[%gather3A_491] : memref<108672xf32, #tpu.memory_space<vmem>> -> memref<36224xf32, #tpu.memory_space<vmem>>
        %gather3A_493 = tpu.vector_load_idx %gather3A_492[%add3A_467] : memref<36224xf32, #tpu.memory_space<vmem>>[vector<16xi32>], vector<16xf32>,
        %gather3A_494 = arith.constant 0 : i32
        %gather3A_495 = tpu.memref_slice %arg6[%gather3A_494] : memref<108672xf32, #tpu.memory_space<vmem>> -> memref<36224xf32, #tpu.memory_space<vmem>>
        %gather3A_496 = tpu.vector_load_idx %gather3A_495[%add3A_470] : memref<36224xf32, #tpu.memory_space<vmem>>[vector<16xi32>], vector<16xf32>,
        %gather3A_497 = arith.constant 0 : i32
        %gather3A_498 = tpu.memref_slice %arg6[%gather3A_497] : memref<108672xf32, #tpu.memory_space<vmem>> -> memref<36224xf32, #tpu.memory_space<vmem>>
        %gather3A_499 = tpu.vector_load_idx %gather3A_498[%add3A_473] : memref<36224xf32, #tpu.memory_space<vmem>>[vector<16xi32>], vector<16xf32>,
        %gather3A_500 = arith.constant 0 : i32
        %gather3A_501 = tpu.memref_slice %arg6[%gather3A_500] : memref<108672xf32, #tpu.memory_space<vmem>> -> memref<36224xf32, #tpu.memory_space<vmem>>
        %gather3A_502 = tpu.vector_load_idx %gather3A_501[%add3A_476] : memref<36224xf32, #tpu.memory_space<vmem>>[vector<16xi32>], vector<16xf32>,
        %mul3A_503 = arith.mulf %gather3A_481, %mul3A_440 : vector<16xf32>
        %mul3A_504 = arith.mulf %gather3A_484, %mul3A_441 : vector<16xf32>
        %add3A_505 = arith.addf %mul3A_503, %mul3A_504 : vector<16xf32>
        %mul3A_506 = arith.mulf %gather3A_487, %mul3A_442 : vector<16xf32>
        %mul3A_507 = arith.mulf %gather3A_490, %mul3A_443 : vector<16xf32>
        %add3A_508 = arith.addf %mul3A_506, %mul3A_507 : vector<16xf32>
        %add3A_509 = arith.addf %add3A_505, %add3A_508 : vector<16xf32>
        %mul3A_510 = arith.mulf %gather3A_493, %mul3A_444 : vector<16xf32>
        %mul3A_511 = arith.mulf %gather3A_496, %mul3A_445 : vector<16xf32>
        %add3A_512 = arith.addf %mul3A_510, %mul3A_511 : vector<16xf32>
        %mul3A_513 = arith.mulf %gather3A_499, %mul3A_446 : vector<16xf32>
        %mul3A_514 = arith.mulf %gather3A_502, %mul3A_447 : vector<16xf32>
        %add3A_515 = arith.addf %mul3A_513, %mul3A_514 : vector<16xf32>
        %add3A_516 = arith.addf %add3A_512, %add3A_515 : vector<16xf32>
        %add3A_517 = arith.addf %add3A_509, %add3A_516 : vector<16xf32>
        %mul3A_518 = arith.mulf %add3A_517, %get3A_408 : vector<16xf32>
        %mul3A_519 = arith.mulf %get3A_386, %sub3A_479 : vector<16xf32>
        %add3A_520 = arith.addf %mul3A_518, %mul3A_519 : vector<16xf32>
        %swap3A = arith.constant 1 : i32
        %swap3A_521 = arith.constant 0 : i32
        %swap3A_522 = arith.constant 1 : i32
        %swap3A_523 = arith.index_cast %swap3A : i32 to index
        %swap3A_524 = arith.index_cast %swap3A_521 : i32 to index
        %swap3A_525 = arith.index_cast %swap3A_522 : i32 to index
        %swap3A_526 = arith.index_cast %add3A_379 : i32 to index
        %swap3A_527 = tpu.vector_load %arg9[%swap3A_523, %swap3A_524, %swap3A_525, %swap3A_526] {strides = array<i32>} : memref<2x3x2x512xf32, #tpu.memory_space<vmem>>, vector<16xf32>,
        tpu.vector_store %arg9[%swap3A_523, %swap3A_524, %swap3A_525, %swap3A_526], %add3A_520 {strides = array<i32>} : memref<2x3x2x512xf32, #tpu.memory_space<vmem>>, vector<16xf32>,
        %gather3A_528 = arith.constant 36224 : i32
        %gather3A_529 = tpu.memref_slice %arg6[%gather3A_528] : memref<108672xf32, #tpu.memory_space<vmem>> -> memref<36224xf32, #tpu.memory_space<vmem>>
        %gather3A_530 = tpu.vector_load_idx %gather3A_529[%add3A_455] : memref<36224xf32, #tpu.memory_space<vmem>>[vector<16xi32>], vector<16xf32>,
        %gather3A_531 = arith.constant 36224 : i32
        %gather3A_532 = tpu.memref_slice %arg6[%gather3A_531] : memref<108672xf32, #tpu.memory_space<vmem>> -> memref<36224xf32, #tpu.memory_space<vmem>>
        %gather3A_533 = tpu.vector_load_idx %gather3A_532[%add3A_458] : memref<36224xf32, #tpu.memory_space<vmem>>[vector<16xi32>], vector<16xf32>,
        %gather3A_534 = arith.constant 36224 : i32
        %gather3A_535 = tpu.memref_slice %arg6[%gather3A_534] : memref<108672xf32, #tpu.memory_space<vmem>> -> memref<36224xf32, #tpu.memory_space<vmem>>
        %gather3A_536 = tpu.vector_load_idx %gather3A_535[%add3A_461] : memref<36224xf32, #tpu.memory_space<vmem>>[vector<16xi32>], vector<16xf32>,
        %gather3A_537 = arith.constant 36224 : i32
        %gather3A_538 = tpu.memref_slice %arg6[%gather3A_537] : memref<108672xf32, #tpu.memory_space<vmem>> -> memref<36224xf32, #tpu.memory_space<vmem>>
        %gather3A_539 = tpu.vector_load_idx %gather3A_538[%add3A_464] : memref<36224xf32, #tpu.memory_space<vmem>>[vector<16xi32>], vector<16xf32>,
        %gather3A_540 = arith.constant 36224 : i32
        %gather3A_541 = tpu.memref_slice %arg6[%gather3A_540] : memref<108672xf32, #tpu.memory_space<vmem>> -> memref<36224xf32, #tpu.memory_space<vmem>>
        %gather3A_542 = tpu.vector_load_idx %gather3A_541[%add3A_467] : memref<36224xf32, #tpu.memory_space<vmem>>[vector<16xi32>], vector<16xf32>,
        %gather3A_543 = arith.constant 36224 : i32
        %gather3A_544 = tpu.memref_slice %arg6[%gather3A_543] : memref<108672xf32, #tpu.memory_space<vmem>> -> memref<36224xf32, #tpu.memory_space<vmem>>
        %gather3A_545 = tpu.vector_load_idx %gather3A_544[%add3A_470] : memref<36224xf32, #tpu.memory_space<vmem>>[vector<16xi32>], vector<16xf32>,
        %gather3A_546 = arith.constant 36224 : i32
        %gather3A_547 = tpu.memref_slice %arg6[%gather3A_546] : memref<108672xf32, #tpu.memory_space<vmem>> -> memref<36224xf32, #tpu.memory_space<vmem>>
        %gather3A_548 = tpu.vector_load_idx %gather3A_547[%add3A_473] : memref<36224xf32, #tpu.memory_space<vmem>>[vector<16xi32>], vector<16xf32>,
        %gather3A_549 = arith.constant 36224 : i32
        %gather3A_550 = tpu.memref_slice %arg6[%gather3A_549] : memref<108672xf32, #tpu.memory_space<vmem>> -> memref<36224xf32, #tpu.memory_space<vmem>>
        %gather3A_551 = tpu.vector_load_idx %gather3A_550[%add3A_476] : memref<36224xf32, #tpu.memory_space<vmem>>[vector<16xi32>], vector<16xf32>,
        %mul3A_552 = arith.mulf %gather3A_530, %mul3A_440 : vector<16xf32>
        %mul3A_553 = arith.mulf %gather3A_533, %mul3A_441 : vector<16xf32>
        %add3A_554 = arith.addf %mul3A_552, %mul3A_553 : vector<16xf32>
        %mul3A_555 = arith.mulf %gather3A_536, %mul3A_442 : vector<16xf32>
        %mul3A_556 = arith.mulf %gather3A_539, %mul3A_443 : vector<16xf32>
        %add3A_557 = arith.addf %mul3A_555, %mul3A_556 : vector<16xf32>
        %add3A_558 = arith.addf %add3A_554, %add3A_557 : vector<16xf32>
        %mul3A_559 = arith.mulf %gather3A_542, %mul3A_444 : vector<16xf32>
        %mul3A_560 = arith.mulf %gather3A_545, %mul3A_445 : vector<16xf32>
        %add3A_561 = arith.addf %mul3A_559, %mul3A_560 : vector<16xf32>
        %mul3A_562 = arith.mulf %gather3A_548, %mul3A_446 : vector<16xf32>
        %mul3A_563 = arith.mulf %gather3A_551, %mul3A_447 : vector<16xf32>
        %add3A_564 = arith.addf %mul3A_562, %mul3A_563 : vector<16xf32>
        %add3A_565 = arith.addf %add3A_561, %add3A_564 : vector<16xf32>
        %add3A_566 = arith.addf %add3A_558, %add3A_565 : vector<16xf32>
        %mul3A_567 = arith.mulf %add3A_566, %get3A_408 : vector<16xf32>
        %mul3A_568 = arith.mulf %get3A_394, %sub3A_479 : vector<16xf32>
        %add3A_569 = arith.addf %mul3A_567, %mul3A_568 : vector<16xf32>
        %swap3A_570 = arith.constant 1 : i32
        %swap3A_571 = arith.constant 1 : i32
        %swap3A_572 = arith.constant 1 : i32
        %swap3A_573 = arith.index_cast %swap3A_570 : i32 to index
        %swap3A_574 = arith.index_cast %swap3A_571 : i32 to index
        %swap3A_575 = arith.index_cast %swap3A_572 : i32 to index
        %swap3A_576 = arith.index_cast %add3A_379 : i32 to index
        %swap3A_577 = tpu.vector_load %arg9[%swap3A_573, %swap3A_574, %swap3A_575, %swap3A_576] {strides = array<i32>} : memref<2x3x2x512xf32, #tpu.memory_space<vmem>>, vector<16xf32>,
        tpu.vector_store %arg9[%swap3A_573, %swap3A_574, %swap3A_575, %swap3A_576], %add3A_569 {strides = array<i32>} : memref<2x3x2x512xf32, #tpu.memory_space<vmem>>, vector<16xf32>,
        %gather3A_578 = arith.constant 72448 : i32
        %gather3A_579 = tpu.memref_slice %arg6[%gather3A_578] : memref<108672xf32, #tpu.memory_space<vmem>> -> memref<36224xf32, #tpu.memory_space<vmem>>
        %gather3A_580 = tpu.vector_load_idx %gather3A_579[%add3A_455] : memref<36224xf32, #tpu.memory_space<vmem>>[vector<16xi32>], vector<16xf32>,
        %gather3A_581 = arith.constant 72448 : i32
        %gather3A_582 = tpu.memref_slice %arg6[%gather3A_581] : memref<108672xf32, #tpu.memory_space<vmem>> -> memref<36224xf32, #tpu.memory_space<vmem>>
        %gather3A_583 = tpu.vector_load_idx %gather3A_582[%add3A_458] : memref<36224xf32, #tpu.memory_space<vmem>>[vector<16xi32>], vector<16xf32>,
        %gather3A_584 = arith.constant 72448 : i32
        %gather3A_585 = tpu.memref_slice %arg6[%gather3A_584] : memref<108672xf32, #tpu.memory_space<vmem>> -> memref<36224xf32, #tpu.memory_space<vmem>>
        %gather3A_586 = tpu.vector_load_idx %gather3A_585[%add3A_461] : memref<36224xf32, #tpu.memory_space<vmem>>[vector<16xi32>], vector<16xf32>,
        %gather3A_587 = arith.constant 72448 : i32
        %gather3A_588 = tpu.memref_slice %arg6[%gather3A_587] : memref<108672xf32, #tpu.memory_space<vmem>> -> memref<36224xf32, #tpu.memory_space<vmem>>
        %gather3A_589 = tpu.vector_load_idx %gather3A_588[%add3A_464] : memref<36224xf32, #tpu.memory_space<vmem>>[vector<16xi32>], vector<16xf32>,
        %gather3A_590 = arith.constant 72448 : i32
        %gather3A_591 = tpu.memref_slice %arg6[%gather3A_590] : memref<108672xf32, #tpu.memory_space<vmem>> -> memref<36224xf32, #tpu.memory_space<vmem>>
        %gather3A_592 = tpu.vector_load_idx %gather3A_591[%add3A_467] : memref<36224xf32, #tpu.memory_space<vmem>>[vector<16xi32>], vector<16xf32>,
        %gather3A_593 = arith.constant 72448 : i32
        %gather3A_594 = tpu.memref_slice %arg6[%gather3A_593] : memref<108672xf32, #tpu.memory_space<vmem>> -> memref<36224xf32, #tpu.memory_space<vmem>>
        %gather3A_595 = tpu.vector_load_idx %gather3A_594[%add3A_470] : memref<36224xf32, #tpu.memory_space<vmem>>[vector<16xi32>], vector<16xf32>,
        %gather3A_596 = arith.constant 72448 : i32
        %gather3A_597 = tpu.memref_slice %arg6[%gather3A_596] : memref<108672xf32, #tpu.memory_space<vmem>> -> memref<36224xf32, #tpu.memory_space<vmem>>
        %gather3A_598 = tpu.vector_load_idx %gather3A_597[%add3A_473] : memref<36224xf32, #tpu.memory_space<vmem>>[vector<16xi32>], vector<16xf32>,
        %gather3A_599 = arith.constant 72448 : i32
        %gather3A_600 = tpu.memref_slice %arg6[%gather3A_599] : memref<108672xf32, #tpu.memory_space<vmem>> -> memref<36224xf32, #tpu.memory_space<vmem>>
        %gather3A_601 = tpu.vector_load_idx %gather3A_600[%add3A_476] : memref<36224xf32, #tpu.memory_space<vmem>>[vector<16xi32>], vector<16xf32>,
        %mul3A_602 = arith.mulf %gather3A_580, %mul3A_440 : vector<16xf32>
        %mul3A_603 = arith.mulf %gather3A_583, %mul3A_441 : vector<16xf32>
        %add3A_604 = arith.addf %mul3A_602, %mul3A_603 : vector<16xf32>
        %mul3A_605 = arith.mulf %gather3A_586, %mul3A_442 : vector<16xf32>
        %mul3A_606 = arith.mulf %gather3A_589, %mul3A_443 : vector<16xf32>
        %add3A_607 = arith.addf %mul3A_605, %mul3A_606 : vector<16xf32>
        %add3A_608 = arith.addf %add3A_604, %add3A_607 : vector<16xf32>
        %mul3A_609 = arith.mulf %gather3A_592, %mul3A_444 : vector<16xf32>
        %mul3A_610 = arith.mulf %gather3A_595, %mul3A_445 : vector<16xf32>
        %add3A_611 = arith.addf %mul3A_609, %mul3A_610 : vector<16xf32>
        %mul3A_612 = arith.mulf %gather3A_598, %mul3A_446 : vector<16xf32>
        %mul3A_613 = arith.mulf %gather3A_601, %mul3A_447 : vector<16xf32>
        %add3A_614 = arith.addf %mul3A_612, %mul3A_613 : vector<16xf32>
        %add3A_615 = arith.addf %add3A_611, %add3A_614 : vector<16xf32>
        %add3A_616 = arith.addf %add3A_608, %add3A_615 : vector<16xf32>
        %mul3A_617 = arith.mulf %add3A_616, %get3A_408 : vector<16xf32>
        %mul3A_618 = arith.mulf %get3A_402, %sub3A_479 : vector<16xf32>
        %add3A_619 = arith.addf %mul3A_617, %mul3A_618 : vector<16xf32>
        %swap3A_620 = arith.constant 1 : i32
        %swap3A_621 = arith.constant 2 : i32
        %swap3A_622 = arith.constant 1 : i32
        %swap3A_623 = arith.index_cast %swap3A_620 : i32 to index
        %swap3A_624 = arith.index_cast %swap3A_621 : i32 to index
        %swap3A_625 = arith.index_cast %swap3A_622 : i32 to index
        %swap3A_626 = arith.index_cast %add3A_379 : i32 to index
        %swap3A_627 = tpu.vector_load %arg9[%swap3A_623, %swap3A_624, %swap3A_625, %swap3A_626] {strides = array<i32>} : memref<2x3x2x512xf32, #tpu.memory_space<vmem>>, vector<16xf32>,
        tpu.vector_store %arg9[%swap3A_623, %swap3A_624, %swap3A_625, %swap3A_626], %add3A_619 {strides = array<i32>} : memref<2x3x2x512xf32, #tpu.memory_space<vmem>>, vector<16xf32>,
      }
      %scan3A_342 = arith.constant 32 : i32
      %mul3A_343 = arith.constant 2 : i32
      %mul3A_344 = arith.muli %add3A_283, %mul3A_343 : i32
      %add3A_345 = arith.addi %mul3A_32, %mul3A_344 : i32
      %dma_start3A_346 = arith.constant 1 : i32
      %dma_start3A_347 = arith.constant 1 : i32
      %dma_start3A_348 = arith.constant 0 : i32
      %dma_start3A_349 = arith.constant 0 : i32
      %dma_start3A_350 = arith.constant 0 : i32
      %dma_start3A_351 = tpu.memref_slice %arg9[%dma_start3A_346, %dma_start3A_348, %dma_start3A_349, %dma_start3A_350] : memref<2x3x2x512xf32, #tpu.memory_space<vmem>> -> memref<1x3x2x512xf32, #tpu.memory_space<vmem>>
      %dma_start3A_352 = tpu.memref_squeeze %dma_start3A_351 : memref<1x3x2x512xf32, #tpu.memory_space<vmem>> -> memref<3x2x512xf32, #tpu.memory_space<vmem>>
      %dma_start3A_353 = arith.constant 0 : i32
      %dma_start3A_354 = arith.constant 0 : i32
      %dma_start3A_355 = tpu.memref_slice %arg5[%select_n3A, %dma_start3A_353, %add3A_345, %dma_start3A_354] : memref<4x3x512x512xf32, #tpu.memory_space<hbm>> -> memref<1x3x2x512xf32, #tpu.memory_space<hbm>>
      %dma_start3A_356 = tpu.memref_squeeze %dma_start3A_355 : memref<1x3x2x512xf32, #tpu.memory_space<hbm>> -> memref<3x2x512xf32, #tpu.memory_space<hbm>>
      %dma_start3A_357 = tpu.memref_slice %arg12[%dma_start3A_347] : memref<2x!tpu.dma_semaphore, #tpu.memory_space<semaphore_mem>> -> memref<1x!tpu.dma_semaphore, #tpu.memory_space<semaphore_mem>>
      %dma_start3A_358 = tpu.memref_squeeze %dma_start3A_357 : memref<1x!tpu.dma_semaphore, #tpu.memory_space<semaphore_mem>> -> memref<!tpu.dma_semaphore, #tpu.memory_space<semaphore_mem>>
      %dma_start3A_359 = arith.constant 0 : i32
      %dma_start3A_360 = arith.constant 0 : i32
      %dma_start3A_361 = tpu.memref_slice %arg5[%select_n3A, %dma_start3A_359, %add3A_345, %dma_start3A_360] : memref<4x3x512x512xf32, #tpu.memory_space<hbm>> -> memref<1x3x2x512xf32, #tpu.memory_space<hbm>>
      %dma_start3A_362 = tpu.memref_squeeze %dma_start3A_361 : memref<1x3x2x512xf32, #tpu.memory_space<hbm>> -> memref<3x2x512xf32, #tpu.memory_space<hbm>>
      %dma_start3A_363 = arith.constant 0 : i32
      %dma_start3A_364 = arith.constant 0 : i32
      %dma_start3A_365 = arith.constant 0 : i32
      %dma_start3A_366 = tpu.memref_slice %arg9[%dma_start3A_346, %dma_start3A_363, %dma_start3A_364, %dma_start3A_365] : memref<2x3x2x512xf32, #tpu.memory_space<vmem>> -> memref<1x3x2x512xf32, #tpu.memory_space<vmem>>
      %dma_start3A_367 = tpu.memref_squeeze %dma_start3A_366 : memref<1x3x2x512xf32, #tpu.memory_space<vmem>> -> memref<3x2x512xf32, #tpu.memory_space<vmem>>
      tpu.enqueue_dma source(%dma_start3A_367 : memref<3x2x512xf32, #tpu.memory_space<vmem>>) target(%dma_start3A_362 : memref<3x2x512xf32, #tpu.memory_space<hbm>>) target_semaphore(%dma_start3A_358 : memref<!tpu.dma_semaphore, #tpu.memory_space<semaphore_mem>>)
      %add3A_368 = arith.constant 2 : i32
      %add3A_369 = arith.addi %add3A_283, %add3A_368 : i32
      %lt3A_370 = arith.constant 32 : i32
      %lt3A_371 = arith.cmpi slt, %add3A_369, %lt3A_370 : i32
      %convert_element_type3A_372 = arith.extui %lt3A_371 : i1 to i32
      %cond3A_373 = arith.constant 0 : i32
      %cond3A_374 = arith.cmpi ne, %convert_element_type3A_372, %cond3A_373 : i32
      scf.if %cond3A_374 {
        %add3A_375 = arith.constant 2 : i32
        %add3A_376 = arith.addi %add3A_283, %add3A_375 : i32
        %mul3A_377 = arith.constant 2 : i32
        %mul3A_378 = arith.muli %add3A_376, %mul3A_377 : i32
        %add3A_379 = arith.addi %mul3A_32, %mul3A_378 : i32
        %dma_start3A_380 = arith.constant 1 : i32
        %dma_start3A_381 = arith.constant 1 : i32
        %dma_start3A_382 = arith.constant 0 : i32
        %dma_start3A_383 = arith.constant 0 : i32
        %dma_start3A_384 = arith.constant 0 : i32
        %dma_start3A_385 = tpu.memref_slice %arg7[%dma_start3A_380, %dma_start3A_382, %dma_start3A_383, %dma_start3A_384] : memref<2x3x2x512xf32, #tpu.memory_space<vmem>> -> memref<1x3x2x512xf32, #tpu.memory_space<vmem>>
        %dma_start3A_386 = tpu.memref_squeeze %dma_start3A_385 : memref<1x3x2x512xf32, #tpu.memory_space<vmem>> -> memref<3x2x512xf32, #tpu.memory_space<vmem>>
        %dma_start3A_387 = arith.constant 0 : i32
        %dma_start3A_388 = arith.constant 0 : i32
        %dma_start3A_389 = tpu.memref_slice %arg2[%select_n3A, %dma_start3A_387, %add3A_379, %dma_start3A_388] : memref<4x3x512x512xf32, #tpu.memory_space<hbm>> -> memref<1x3x2x512xf32, #tpu.memory_space<hbm>>
        %dma_start3A_390 = tpu.memref_squeeze %dma_start3A_389 : memref<1x3x2x512xf32, #tpu.memory_space<hbm>> -> memref<3x2x512xf32, #tpu.memory_space<hbm>>
        %dma_start3A_391 = tpu.memref_slice %arg10[%dma_start3A_381] : memref<2x!tpu.dma_semaphore, #tpu.memory_space<semaphore_mem>> -> memref<1x!tpu.dma_semaphore, #tpu.memory_space<semaphore_mem>>
        %dma_start3A_392 = tpu.memref_squeeze %dma_start3A_391 : memref<1x!tpu.dma_semaphore, #tpu.memory_space<semaphore_mem>> -> memref<!tpu.dma_semaphore, #tpu.memory_space<semaphore_mem>>
        %dma_start3A_393 = arith.constant 0 : i32
        %dma_start3A_394 = arith.constant 0 : i32
        %dma_start3A_395 = arith.constant 0 : i32
        %dma_start3A_396 = tpu.memref_slice %arg7[%dma_start3A_380, %dma_start3A_393, %dma_start3A_394, %dma_start3A_395] : memref<2x3x2x512xf32, #tpu.memory_space<vmem>> -> memref<1x3x2x512xf32, #tpu.memory_space<vmem>>
        %dma_start3A_397 = tpu.memref_squeeze %dma_start3A_396 : memref<1x3x2x512xf32, #tpu.memory_space<vmem>> -> memref<3x2x512xf32, #tpu.memory_space<vmem>>
        %dma_start3A_398 = arith.constant 0 : i32
        %dma_start3A_399 = arith.constant 0 : i32
        %dma_start3A_400 = tpu.memref_slice %arg2[%select_n3A, %dma_start3A_398, %add3A_379, %dma_start3A_399] : memref<4x3x512x512xf32, #tpu.memory_space<hbm>> -> memref<1x3x2x512xf32, #tpu.memory_space<hbm>>
        %dma_start3A_401 = tpu.memref_squeeze %dma_start3A_400 : memref<1x3x2x512xf32, #tpu.memory_space<hbm>> -> memref<3x2x512xf32, #tpu.memory_space<hbm>>
        tpu.enqueue_dma source(%dma_start3A_401 : memref<3x2x512xf32, #tpu.memory_space<hbm>>) target(%dma_start3A_397 : memref<3x2x512xf32, #tpu.memory_space<vmem>>) target_semaphore(%dma_start3A_392 : memref<!tpu.dma_semaphore, #tpu.memory_space<semaphore_mem>>)
        %dma_start3A_402 = arith.constant 0 : i32
        %dma_start3A_403 = arith.constant 1 : i32
        %dma_start3A_404 = arith.constant 1 : i32
        %dma_start3A_405 = arith.constant 0 : i32
        %dma_start3A_406 = arith.constant 0 : i32
        %dma_start3A_407 = tpu.memref_slice %arg8[%dma_start3A_403, %dma_start3A_405, %dma_start3A_406] : memref<2x2x512xf32, #tpu.memory_space<vmem>> -> memref<1x2x512xf32, #tpu.memory_space<vmem>>
        %dma_start3A_408 = tpu.memref_squeeze %dma_start3A_407 : memref<1x2x512xf32, #tpu.memory_space<vmem>> -> memref<2x512xf32, #tpu.memory_space<vmem>>
        %dma_start3A_409 = arith.constant 0 : i32
        %dma_start3A_410 = tpu.memref_slice %arg3[%select_n3A, %dma_start3A_402, %add3A_379, %dma_start3A_409] : memref<4x1x512x512xf32, #tpu.memory_space<hbm>> -> memref<1x1x2x512xf32, #tpu.memory_space<hbm>>
        %dma_start3A_411 = tpu.memref_squeeze %dma_start3A_410 : memref<1x1x2x512xf32, #tpu.memory_space<hbm>> -> memref<2x512xf32, #tpu.memory_space<hbm>>
        %dma_start3A_412 = tpu.memref_slice %arg11[%dma_start3A_404] : memref<2x!tpu.dma_semaphore, #tpu.memory_space<semaphore_mem>> -> memref<1x!tpu.dma_semaphore, #tpu.memory_space<semaphore_mem>>
        %dma_start3A_413 = tpu.memref_squeeze %dma_start3A_412 : memref<1x!tpu.dma_semaphore, #tpu.memory_space<semaphore_mem>> -> memref<!tpu.dma_semaphore, #tpu.memory_space<semaphore_mem>>
        %dma_start3A_414 = arith.constant 0 : i32
        %dma_start3A_415 = arith.constant 0 : i32
        %dma_start3A_416 = tpu.memref_slice %arg8[%dma_start3A_403, %dma_start3A_414, %dma_start3A_415] : memref<2x2x512xf32, #tpu.memory_space<vmem>> -> memref<1x2x512xf32, #tpu.memory_space<vmem>>
        %dma_start3A_417 = tpu.memref_squeeze %dma_start3A_416 : memref<1x2x512xf32, #tpu.memory_space<vmem>> -> memref<2x512xf32, #tpu.memory_space<vmem>>
        %dma_start3A_418 = arith.constant 0 : i32
        %dma_start3A_419 = tpu.memref_slice %arg3[%select_n3A, %dma_start3A_402, %add3A_379, %dma_start3A_418] : memref<4x1x512x512xf32, #tpu.memory_space<hbm>> -> memref<1x1x2x512xf32, #tpu.memory_space<hbm>>
        %dma_start3A_420 = tpu.memref_squeeze %dma_start3A_419 : memref<1x1x2x512xf32, #tpu.memory_space<hbm>> -> memref<2x512xf32, #tpu.memory_space<hbm>>
        tpu.enqueue_dma source(%dma_start3A_420 : memref<2x512xf32, #tpu.memory_space<hbm>>) target(%dma_start3A_417 : memref<2x512xf32, #tpu.memory_space<vmem>>) target_semaphore(%dma_start3A_413 : memref<!tpu.dma_semaphore, #tpu.memory_space<semaphore_mem>>)
      } else {
      }
    }
    %scan3A_138 = arith.constant 16 : i32
    %add3A_139 = arith.constant 60 : i32
    %add3A_140 = arith.addi %mul3A_32, %add3A_139 : i32
    %add3A_141 = arith.constant 62 : i32
    %add3A_142 = arith.addi %mul3A_32, %add3A_141 : i32
    %dma_wait3A_143 = arith.constant 0 : i32
    %dma_wait3A_144 = arith.constant 0 : i32
    %dma_wait3A_145 = arith.constant 0 : i32
    %dma_wait3A_146 = arith.constant 0 : i32
    %dma_wait3A_147 = arith.constant 0 : i32
    %dma_wait3A_148 = tpu.memref_slice %arg9[%dma_wait3A_143, %dma_wait3A_145, %dma_wait3A_146, %dma_wait3A_147] : memref<2x3x2x512xf32, #tpu.memory_space<vmem>> -> memref<1x3x2x512xf32, #tpu.memory_space<vmem>>
    %dma_wait3A_149 = tpu.memref_squeeze %dma_wait3A_148 : memref<1x3x2x512xf32, #tpu.memory_space<vmem>> -> memref<3x2x512xf32, #tpu.memory_space<vmem>>
    %dma_wait3A_150 = arith.constant 0 : i32
    %dma_wait3A_151 = arith.constant 0 : i32
    %dma_wait3A_152 = tpu.memref_slice %arg5[%select_n3A, %dma_wait3A_150, %add3A_140, %dma_wait3A_151] : memref<4x3x512x512xf32, #tpu.memory_space<hbm>> -> memref<1x3x2x512xf32, #tpu.memory_space<hbm>>
    %dma_wait3A_153 = tpu.memref_squeeze %dma_wait3A_152 : memref<1x3x2x512xf32, #tpu.memory_space<hbm>> -> memref<3x2x512xf32, #tpu.memory_space<hbm>>
    %dma_wait3A_154 = tpu.memref_slice %arg12[%dma_wait3A_144] : memref<2x!tpu.dma_semaphore, #tpu.memory_space<semaphore_mem>> -> memref<1x!tpu.dma_semaphore, #tpu.memory_space<semaphore_mem>>
    %dma_wait3A_155 = tpu.memref_squeeze %dma_wait3A_154 : memref<1x!tpu.dma_semaphore, #tpu.memory_space<semaphore_mem>> -> memref<!tpu.dma_semaphore, #tpu.memory_space<semaphore_mem>>
    %dma_wait3A_156 = arith.constant 0 : i32
    %dma_wait3A_157 = arith.constant 0 : i32
    %dma_wait3A_158 = tpu.memref_slice %arg5[%select_n3A, %dma_wait3A_156, %add3A_140, %dma_wait3A_157] : memref<4x3x512x512xf32, #tpu.memory_space<hbm>> -> memref<1x3x2x512xf32, #tpu.memory_space<hbm>>
    %dma_wait3A_159 = tpu.memref_squeeze %dma_wait3A_158 : memref<1x3x2x512xf32, #tpu.memory_space<hbm>> -> memref<3x2x512xf32, #tpu.memory_space<hbm>>
    %dma_wait3A_160 = arith.constant 0 : i32
    %dma_wait3A_161 = arith.constant 0 : i32
    %dma_wait3A_162 = arith.constant 0 : i32
    %dma_wait3A_163 = tpu.memref_slice %arg9[%dma_wait3A_143, %dma_wait3A_160, %dma_wait3A_161, %dma_wait3A_162] : memref<2x3x2x512xf32, #tpu.memory_space<vmem>> -> memref<1x3x2x512xf32, #tpu.memory_space<vmem>>
    %dma_wait3A_164 = tpu.memref_squeeze %dma_wait3A_163 : memref<1x3x2x512xf32, #tpu.memory_space<vmem>> -> memref<3x2x512xf32, #tpu.memory_space<vmem>>
    tpu.wait_dma2 semaphore(%dma_wait3A_155 : memref<!tpu.dma_semaphore, #tpu.memory_space<semaphore_mem>>) src(%dma_wait3A_164 : memref<3x2x512xf32, #tpu.memory_space<vmem>>) dst(%dma_wait3A_159 : memref<3x2x512xf32, #tpu.memory_space<hbm>>)
    %dma_wait3A_165 = arith.constant 1 : i32
    %dma_wait3A_166 = arith.constant 1 : i32
    %dma_wait3A_167 = arith.constant 0 : i32
    %dma_wait3A_168 = arith.constant 0 : i32
    %dma_wait3A_169 = arith.constant 0 : i32
    %dma_wait3A_170 = tpu.memref_slice %arg9[%dma_wait3A_165, %dma_wait3A_167, %dma_wait3A_168, %dma_wait3A_169] : memref<2x3x2x512xf32, #tpu.memory_space<vmem>> -> memref<1x3x2x512xf32, #tpu.memory_space<vmem>>
    %dma_wait3A_171 = tpu.memref_squeeze %dma_wait3A_170 : memref<1x3x2x512xf32, #tpu.memory_space<vmem>> -> memref<3x2x512xf32, #tpu.memory_space<vmem>>
    %dma_wait3A_172 = arith.constant 0 : i32
    %dma_wait3A_173 = arith.constant 0 : i32
    %dma_wait3A_174 = tpu.memref_slice %arg5[%select_n3A, %dma_wait3A_172, %add3A_142, %dma_wait3A_173] : memref<4x3x512x512xf32, #tpu.memory_space<hbm>> -> memref<1x3x2x512xf32, #tpu.memory_space<hbm>>
    %dma_wait3A_175 = tpu.memref_squeeze %dma_wait3A_174 : memref<1x3x2x512xf32, #tpu.memory_space<hbm>> -> memref<3x2x512xf32, #tpu.memory_space<hbm>>
    %dma_wait3A_176 = tpu.memref_slice %arg12[%dma_wait3A_166] : memref<2x!tpu.dma_semaphore, #tpu.memory_space<semaphore_mem>> -> memref<1x!tpu.dma_semaphore, #tpu.memory_space<semaphore_mem>>
    %dma_wait3A_177 = tpu.memref_squeeze %dma_wait3A_176 : memref<1x!tpu.dma_semaphore, #tpu.memory_space<semaphore_mem>> -> memref<!tpu.dma_semaphore, #tpu.memory_space<semaphore_mem>>
    %dma_wait3A_178 = arith.constant 0 : i32
    %dma_wait3A_179 = arith.constant 0 : i32
    %dma_wait3A_180 = tpu.memref_slice %arg5[%select_n3A, %dma_wait3A_178, %add3A_142, %dma_wait3A_179] : memref<4x3x512x512xf32, #tpu.memory_space<hbm>> -> memref<1x3x2x512xf32, #tpu.memory_space<hbm>>
    %dma_wait3A_181 = tpu.memref_squeeze %dma_wait3A_180 : memref<1x3x2x512xf32, #tpu.memory_space<hbm>> -> memref<3x2x512xf32, #tpu.memory_space<hbm>>
    %dma_wait3A_182 = arith.constant 0 : i32
    %dma_wait3A_183 = arith.constant 0 : i32
    %dma_wait3A_184 = arith.constant 0 : i32
    %dma_wait3A_185 = tpu.memref_slice %arg9[%dma_wait3A_165, %dma_wait3A_182, %dma_wait3A_183, %dma_wait3A_184] : memref<2x3x2x512xf32, #tpu.memory_space<vmem>> -> memref<1x3x2x512xf32, #tpu.memory_space<vmem>>
    %dma_wait3A_186 = tpu.memref_squeeze %dma_wait3A_185 : memref<1x3x2x512xf32, #tpu.memory_space<vmem>> -> memref<3x2x512xf32, #tpu.memory_space<vmem>>
    tpu.wait_dma2 semaphore(%dma_wait3A_177 : memref<!tpu.dma_semaphore, #tpu.memory_space<semaphore_mem>>) src(%dma_wait3A_186 : memref<3x2x512xf32, #tpu.memory_space<vmem>>) dst(%dma_wait3A_181 : memref<3x2x512xf32, #tpu.memory_space<hbm>>)
    return
  }
}

module attributes {stable_mosaic.version = 14 : i64} {
  func.func @_head_body(%arg0: memref<4096x1024xbf16, #tpu.memory_space<vmem>>, %arg1: memref<4x512x512xf32, #tpu.memory_space<vmem>>, %arg2: memref<32x512xf32, #tpu.memory_space<vmem>>, %arg3: memref<1024x32xf32, #tpu.memory_space<vmem>>, %arg4: memref<1024x512xf32, #tpu.memory_space<vmem>>, %arg5: memref<256x1024xf32, #tpu.memory_space<vmem>>, %arg6: memref<256xf32, #tpu.memory_space<vmem>>, %arg7: memref<6x768xf32, #tpu.memory_space<vmem>>, %arg8: memref<6xf32, #tpu.memory_space<vmem>>, %arg9: memref<3x35937xf32, #tpu.memory_space<vmem>>, %arg10: memref<3x35937xf32, #tpu.memory_space<vmem>>, %arg11: memref<3x35937xf32, #tpu.memory_space<vmem>>, %arg12: memref<3x35937xf32, #tpu.memory_space<vmem>>, %arg13: memref<3x35937xf32, #tpu.memory_space<vmem>>, %arg14: memref<3x35937xf32, #tpu.memory_space<vmem>>, %arg15: memref<4x108672xf32, #tpu.memory_space<vmem>>) attributes {dimension_semantics = [], scalar_prefetch = 0 : i64, scratch_operands = 0 : i64, tpu.core_type = #tpu.core_type<tc>} {
    %get3A = arith.constant 0 : index
    %get3A_0 = arith.constant 0 : index
    %get3A_1 = vector.load %arg2[%get3A, %get3A_0] : memref<32x512xf32, #tpu.memory_space<vmem>>, vector<32x512xf32>
    %get3A_2 = arith.constant 0 : index
    %get3A_3 = arith.constant 0 : index
    %get3A_4 = vector.load %arg3[%get3A_2, %get3A_3] : memref<1024x32xf32, #tpu.memory_space<vmem>>, vector<1024x32xf32>
    %get3A_5 = arith.constant 0 : index
    %get3A_6 = arith.constant 0 : index
    %get3A_7 = vector.load %arg4[%get3A_5, %get3A_6] : memref<1024x512xf32, #tpu.memory_space<vmem>>, vector<1024x512xf32>
    %get3A_8 = arith.constant 0 : index
    %get3A_9 = arith.constant 0 : index
    %get3A_10 = vector.load %arg5[%get3A_8, %get3A_9] : memref<256x1024xf32, #tpu.memory_space<vmem>>, vector<256x1024xf32>
    %get3A_11 = arith.constant 0 : index
    %get3A_12 = vector.load %arg6[%get3A_11] : memref<256xf32, #tpu.memory_space<vmem>>, vector<256xf32>
    %reshape3A = vector.shape_cast %get3A_12 : vector<256xf32> to vector<256x1xf32>
    %get3A_13 = arith.constant 0 : index
    %get3A_14 = arith.constant 0 : index
    %get3A_15 = vector.load %arg7[%get3A_13, %get3A_14] : memref<6x768xf32, #tpu.memory_space<vmem>>, vector<6x768xf32>
    %get3A_16 = arith.constant 0 : index
    %get3A_17 = vector.load %arg8[%get3A_16] : memref<6xf32, #tpu.memory_space<vmem>>, vector<6xf32>
    %reshape3A_18 = vector.shape_cast %get3A_17 : vector<6xf32> to vector<6x1xf32>
    %convert_element_type3A = arith.truncf %get3A_4 : vector<1024x32xf32> to vector<1024x32xbf16>
    %get3A_19 = arith.constant 0 : index
    %get3A_20 = arith.constant 0 : index
    %get3A_21 = arith.constant 0 : index
    %get3A_22 = vector.load %arg1[%get3A_19, %get3A_20, %get3A_21] : memref<4x512x512xf32, #tpu.memory_space<vmem>>, vector<1x512x512xf32>
    %get3A_23 = vector.shape_cast %get3A_22 : vector<1x512x512xf32> to vector<512x512xf32>
    %get3A_24 = arith.constant 1 : index
    %get3A_25 = arith.constant 0 : index
    %get3A_26 = arith.constant 0 : index
    %get3A_27 = vector.load %arg1[%get3A_24, %get3A_25, %get3A_26] : memref<4x512x512xf32, #tpu.memory_space<vmem>>, vector<1x512x512xf32>
    %get3A_28 = vector.shape_cast %get3A_27 : vector<1x512x512xf32> to vector<512x512xf32>
    %get3A_29 = arith.constant 2 : index
    %get3A_30 = arith.constant 0 : index
    %get3A_31 = arith.constant 0 : index
    %get3A_32 = vector.load %arg1[%get3A_29, %get3A_30, %get3A_31] : memref<4x512x512xf32, #tpu.memory_space<vmem>>, vector<1x512x512xf32>
    %get3A_33 = vector.shape_cast %get3A_32 : vector<1x512x512xf32> to vector<512x512xf32>
    %get3A_34 = arith.constant 3 : index
    %get3A_35 = arith.constant 0 : index
    %get3A_36 = arith.constant 0 : index
    %get3A_37 = vector.load %arg1[%get3A_34, %get3A_35, %get3A_36] : memref<4x512x512xf32, #tpu.memory_space<vmem>>, vector<1x512x512xf32>
    %get3A_38 = vector.shape_cast %get3A_37 : vector<1x512x512xf32> to vector<512x512xf32>
    %concatenate3A = tpu.concatenate %get3A_23, %get3A_28, %get3A_33, %get3A_38 in 1 : vector<512x512xf32>, vector<512x512xf32>, vector<512x512xf32>, vector<512x512xf32> -> vector<512x2048xf32>
    %convert_element_type3A_39 = arith.truncf %get3A_1 : vector<32x512xf32> to vector<32x512xbf16>
    %convert_element_type3A_40 = arith.truncf %concatenate3A : vector<512x2048xf32> to vector<512x2048xbf16>
    %dot_general3A = arith.constant dense<0.000000e+00> : vector<32x2048xf32>
    %dot_general3A_41 = tpu.matmul %convert_element_type3A_39, %convert_element_type3A_40, %dot_general3A {dimension_numbers = #tpu.dot_dimension_numbers<[1], [0], [0], [1], [0, 0, 1, 1], [], []>, transpose_lhs_hint = false} : vector<32x512xbf16>, vector<512x2048xbf16>, vector<32x2048xf32> -> vector<32x2048xf32>
    %slice3A = vector.extract_strided_slice %dot_general3A_41 {offsets = [0, 0], sizes = [32, 512], strides = [1, 1]} : vector<32x2048xf32> to vector<32x512xf32>
    %convert_element_type3A_42 = arith.truncf %slice3A : vector<32x512xf32> to vector<32x512xbf16>
    %dot_general3A_43 = arith.constant dense<0.000000e+00> : vector<1024x512xf32>
    %dot_general3A_44 = tpu.matmul %convert_element_type3A, %convert_element_type3A_42, %dot_general3A_43 {dimension_numbers = #tpu.dot_dimension_numbers<[1], [0], [0], [1], [0, 0, 1, 1], [], []>, transpose_lhs_hint = false} : vector<1024x32xbf16>, vector<32x512xbf16>, vector<1024x512xf32> -> vector<1024x512xf32>
    %mul3A = arith.mulf %dot_general3A_44, %get3A_7 : vector<1024x512xf32>
    %reduce_sum3A = arith.constant dense<0.000000e+00> : vector<1024xf32>
    %reduce_sum3A_45 = vector.multi_reduction <add>, %mul3A, %reduce_sum3A [1] : vector<1024x512xf32> to vector<1024xf32>
    %broadcast_in_dim3A = vector.shape_cast %reduce_sum3A_45 : vector<1024xf32> to vector<1024x1xf32>
    %slice3A_46 = vector.extract_strided_slice %dot_general3A_41 {offsets = [0, 512], sizes = [32, 512], strides = [1, 1]} : vector<32x2048xf32> to vector<32x512xf32>
    %convert_element_type3A_47 = arith.truncf %slice3A_46 : vector<32x512xf32> to vector<32x512xbf16>
    %dot_general3A_48 = arith.constant dense<0.000000e+00> : vector<1024x512xf32>
    %dot_general3A_49 = tpu.matmul %convert_element_type3A, %convert_element_type3A_47, %dot_general3A_48 {dimension_numbers = #tpu.dot_dimension_numbers<[1], [0], [0], [1], [0, 0, 1, 1], [], []>, transpose_lhs_hint = false} : vector<1024x32xbf16>, vector<32x512xbf16>, vector<1024x512xf32> -> vector<1024x512xf32>
    %mul3A_50 = arith.mulf %dot_general3A_49, %get3A_7 : vector<1024x512xf32>
    %reduce_sum3A_51 = arith.constant dense<0.000000e+00> : vector<1024xf32>
    %reduce_sum3A_52 = vector.multi_reduction <add>, %mul3A_50, %reduce_sum3A_51 [1] : vector<1024x512xf32> to vector<1024xf32>
    %broadcast_in_dim3A_53 = vector.shape_cast %reduce_sum3A_52 : vector<1024xf32> to vector<1024x1xf32>
    %slice3A_54 = vector.extract_strided_slice %dot_general3A_41 {offsets = [0, 1024], sizes = [32, 512], strides = [1, 1]} : vector<32x2048xf32> to vector<32x512xf32>
    %convert_element_type3A_55 = arith.truncf %slice3A_54 : vector<32x512xf32> to vector<32x512xbf16>
    %dot_general3A_56 = arith.constant dense<0.000000e+00> : vector<1024x512xf32>
    %dot_general3A_57 = tpu.matmul %convert_element_type3A, %convert_element_type3A_55, %dot_general3A_56 {dimension_numbers = #tpu.dot_dimension_numbers<[1], [0], [0], [1], [0, 0, 1, 1], [], []>, transpose_lhs_hint = false} : vector<1024x32xbf16>, vector<32x512xbf16>, vector<1024x512xf32> -> vector<1024x512xf32>
    %mul3A_58 = arith.mulf %dot_general3A_57, %get3A_7 : vector<1024x512xf32>
    %reduce_sum3A_59 = arith.constant dense<0.000000e+00> : vector<1024xf32>
    %reduce_sum3A_60 = vector.multi_reduction <add>, %mul3A_58, %reduce_sum3A_59 [1] : vector<1024x512xf32> to vector<1024xf32>
    %broadcast_in_dim3A_61 = vector.shape_cast %reduce_sum3A_60 : vector<1024xf32> to vector<1024x1xf32>
    %slice3A_62 = vector.extract_strided_slice %dot_general3A_41 {offsets = [0, 1536], sizes = [32, 512], strides = [1, 1]} : vector<32x2048xf32> to vector<32x512xf32>
    %convert_element_type3A_63 = arith.truncf %slice3A_62 : vector<32x512xf32> to vector<32x512xbf16>
    %dot_general3A_64 = arith.constant dense<0.000000e+00> : vector<1024x512xf32>
    %dot_general3A_65 = tpu.matmul %convert_element_type3A, %convert_element_type3A_63, %dot_general3A_64 {dimension_numbers = #tpu.dot_dimension_numbers<[1], [0], [0], [1], [0, 0, 1, 1], [], []>, transpose_lhs_hint = false} : vector<1024x32xbf16>, vector<32x512xbf16>, vector<1024x512xf32> -> vector<1024x512xf32>
    %mul3A_66 = arith.mulf %dot_general3A_65, %get3A_7 : vector<1024x512xf32>
    %reduce_sum3A_67 = arith.constant dense<0.000000e+00> : vector<1024xf32>
    %reduce_sum3A_68 = vector.multi_reduction <add>, %mul3A_66, %reduce_sum3A_67 [1] : vector<1024x512xf32> to vector<1024xf32>
    %broadcast_in_dim3A_69 = vector.shape_cast %reduce_sum3A_68 : vector<1024xf32> to vector<1024x1xf32>
    %broadcast_in_dim3A_70 = arith.constant 1.000000e+00 : f32
    %broadcast_in_dim3A_71 = vector.broadcast %broadcast_in_dim3A_70 : f32 to vector<1024x1xf32>
    %concatenate3A_72 = tpu.concatenate %broadcast_in_dim3A, %broadcast_in_dim3A_53, %broadcast_in_dim3A_61, %broadcast_in_dim3A_69, %broadcast_in_dim3A_71 in 1 : vector<1024x1xf32>, vector<1024x1xf32>, vector<1024x1xf32>, vector<1024x1xf32>, vector<1024x1xf32> -> vector<1024x5xf32>
    %get3A_73 = arith.constant 0 : index
    %get3A_74 = arith.constant 0 : index
    %get3A_75 = vector.load %arg0[%get3A_73, %get3A_74] : memref<4096x1024xbf16, #tpu.memory_space<vmem>>, vector<4096x1024xbf16>
    %convert_element_type3A_76 = arith.truncf %concatenate3A_72 : vector<1024x5xf32> to vector<1024x5xbf16>
    %dot_general3A_77 = arith.constant dense<0.000000e+00> : vector<4096x5xf32>
    %dot_general3A_78 = tpu.matmul %get3A_75, %convert_element_type3A_76, %dot_general3A_77 {dimension_numbers = #tpu.dot_dimension_numbers<[1], [0], [0], [1], [0, 0, 1, 1], [], []>, transpose_lhs_hint = false} : vector<4096x1024xbf16>, vector<1024x5xbf16>, vector<4096x5xf32> -> vector<4096x5xf32>
    %slice3A_79 = vector.extract_strided_slice %dot_general3A_78 {offsets = [0, 0], sizes = [1024, 1], strides = [1, 1]} : vector<4096x5xf32> to vector<1024x1xf32>
    %slice3A_80 = vector.extract_strided_slice %dot_general3A_78 {offsets = [0, 4], sizes = [1024, 1], strides = [1, 1]} : vector<4096x5xf32> to vector<1024x1xf32>
    %sub3A = arith.subf %slice3A_80, %slice3A_79 : vector<1024x1xf32>
    %reduce_sum3A_81 = arith.constant dense<0.000000e+00> : vector<1xf32>
    %reduce_sum3A_82 = vector.multi_reduction <add>, %broadcast_in_dim3A, %reduce_sum3A_81 [0] : vector<1024x1xf32> to vector<1xf32>
    %broadcast_in_dim3A_83 = vector.shape_cast %reduce_sum3A_82 : vector<1xf32> to vector<1x1xf32>
    %sub3A_84 = arith.constant 1.000000e+00 : f32
    %sub3A_85 = vector.broadcast %sub3A_84 : f32 to vector<1024x1xf32>
    %sub3A_86 = arith.subf %sub3A_85, %broadcast_in_dim3A : vector<1024x1xf32>
    %reduce_sum3A_87 = arith.constant dense<0.000000e+00> : vector<1xf32>
    %reduce_sum3A_88 = vector.multi_reduction <add>, %sub3A_86, %reduce_sum3A_87 [0] : vector<1024x1xf32> to vector<1xf32>
    %broadcast_in_dim3A_89 = vector.shape_cast %reduce_sum3A_88 : vector<1xf32> to vector<1x1xf32>
    %add3A = arith.addf %broadcast_in_dim3A_83, %broadcast_in_dim3A_89 : vector<1x1xf32>
    %slice3A_90 = vector.extract_strided_slice %dot_general3A_78 {offsets = [1024, 1], sizes = [1024, 1], strides = [1, 1]} : vector<4096x5xf32> to vector<1024x1xf32>
    %slice3A_91 = vector.extract_strided_slice %dot_general3A_78 {offsets = [1024, 4], sizes = [1024, 1], strides = [1, 1]} : vector<4096x5xf32> to vector<1024x1xf32>
    %sub3A_92 = arith.subf %slice3A_91, %slice3A_90 : vector<1024x1xf32>
    %reduce_sum3A_93 = arith.constant dense<0.000000e+00> : vector<1xf32>
    %reduce_sum3A_94 = vector.multi_reduction <add>, %broadcast_in_dim3A_53, %reduce_sum3A_93 [0] : vector<1024x1xf32> to vector<1xf32>
    %broadcast_in_dim3A_95 = vector.shape_cast %reduce_sum3A_94 : vector<1xf32> to vector<1x1xf32>
    %sub3A_96 = arith.constant 1.000000e+00 : f32
    %sub3A_97 = vector.broadcast %sub3A_96 : f32 to vector<1024x1xf32>
    %sub3A_98 = arith.subf %sub3A_97, %broadcast_in_dim3A_53 : vector<1024x1xf32>
    %reduce_sum3A_99 = arith.constant dense<0.000000e+00> : vector<1xf32>
    %reduce_sum3A_100 = vector.multi_reduction <add>, %sub3A_98, %reduce_sum3A_99 [0] : vector<1024x1xf32> to vector<1xf32>
    %broadcast_in_dim3A_101 = vector.shape_cast %reduce_sum3A_100 : vector<1xf32> to vector<1x1xf32>
    %add3A_102 = arith.addf %broadcast_in_dim3A_95, %broadcast_in_dim3A_101 : vector<1x1xf32>
    %slice3A_103 = vector.extract_strided_slice %dot_general3A_78 {offsets = [2048, 2], sizes = [1024, 1], strides = [1, 1]} : vector<4096x5xf32> to vector<1024x1xf32>
    %slice3A_104 = vector.extract_strided_slice %dot_general3A_78 {offsets = [2048, 4], sizes = [1024, 1], strides = [1, 1]} : vector<4096x5xf32> to vector<1024x1xf32>
    %sub3A_105 = arith.subf %slice3A_104, %slice3A_103 : vector<1024x1xf32>
    %reduce_sum3A_106 = arith.constant dense<0.000000e+00> : vector<1xf32>
    %reduce_sum3A_107 = vector.multi_reduction <add>, %broadcast_in_dim3A_61, %reduce_sum3A_106 [0] : vector<1024x1xf32> to vector<1xf32>
    %broadcast_in_dim3A_108 = vector.shape_cast %reduce_sum3A_107 : vector<1xf32> to vector<1x1xf32>
    %sub3A_109 = arith.constant 1.000000e+00 : f32
    %sub3A_110 = vector.broadcast %sub3A_109 : f32 to vector<1024x1xf32>
    %sub3A_111 = arith.subf %sub3A_110, %broadcast_in_dim3A_61 : vector<1024x1xf32>
    %reduce_sum3A_112 = arith.constant dense<0.000000e+00> : vector<1xf32>
    %reduce_sum3A_113 = vector.multi_reduction <add>, %sub3A_111, %reduce_sum3A_112 [0] : vector<1024x1xf32> to vector<1xf32>
    %broadcast_in_dim3A_114 = vector.shape_cast %reduce_sum3A_113 : vector<1xf32> to vector<1x1xf32>
    %add3A_115 = arith.addf %broadcast_in_dim3A_108, %broadcast_in_dim3A_114 : vector<1x1xf32>
    %slice3A_116 = vector.extract_strided_slice %dot_general3A_78 {offsets = [3072, 3], sizes = [1024, 1], strides = [1, 1]} : vector<4096x5xf32> to vector<1024x1xf32>
    %slice3A_117 = vector.extract_strided_slice %dot_general3A_78 {offsets = [3072, 4], sizes = [1024, 1], strides = [1, 1]} : vector<4096x5xf32> to vector<1024x1xf32>
    %sub3A_118 = arith.subf %slice3A_117, %slice3A_116 : vector<1024x1xf32>
    %reduce_sum3A_119 = arith.constant dense<0.000000e+00> : vector<1xf32>
    %reduce_sum3A_120 = vector.multi_reduction <add>, %broadcast_in_dim3A_69, %reduce_sum3A_119 [0] : vector<1024x1xf32> to vector<1xf32>
    %broadcast_in_dim3A_121 = vector.shape_cast %reduce_sum3A_120 : vector<1xf32> to vector<1x1xf32>
    %sub3A_122 = arith.constant 1.000000e+00 : f32
    %sub3A_123 = vector.broadcast %sub3A_122 : f32 to vector<1024x1xf32>
    %sub3A_124 = arith.subf %sub3A_123, %broadcast_in_dim3A_69 : vector<1024x1xf32>
    %reduce_sum3A_125 = arith.constant dense<0.000000e+00> : vector<1xf32>
    %reduce_sum3A_126 = vector.multi_reduction <add>, %sub3A_124, %reduce_sum3A_125 [0] : vector<1024x1xf32> to vector<1xf32>
    %broadcast_in_dim3A_127 = vector.shape_cast %reduce_sum3A_126 : vector<1xf32> to vector<1x1xf32>
    %add3A_128 = arith.addf %broadcast_in_dim3A_121, %broadcast_in_dim3A_127 : vector<1x1xf32>
    %concatenate3A_129 = tpu.concatenate %slice3A_79, %sub3A, %slice3A_80, %slice3A_90, %sub3A_92, %slice3A_91, %slice3A_103, %sub3A_105, %slice3A_104, %slice3A_116, %sub3A_118, %slice3A_117 in 1 : vector<1024x1xf32>, vector<1024x1xf32>, vector<1024x1xf32>, vector<1024x1xf32>, vector<1024x1xf32>, vector<1024x1xf32>, vector<1024x1xf32>, vector<1024x1xf32>, vector<1024x1xf32>, vector<1024x1xf32>, vector<1024x1xf32>, vector<1024x1xf32> -> vector<1024x12xf32>
    %concatenate3A_130 = tpu.concatenate %broadcast_in_dim3A_83, %broadcast_in_dim3A_89, %add3A, %broadcast_in_dim3A_95, %broadcast_in_dim3A_101, %add3A_102, %broadcast_in_dim3A_108, %broadcast_in_dim3A_114, %add3A_115, %broadcast_in_dim3A_121, %broadcast_in_dim3A_127, %add3A_128 in 1 : vector<1x1xf32>, vector<1x1xf32>, vector<1x1xf32>, vector<1x1xf32>, vector<1x1xf32>, vector<1x1xf32>, vector<1x1xf32>, vector<1x1xf32>, vector<1x1xf32>, vector<1x1xf32>, vector<1x1xf32>, vector<1x1xf32> -> vector<1x12xf32>
    %dot_general3A_131 = arith.constant dense<0.000000e+00> : vector<256x12xf32>
    %dot_general3A_132 = tpu.matmul %get3A_10, %concatenate3A_129, %dot_general3A_131 {dimension_numbers = #tpu.dot_dimension_numbers<[1], [0], [0], [1], [0, 0, 1, 1], [], []>, precision = #tpu.contract_precision<fp32>, transpose_lhs_hint = false} : vector<256x1024xf32>, vector<1024x12xf32>, vector<256x12xf32> -> vector<256x12xf32>
    %mul3A_133 = vector.broadcast %reshape3A : vector<256x1xf32> to vector<256x12xf32>
    %mul3A_134 = vector.broadcast %concatenate3A_130 : vector<1x12xf32> to vector<256x12xf32>
    %mul3A_135 = arith.mulf %mul3A_133, %mul3A_134 : vector<256x12xf32>
    %add3A_136 = arith.addf %dot_general3A_132, %mul3A_135 : vector<256x12xf32>
    %add3A_137 = arith.constant 9.99999997E-7 : f32
    %add3A_138 = vector.broadcast %add3A_137 : f32 to vector<1x12xf32>
    %add3A_139 = arith.addf %concatenate3A_130, %add3A_138 : vector<1x12xf32>
    %div3A = vector.broadcast %add3A_139 : vector<1x12xf32> to vector<256x12xf32>
    %div3A_140 = arith.divf %add3A_136, %div3A : vector<256x12xf32>
    %slice3A_141 = vector.extract_strided_slice %div3A_140 {offsets = [0, 0], sizes = [256, 1], strides = [1, 1]} : vector<256x12xf32> to vector<256x1xf32>
    %slice3A_142 = vector.extract_strided_slice %div3A_140 {offsets = [0, 3], sizes = [256, 1], strides = [1, 1]} : vector<256x12xf32> to vector<256x1xf32>
    %slice3A_143 = vector.extract_strided_slice %div3A_140 {offsets = [0, 6], sizes = [256, 1], strides = [1, 1]} : vector<256x12xf32> to vector<256x1xf32>
    %slice3A_144 = vector.extract_strided_slice %div3A_140 {offsets = [0, 9], sizes = [256, 1], strides = [1, 1]} : vector<256x12xf32> to vector<256x1xf32>
    %concatenate3A_145 = tpu.concatenate %slice3A_141, %slice3A_142, %slice3A_143, %slice3A_144 in 1 : vector<256x1xf32>, vector<256x1xf32>, vector<256x1xf32>, vector<256x1xf32> -> vector<256x4xf32>
    %slice3A_146 = vector.extract_strided_slice %get3A_15 {offsets = [0, 0], sizes = [6, 256], strides = [1, 1]} : vector<6x768xf32> to vector<6x256xf32>
    %dot_general3A_147 = arith.constant dense<0.000000e+00> : vector<6x4xf32>
    %dot_general3A_148 = tpu.matmul %slice3A_146, %concatenate3A_145, %dot_general3A_147 {dimension_numbers = #tpu.dot_dimension_numbers<[1], [0], [0], [1], [0, 0, 1, 1], [], []>, precision = #tpu.contract_precision<fp32>, transpose_lhs_hint = false} : vector<6x256xf32>, vector<256x4xf32>, vector<6x4xf32> -> vector<6x4xf32>
    %add3A_149 = vector.broadcast %reshape3A_18 : vector<6x1xf32> to vector<6x4xf32>
    %add3A_150 = arith.addf %add3A_149, %dot_general3A_148 : vector<6x4xf32>
    %slice3A_151 = vector.extract_strided_slice %div3A_140 {offsets = [0, 1], sizes = [256, 1], strides = [1, 1]} : vector<256x12xf32> to vector<256x1xf32>
    %slice3A_152 = vector.extract_strided_slice %div3A_140 {offsets = [0, 4], sizes = [256, 1], strides = [1, 1]} : vector<256x12xf32> to vector<256x1xf32>
    %slice3A_153 = vector.extract_strided_slice %div3A_140 {offsets = [0, 7], sizes = [256, 1], strides = [1, 1]} : vector<256x12xf32> to vector<256x1xf32>
    %slice3A_154 = vector.extract_strided_slice %div3A_140 {offsets = [0, 10], sizes = [256, 1], strides = [1, 1]} : vector<256x12xf32> to vector<256x1xf32>
    %concatenate3A_155 = tpu.concatenate %slice3A_151, %slice3A_152, %slice3A_153, %slice3A_154 in 1 : vector<256x1xf32>, vector<256x1xf32>, vector<256x1xf32>, vector<256x1xf32> -> vector<256x4xf32>
    %slice3A_156 = vector.extract_strided_slice %get3A_15 {offsets = [0, 256], sizes = [6, 256], strides = [1, 1]} : vector<6x768xf32> to vector<6x256xf32>
    %dot_general3A_157 = arith.constant dense<0.000000e+00> : vector<6x4xf32>
    %dot_general3A_158 = tpu.matmul %slice3A_156, %concatenate3A_155, %dot_general3A_157 {dimension_numbers = #tpu.dot_dimension_numbers<[1], [0], [0], [1], [0, 0, 1, 1], [], []>, precision = #tpu.contract_precision<fp32>, transpose_lhs_hint = false} : vector<6x256xf32>, vector<256x4xf32>, vector<6x4xf32> -> vector<6x4xf32>
    %add3A_159 = arith.addf %add3A_150, %dot_general3A_158 : vector<6x4xf32>
    %slice3A_160 = vector.extract_strided_slice %div3A_140 {offsets = [0, 2], sizes = [256, 1], strides = [1, 1]} : vector<256x12xf32> to vector<256x1xf32>
    %slice3A_161 = vector.extract_strided_slice %div3A_140 {offsets = [0, 5], sizes = [256, 1], strides = [1, 1]} : vector<256x12xf32> to vector<256x1xf32>
    %slice3A_162 = vector.extract_strided_slice %div3A_140 {offsets = [0, 8], sizes = [256, 1], strides = [1, 1]} : vector<256x12xf32> to vector<256x1xf32>
    %slice3A_163 = vector.extract_strided_slice %div3A_140 {offsets = [0, 11], sizes = [256, 1], strides = [1, 1]} : vector<256x12xf32> to vector<256x1xf32>
    %concatenate3A_164 = tpu.concatenate %slice3A_160, %slice3A_161, %slice3A_162, %slice3A_163 in 1 : vector<256x1xf32>, vector<256x1xf32>, vector<256x1xf32>, vector<256x1xf32> -> vector<256x4xf32>
    %slice3A_165 = vector.extract_strided_slice %get3A_15 {offsets = [0, 512], sizes = [6, 256], strides = [1, 1]} : vector<6x768xf32> to vector<6x256xf32>
    %dot_general3A_166 = arith.constant dense<0.000000e+00> : vector<6x4xf32>
    %dot_general3A_167 = tpu.matmul %slice3A_165, %concatenate3A_164, %dot_general3A_166 {dimension_numbers = #tpu.dot_dimension_numbers<[1], [0], [0], [1], [0, 0, 1, 1], [], []>, precision = #tpu.contract_precision<fp32>, transpose_lhs_hint = false} : vector<6x256xf32>, vector<256x4xf32>, vector<6x4xf32> -> vector<6x4xf32>
    %add3A_168 = arith.addf %add3A_159, %dot_general3A_167 : vector<6x4xf32>
    %reduce_max3A = arith.constant dense<0xFF800000> : vector<4xf32>
    %reduce_max3A_169 = vector.multi_reduction <maximumf>, %add3A_168, %reduce_max3A [0] : vector<6x4xf32> to vector<4xf32>
    %broadcast_in_dim3A_170 = vector.shape_cast %reduce_max3A_169 : vector<4xf32> to vector<1x4xf32>
    %sub3A_171 = vector.broadcast %broadcast_in_dim3A_170 : vector<1x4xf32> to vector<6x4xf32>
    %sub3A_172 = arith.subf %add3A_168, %sub3A_171 : vector<6x4xf32>
    %exp3A = math.exp %sub3A_172 : vector<6x4xf32>
    %reduce_sum3A_173 = arith.constant dense<0.000000e+00> : vector<4xf32>
    %reduce_sum3A_174 = vector.multi_reduction <add>, %exp3A, %reduce_sum3A_173 [0] : vector<6x4xf32> to vector<4xf32>
    %broadcast_in_dim3A_175 = vector.shape_cast %reduce_sum3A_174 : vector<4xf32> to vector<1x4xf32>
    %div3A_176 = vector.broadcast %broadcast_in_dim3A_175 : vector<1x4xf32> to vector<6x4xf32>
    %div3A_177 = arith.divf %exp3A, %div3A_176 : vector<6x4xf32>
    %get3A_178 = arith.constant 0 : index
    %get3A_179 = arith.constant 0 : index
    %get3A_180 = vector.load %arg9[%get3A_178, %get3A_179] : memref<3x35937xf32, #tpu.memory_space<vmem>>, vector<3x35937xf32>
    %slice3A_181 = vector.extract_strided_slice %div3A_177 {offsets = [0, 0], sizes = [1, 1], strides = [1, 1]} : vector<6x4xf32> to vector<1x1xf32>
    %mul3A_182 = vector.broadcast %slice3A_181 : vector<1x1xf32> to vector<3x35937xf32>
    %mul3A_183 = arith.mulf %get3A_180, %mul3A_182 : vector<3x35937xf32>
    %slice3A_184 = vector.extract_strided_slice %div3A_177 {offsets = [0, 1], sizes = [1, 1], strides = [1, 1]} : vector<6x4xf32> to vector<1x1xf32>
    %mul3A_185 = vector.broadcast %slice3A_184 : vector<1x1xf32> to vector<3x35937xf32>
    %mul3A_186 = arith.mulf %get3A_180, %mul3A_185 : vector<3x35937xf32>
    %slice3A_187 = vector.extract_strided_slice %div3A_177 {offsets = [0, 2], sizes = [1, 1], strides = [1, 1]} : vector<6x4xf32> to vector<1x1xf32>
    %mul3A_188 = vector.broadcast %slice3A_187 : vector<1x1xf32> to vector<3x35937xf32>
    %mul3A_189 = arith.mulf %get3A_180, %mul3A_188 : vector<3x35937xf32>
    %slice3A_190 = vector.extract_strided_slice %div3A_177 {offsets = [0, 3], sizes = [1, 1], strides = [1, 1]} : vector<6x4xf32> to vector<1x1xf32>
    %mul3A_191 = vector.broadcast %slice3A_190 : vector<1x1xf32> to vector<3x35937xf32>
    %mul3A_192 = arith.mulf %get3A_180, %mul3A_191 : vector<3x35937xf32>
    %get3A_193 = arith.constant 0 : index
    %get3A_194 = arith.constant 0 : index
    %get3A_195 = vector.load %arg10[%get3A_193, %get3A_194] : memref<3x35937xf32, #tpu.memory_space<vmem>>, vector<3x35937xf32>
    %slice3A_196 = vector.extract_strided_slice %div3A_177 {offsets = [1, 0], sizes = [1, 1], strides = [1, 1]} : vector<6x4xf32> to vector<1x1xf32>
    %mul3A_197 = vector.broadcast %slice3A_196 : vector<1x1xf32> to vector<3x35937xf32>
    %mul3A_198 = arith.mulf %get3A_195, %mul3A_197 : vector<3x35937xf32>
    %add3A_199 = arith.addf %mul3A_183, %mul3A_198 : vector<3x35937xf32>
    %slice3A_200 = vector.extract_strided_slice %div3A_177 {offsets = [1, 1], sizes = [1, 1], strides = [1, 1]} : vector<6x4xf32> to vector<1x1xf32>
    %mul3A_201 = vector.broadcast %slice3A_200 : vector<1x1xf32> to vector<3x35937xf32>
    %mul3A_202 = arith.mulf %get3A_195, %mul3A_201 : vector<3x35937xf32>
    %add3A_203 = arith.addf %mul3A_186, %mul3A_202 : vector<3x35937xf32>
    %slice3A_204 = vector.extract_strided_slice %div3A_177 {offsets = [1, 2], sizes = [1, 1], strides = [1, 1]} : vector<6x4xf32> to vector<1x1xf32>
    %mul3A_205 = vector.broadcast %slice3A_204 : vector<1x1xf32> to vector<3x35937xf32>
    %mul3A_206 = arith.mulf %get3A_195, %mul3A_205 : vector<3x35937xf32>
    %add3A_207 = arith.addf %mul3A_189, %mul3A_206 : vector<3x35937xf32>
    %slice3A_208 = vector.extract_strided_slice %div3A_177 {offsets = [1, 3], sizes = [1, 1], strides = [1, 1]} : vector<6x4xf32> to vector<1x1xf32>
    %mul3A_209 = vector.broadcast %slice3A_208 : vector<1x1xf32> to vector<3x35937xf32>
    %mul3A_210 = arith.mulf %get3A_195, %mul3A_209 : vector<3x35937xf32>
    %add3A_211 = arith.addf %mul3A_192, %mul3A_210 : vector<3x35937xf32>
    %get3A_212 = arith.constant 0 : index
    %get3A_213 = arith.constant 0 : index
    %get3A_214 = vector.load %arg11[%get3A_212, %get3A_213] : memref<3x35937xf32, #tpu.memory_space<vmem>>, vector<3x35937xf32>
    %slice3A_215 = vector.extract_strided_slice %div3A_177 {offsets = [2, 0], sizes = [1, 1], strides = [1, 1]} : vector<6x4xf32> to vector<1x1xf32>
    %mul3A_216 = vector.broadcast %slice3A_215 : vector<1x1xf32> to vector<3x35937xf32>
    %mul3A_217 = arith.mulf %get3A_214, %mul3A_216 : vector<3x35937xf32>
    %add3A_218 = arith.addf %add3A_199, %mul3A_217 : vector<3x35937xf32>
    %slice3A_219 = vector.extract_strided_slice %div3A_177 {offsets = [2, 1], sizes = [1, 1], strides = [1, 1]} : vector<6x4xf32> to vector<1x1xf32>
    %mul3A_220 = vector.broadcast %slice3A_219 : vector<1x1xf32> to vector<3x35937xf32>
    %mul3A_221 = arith.mulf %get3A_214, %mul3A_220 : vector<3x35937xf32>
    %add3A_222 = arith.addf %add3A_203, %mul3A_221 : vector<3x35937xf32>
    %slice3A_223 = vector.extract_strided_slice %div3A_177 {offsets = [2, 2], sizes = [1, 1], strides = [1, 1]} : vector<6x4xf32> to vector<1x1xf32>
    %mul3A_224 = vector.broadcast %slice3A_223 : vector<1x1xf32> to vector<3x35937xf32>
    %mul3A_225 = arith.mulf %get3A_214, %mul3A_224 : vector<3x35937xf32>
    %add3A_226 = arith.addf %add3A_207, %mul3A_225 : vector<3x35937xf32>
    %slice3A_227 = vector.extract_strided_slice %div3A_177 {offsets = [2, 3], sizes = [1, 1], strides = [1, 1]} : vector<6x4xf32> to vector<1x1xf32>
    %mul3A_228 = vector.broadcast %slice3A_227 : vector<1x1xf32> to vector<3x35937xf32>
    %mul3A_229 = arith.mulf %get3A_214, %mul3A_228 : vector<3x35937xf32>
    %add3A_230 = arith.addf %add3A_211, %mul3A_229 : vector<3x35937xf32>
    %get3A_231 = arith.constant 0 : index
    %get3A_232 = arith.constant 0 : index
    %get3A_233 = vector.load %arg12[%get3A_231, %get3A_232] : memref<3x35937xf32, #tpu.memory_space<vmem>>, vector<3x35937xf32>
    %slice3A_234 = vector.extract_strided_slice %div3A_177 {offsets = [3, 0], sizes = [1, 1], strides = [1, 1]} : vector<6x4xf32> to vector<1x1xf32>
    %mul3A_235 = vector.broadcast %slice3A_234 : vector<1x1xf32> to vector<3x35937xf32>
    %mul3A_236 = arith.mulf %get3A_233, %mul3A_235 : vector<3x35937xf32>
    %add3A_237 = arith.addf %add3A_218, %mul3A_236 : vector<3x35937xf32>
    %slice3A_238 = vector.extract_strided_slice %div3A_177 {offsets = [3, 1], sizes = [1, 1], strides = [1, 1]} : vector<6x4xf32> to vector<1x1xf32>
    %mul3A_239 = vector.broadcast %slice3A_238 : vector<1x1xf32> to vector<3x35937xf32>
    %mul3A_240 = arith.mulf %get3A_233, %mul3A_239 : vector<3x35937xf32>
    %add3A_241 = arith.addf %add3A_222, %mul3A_240 : vector<3x35937xf32>
    %slice3A_242 = vector.extract_strided_slice %div3A_177 {offsets = [3, 2], sizes = [1, 1], strides = [1, 1]} : vector<6x4xf32> to vector<1x1xf32>
    %mul3A_243 = vector.broadcast %slice3A_242 : vector<1x1xf32> to vector<3x35937xf32>
    %mul3A_244 = arith.mulf %get3A_233, %mul3A_243 : vector<3x35937xf32>
    %add3A_245 = arith.addf %add3A_226, %mul3A_244 : vector<3x35937xf32>
    %slice3A_246 = vector.extract_strided_slice %div3A_177 {offsets = [3, 3], sizes = [1, 1], strides = [1, 1]} : vector<6x4xf32> to vector<1x1xf32>
    %mul3A_247 = vector.broadcast %slice3A_246 : vector<1x1xf32> to vector<3x35937xf32>
    %mul3A_248 = arith.mulf %get3A_233, %mul3A_247 : vector<3x35937xf32>
    %add3A_249 = arith.addf %add3A_230, %mul3A_248 : vector<3x35937xf32>
    %get3A_250 = arith.constant 0 : index
    %get3A_251 = arith.constant 0 : index
    %get3A_252 = vector.load %arg13[%get3A_250, %get3A_251] : memref<3x35937xf32, #tpu.memory_space<vmem>>, vector<3x35937xf32>
    %slice3A_253 = vector.extract_strided_slice %div3A_177 {offsets = [4, 0], sizes = [1, 1], strides = [1, 1]} : vector<6x4xf32> to vector<1x1xf32>
    %mul3A_254 = vector.broadcast %slice3A_253 : vector<1x1xf32> to vector<3x35937xf32>
    %mul3A_255 = arith.mulf %get3A_252, %mul3A_254 : vector<3x35937xf32>
    %add3A_256 = arith.addf %add3A_237, %mul3A_255 : vector<3x35937xf32>
    %slice3A_257 = vector.extract_strided_slice %div3A_177 {offsets = [4, 1], sizes = [1, 1], strides = [1, 1]} : vector<6x4xf32> to vector<1x1xf32>
    %mul3A_258 = vector.broadcast %slice3A_257 : vector<1x1xf32> to vector<3x35937xf32>
    %mul3A_259 = arith.mulf %get3A_252, %mul3A_258 : vector<3x35937xf32>
    %add3A_260 = arith.addf %add3A_241, %mul3A_259 : vector<3x35937xf32>
    %slice3A_261 = vector.extract_strided_slice %div3A_177 {offsets = [4, 2], sizes = [1, 1], strides = [1, 1]} : vector<6x4xf32> to vector<1x1xf32>
    %mul3A_262 = vector.broadcast %slice3A_261 : vector<1x1xf32> to vector<3x35937xf32>
    %mul3A_263 = arith.mulf %get3A_252, %mul3A_262 : vector<3x35937xf32>
    %add3A_264 = arith.addf %add3A_245, %mul3A_263 : vector<3x35937xf32>
    %slice3A_265 = vector.extract_strided_slice %div3A_177 {offsets = [4, 3], sizes = [1, 1], strides = [1, 1]} : vector<6x4xf32> to vector<1x1xf32>
    %mul3A_266 = vector.broadcast %slice3A_265 : vector<1x1xf32> to vector<3x35937xf32>
    %mul3A_267 = arith.mulf %get3A_252, %mul3A_266 : vector<3x35937xf32>
    %add3A_268 = arith.addf %add3A_249, %mul3A_267 : vector<3x35937xf32>
    %get3A_269 = arith.constant 0 : index
    %get3A_270 = arith.constant 0 : index
    %get3A_271 = vector.load %arg14[%get3A_269, %get3A_270] : memref<3x35937xf32, #tpu.memory_space<vmem>>, vector<3x35937xf32>
    %slice3A_272 = vector.extract_strided_slice %div3A_177 {offsets = [5, 0], sizes = [1, 1], strides = [1, 1]} : vector<6x4xf32> to vector<1x1xf32>
    %mul3A_273 = vector.broadcast %slice3A_272 : vector<1x1xf32> to vector<3x35937xf32>
    %mul3A_274 = arith.mulf %get3A_271, %mul3A_273 : vector<3x35937xf32>
    %add3A_275 = arith.addf %add3A_256, %mul3A_274 : vector<3x35937xf32>
    %slice3A_276 = vector.extract_strided_slice %div3A_177 {offsets = [5, 1], sizes = [1, 1], strides = [1, 1]} : vector<6x4xf32> to vector<1x1xf32>
    %mul3A_277 = vector.broadcast %slice3A_276 : vector<1x1xf32> to vector<3x35937xf32>
    %mul3A_278 = arith.mulf %get3A_271, %mul3A_277 : vector<3x35937xf32>
    %add3A_279 = arith.addf %add3A_260, %mul3A_278 : vector<3x35937xf32>
    %slice3A_280 = vector.extract_strided_slice %div3A_177 {offsets = [5, 2], sizes = [1, 1], strides = [1, 1]} : vector<6x4xf32> to vector<1x1xf32>
    %mul3A_281 = vector.broadcast %slice3A_280 : vector<1x1xf32> to vector<3x35937xf32>
    %mul3A_282 = arith.mulf %get3A_271, %mul3A_281 : vector<3x35937xf32>
    %add3A_283 = arith.addf %add3A_264, %mul3A_282 : vector<3x35937xf32>
    %slice3A_284 = vector.extract_strided_slice %div3A_177 {offsets = [5, 3], sizes = [1, 1], strides = [1, 1]} : vector<6x4xf32> to vector<1x1xf32>
    %mul3A_285 = vector.broadcast %slice3A_284 : vector<1x1xf32> to vector<3x35937xf32>
    %mul3A_286 = arith.mulf %get3A_271, %mul3A_285 : vector<3x35937xf32>
    %add3A_287 = arith.addf %add3A_268, %mul3A_286 : vector<3x35937xf32>
    %slice3A_288 = vector.extract_strided_slice %add3A_275 {offsets = [0, 0], sizes = [1, 35937], strides = [1, 1]} : vector<3x35937xf32> to vector<1x35937xf32>
    %swap3A = arith.constant 0 : index
    %swap3A_289 = arith.constant 0 : index
    %swap3A_290 = vector.load %arg15[%swap3A, %swap3A_289] : memref<4x108672xf32, #tpu.memory_space<vmem>>, vector<1x35937xf32>
    tpu.vector_store %arg15[%swap3A, %swap3A_289], %slice3A_288 {strides = array<i32>} : memref<4x108672xf32, #tpu.memory_space<vmem>>, vector<1x35937xf32>,
    %slice3A_291 = vector.extract_strided_slice %add3A_275 {offsets = [1, 0], sizes = [1, 35937], strides = [1, 1]} : vector<3x35937xf32> to vector<1x35937xf32>
    %swap3A_292 = arith.constant 0 : index
    %swap3A_293 = arith.constant 36224 : index
    %swap3A_294 = vector.load %arg15[%swap3A_292, %swap3A_293] : memref<4x108672xf32, #tpu.memory_space<vmem>>, vector<1x35937xf32>
    tpu.vector_store %arg15[%swap3A_292, %swap3A_293], %slice3A_291 {strides = array<i32>} : memref<4x108672xf32, #tpu.memory_space<vmem>>, vector<1x35937xf32>,
    %slice3A_295 = vector.extract_strided_slice %add3A_275 {offsets = [2, 0], sizes = [1, 35937], strides = [1, 1]} : vector<3x35937xf32> to vector<1x35937xf32>
    %swap3A_296 = arith.constant 0 : index
    %swap3A_297 = arith.constant 72448 : index
    %swap3A_298 = vector.load %arg15[%swap3A_296, %swap3A_297] : memref<4x108672xf32, #tpu.memory_space<vmem>>, vector<1x35937xf32>
    tpu.vector_store %arg15[%swap3A_296, %swap3A_297], %slice3A_295 {strides = array<i32>} : memref<4x108672xf32, #tpu.memory_space<vmem>>, vector<1x35937xf32>,
    %slice3A_299 = vector.extract_strided_slice %add3A_279 {offsets = [0, 0], sizes = [1, 35937], strides = [1, 1]} : vector<3x35937xf32> to vector<1x35937xf32>
    %swap3A_300 = arith.constant 1 : index
    %swap3A_301 = arith.constant 0 : index
    %swap3A_302 = vector.load %arg15[%swap3A_300, %swap3A_301] : memref<4x108672xf32, #tpu.memory_space<vmem>>, vector<1x35937xf32>
    tpu.vector_store %arg15[%swap3A_300, %swap3A_301], %slice3A_299 {strides = array<i32>} : memref<4x108672xf32, #tpu.memory_space<vmem>>, vector<1x35937xf32>,
    %slice3A_303 = vector.extract_strided_slice %add3A_279 {offsets = [1, 0], sizes = [1, 35937], strides = [1, 1]} : vector<3x35937xf32> to vector<1x35937xf32>
    %swap3A_304 = arith.constant 1 : index
    %swap3A_305 = arith.constant 36224 : index
    %swap3A_306 = vector.load %arg15[%swap3A_304, %swap3A_305] : memref<4x108672xf32, #tpu.memory_space<vmem>>, vector<1x35937xf32>
    tpu.vector_store %arg15[%swap3A_304, %swap3A_305], %slice3A_303 {strides = array<i32>} : memref<4x108672xf32, #tpu.memory_space<vmem>>, vector<1x35937xf32>,
    %slice3A_307 = vector.extract_strided_slice %add3A_279 {offsets = [2, 0], sizes = [1, 35937], strides = [1, 1]} : vector<3x35937xf32> to vector<1x35937xf32>
    %swap3A_308 = arith.constant 1 : index
    %swap3A_309 = arith.constant 72448 : index
    %swap3A_310 = vector.load %arg15[%swap3A_308, %swap3A_309] : memref<4x108672xf32, #tpu.memory_space<vmem>>, vector<1x35937xf32>
    tpu.vector_store %arg15[%swap3A_308, %swap3A_309], %slice3A_307 {strides = array<i32>} : memref<4x108672xf32, #tpu.memory_space<vmem>>, vector<1x35937xf32>,
    %slice3A_311 = vector.extract_strided_slice %add3A_283 {offsets = [0, 0], sizes = [1, 35937], strides = [1, 1]} : vector<3x35937xf32> to vector<1x35937xf32>
    %swap3A_312 = arith.constant 2 : index
    %swap3A_313 = arith.constant 0 : index
    %swap3A_314 = vector.load %arg15[%swap3A_312, %swap3A_313] : memref<4x108672xf32, #tpu.memory_space<vmem>>, vector<1x35937xf32>
    tpu.vector_store %arg15[%swap3A_312, %swap3A_313], %slice3A_311 {strides = array<i32>} : memref<4x108672xf32, #tpu.memory_space<vmem>>, vector<1x35937xf32>,
    %slice3A_315 = vector.extract_strided_slice %add3A_283 {offsets = [1, 0], sizes = [1, 35937], strides = [1, 1]} : vector<3x35937xf32> to vector<1x35937xf32>
    %swap3A_316 = arith.constant 2 : index
    %swap3A_317 = arith.constant 36224 : index
    %swap3A_318 = vector.load %arg15[%swap3A_316, %swap3A_317] : memref<4x108672xf32, #tpu.memory_space<vmem>>, vector<1x35937xf32>
    tpu.vector_store %arg15[%swap3A_316, %swap3A_317], %slice3A_315 {strides = array<i32>} : memref<4x108672xf32, #tpu.memory_space<vmem>>, vector<1x35937xf32>,
    %slice3A_319 = vector.extract_strided_slice %add3A_283 {offsets = [2, 0], sizes = [1, 35937], strides = [1, 1]} : vector<3x35937xf32> to vector<1x35937xf32>
    %swap3A_320 = arith.constant 2 : index
    %swap3A_321 = arith.constant 72448 : index
    %swap3A_322 = vector.load %arg15[%swap3A_320, %swap3A_321] : memref<4x108672xf32, #tpu.memory_space<vmem>>, vector<1x35937xf32>
    tpu.vector_store %arg15[%swap3A_320, %swap3A_321], %slice3A_319 {strides = array<i32>} : memref<4x108672xf32, #tpu.memory_space<vmem>>, vector<1x35937xf32>,
    %slice3A_323 = vector.extract_strided_slice %add3A_287 {offsets = [0, 0], sizes = [1, 35937], strides = [1, 1]} : vector<3x35937xf32> to vector<1x35937xf32>
    %swap3A_324 = arith.constant 3 : index
    %swap3A_325 = arith.constant 0 : index
    %swap3A_326 = vector.load %arg15[%swap3A_324, %swap3A_325] : memref<4x108672xf32, #tpu.memory_space<vmem>>, vector<1x35937xf32>
    tpu.vector_store %arg15[%swap3A_324, %swap3A_325], %slice3A_323 {strides = array<i32>} : memref<4x108672xf32, #tpu.memory_space<vmem>>, vector<1x35937xf32>,
    %slice3A_327 = vector.extract_strided_slice %add3A_287 {offsets = [1, 0], sizes = [1, 35937], strides = [1, 1]} : vector<3x35937xf32> to vector<1x35937xf32>
    %swap3A_328 = arith.constant 3 : index
    %swap3A_329 = arith.constant 36224 : index
    %swap3A_330 = vector.load %arg15[%swap3A_328, %swap3A_329] : memref<4x108672xf32, #tpu.memory_space<vmem>>, vector<1x35937xf32>
    tpu.vector_store %arg15[%swap3A_328, %swap3A_329], %slice3A_327 {strides = array<i32>} : memref<4x108672xf32, #tpu.memory_space<vmem>>, vector<1x35937xf32>,
    %slice3A_331 = vector.extract_strided_slice %add3A_287 {offsets = [2, 0], sizes = [1, 35937], strides = [1, 1]} : vector<3x35937xf32> to vector<1x35937xf32>
    %swap3A_332 = arith.constant 3 : index
    %swap3A_333 = arith.constant 72448 : index
    %swap3A_334 = vector.load %arg15[%swap3A_332, %swap3A_333] : memref<4x108672xf32, #tpu.memory_space<vmem>>, vector<1x35937xf32>
    tpu.vector_store %arg15[%swap3A_332, %swap3A_333], %slice3A_331 {strides = array<i32>} : memref<4x108672xf32, #tpu.memory_space<vmem>>, vector<1x35937xf32>,
    return
  }
}

</mosaic_0001>

<sc_bundles>
// kernel: kernel.4.cloned.1.call-start
scs
__scs_entry_jumppad:
0x0: {  	(pc) =	sbr.rel $0x88, $3  }
0x1: {  	(tag) =	ssettag $0x0;
	lr =	simm.s32 $0x1  }
0x2: {  	[smem:$0x3F94] =	sst lr;
	_ =	strace $0xD0000000  }
0x3: {  	_ = 	snop  }
0x4: {  	_ = 	snop  }
0x5: {  	_ = 	snop  }
0x6: {  	_ = 	snop  }
0x7: {  	_ = 	snop  }
__scs_overlays_trampoline_lowered:
0x8: {  	[smem:$0x3FA3] =	sst s0  }
0x9: {  	[smem:$0x3FA4] =	sst s1  }
0xa: {  	[smem:$0x3FA5] =	sst s2  }
0xb: {  	[smem:$0x3FA6] =	sst s3  }
0xc: {  	[smem:$0x3FA7] =	sst s4  }
0xd: {  	[smem:$0x3FA8] =	sst s5  }
0xe: {  	[smem:$0x3FA9] =	sst s6  }
0xf: {  	[smem:$0x3FAA] =	sst s7  }
0x10: {  	[smem:$0x3FAB] =	sst s8  }
0x11: {  	[smem:$0x3FAC] =	sst s9;
	s0 =	simm.s32 @!p0 $0x0  }
0x12: {  	s1 =	sld [smem:$0x3F92];
	s0 =	simm.s32 @p0 $0x1  }
0x13: {  	[smem:$0x3FAD] =	sst s0;
	s0 =	simm.s32 @!p1 $0x0  }
0x14: {  	s2 =	sld [smem:$0x3F91];
	s0 =	simm.s32 @p1 $0x1  }
0x15: {  	[smem:$0x3FAE] =	sst s0;
	s0 =	simm.s32 @!p2 $0x0  }
0x16: {  	s3 =	sld [smem:$0x3FDB];
	s0 =	simm.s32 @p2 $0x1  }
0x17: {  	s4 =	simm.s32 $0x1BF5;
	[smem:$0x3FB0] =	sst s0  }
0x18: {  	s0 =	sld [smem:$0x3F93];
	_ =	swait.ge [sflag:s4], $0x0  }
0x19: {  	s7 =	sld [smem:$0x3F94]  }
0x1a: {  	s8 =	sadd.s32 $0xFFFFE003, lr  }
0x1b: {  	s9 =	sadd.s32 $0xFFFFFEF7, lr;
	s5 =	simm.s32 $0xFFFFFFFF;
	p2 =	slt.u32 s8, $0xFFFFF086  }
0x1c: {  	p1 =	slt.u32 s9, $0xF7A;
	s5 =	simm.s32 @!p2 $0x0  }
0x1d: {  	s5 =	simm.s32 @p1 $0x1;
	p0 =	seq.s32 s7, s2  }
0x1e: {  	s7 =	smul.u32 @!p0 $0xF7A, s2;
	p2 =	seq.s32 @!p0 s5, $0x0  }
0x1f: {  	s9 =	smul.u32 $0xF7A, s1;
	s8 =	simm.s32 @!p0 $0x1BF5;
	p2 =	por !p2, p0  }
0x20: {  	[sflag:s8] =	ssyncset.s32 @!p0 $0xFFFFF086;
	s6 =	sadd.s32 @!p0 s3, s7;
	s7 =	simm.s32 @!p0 $0x108  }
0x21: {  	s3 =	sadd.s32 s3, s9;
	s6 =	sadd.s32 @!p0 $0x88, s6;
	s7 =	simm.s32 @p2 $0x1082  }
0x22: {  	[simem:s7], [sflag:s8] =	dma.local @!p0 [hbm:s6], $0xF7A  }
0x23: {  	s9 =	sor.u32 $0xD0000000, s2;
	s6 =	simm.s32 $0x108;
	_ =	swait.ge @!p0 [sflag:s8], $0x0  }
0x24: {  	s3 =	sadd.s32 $0x88, s3;
	s6 =	simm.s32 @!p1 $0x1082;
	[sflag:s4] =	ssyncset.s32 $0xFFFFF086  }
0x25: {  	[simem:s6], [sflag:s4] =	dma.local [hbm:s3], $0xF7A  }
0x26: {  	[smem:$0x3F94] =	sst s1;
	(tag) =	ssettag s2;
	_ =	strace s9  }
0x27: {  	s1 =	sld [smem:$0x3FA4]  }
0x28: {  	s2 =	sld [smem:$0x3FA5]  }
0x29: {  	s4 =	sld [smem:$0x3FA7]  }
0x2a: {  	p0 =	seq.s32 s5, $0x0;
	s5 =	sld [smem:$0x3FA8]  }
0x2b: {  	s6 =	sld [smem:$0x3FA9]  }
0x2c: {  	s7 =	sld [smem:$0x3FAA]  }
0x2d: {  	s3 =	simm.s32 $0x108;
	s8 =	sld [smem:$0x3FAB]  }
0x2e: {  	s3 =	simm.s32 @!p0 $0x1082;
	s9 =	sld [smem:$0x3FAC]  }
0x2f: {  	lr =	sadd.s32 s0, s3;
	s0 =	sld [smem:$0x3FA3]  }
0x30: {  	s3 =	sld [smem:$0x3FA6]  }
0x31: {  	[smem:$0x3FAF] =	sst s10  }
0x32: {  	s10 =	sld [smem:$0x3FAD];
	_ =	sdelay $0x3  }
0x33: {  	p0 =	seq.s32 s10, $0x1;
	s10 =	sld [smem:$0x3FAF];
	_ =	sdelay $0x3  }
0x34: {  	[smem:$0x3FAF] =	sst s10  }
0x35: {  	s10 =	sld [smem:$0x3FAE];
	_ =	sdelay $0x3  }
0x36: {  	p1 =	seq.s32 s10, $0x1;
	s10 =	sld [smem:$0x3FAF];
	_ =	sdelay $0x3  }
0x37: {  	[smem:$0x3FAF] =	sst s10  }
0x38: {  	s10 =	sld [smem:$0x3FB0]  }
0x39: {  	_ = 	snop;
	(pc) =	sbr.ind lr, $3  }
0x3a: {  	_ = 	snop  }
0x3b: {  	_ = 	snop  }
0x3c: {  	p2 =	seq.s32 s10, $0x1;
	s10 =	sld [smem:$0x3FAF]  }
0x3d: {  	_ =	shalt  }
0x3e: {  	_ =	shalt  }
0x3f: {  	_ =	shalt  }
0x40: {  	_ =	shalt  }
0x41: {  	_ =	shalt  }
0x42: {  	_ =	shalt  }
0x43: {  	_ =	shalt  }
0x44: {  	_ =	shalt  }
0x45: {  	_ =	shalt  }
0x46: {  	_ =	shalt  }
0x47: {  	_ =	shalt  }
0x48: {  	_ =	shalt  }
0x49: {  	_ =	shalt  }
0x4a: {  	_ =	shalt  }
0x4b: {  	_ =	shalt  }
0x4c: {  	_ =	shalt  }
0x4d: {  	_ =	shalt  }
0x4e: {  	_ =	shalt  }
0x4f: {  	_ =	shalt  }
0x50: {  	_ =	shalt  }
0x51: {  	_ =	shalt  }
0x52: {  	_ =	shalt  }
0x53: {  	_ =	shalt  }
0x54: {  	_ =	shalt  }
0x55: {  	_ =	shalt  }
0x56: {  	_ =	shalt  }
0x57: {  	_ =	shalt  }
0x58: {  	_ =	shalt  }
0x59: {  	_ =	shalt  }
0x5a: {  	_ =	shalt  }
0x5b: {  	_ =	shalt  }
0x5c: {  	_ =	shalt  }
0x5d: {  	_ =	shalt  }
0x5e: {  	_ =	shalt  }
0x5f: {  	_ =	shalt  }
0x60: {  	_ =	shalt  }
0x61: {  	_ =	shalt  }
0x62: {  	_ =	shalt  }
0x63: {  	_ =	shalt  }
0x64: {  	_ =	shalt  }
0x65: {  	_ =	shalt  }
0x66: {  	_ =	shalt  }
0x67: {  	_ =	shalt  }
0x68: {  	_ =	shalt  }
0x69: {  	_ =	shalt  }
0x6a: {  	_ =	shalt  }
0x6b: {  	_ =	shalt  }
0x6c: {  	_ =	shalt  }
0x6d: {  	_ =	shalt  }
0x6e: {  	_ =	shalt  }
0x6f: {  	_ =	shalt  }
0x70: {  	_ =	shalt  }
0x71: {  	_ =	shalt  }
0x72: {  	_ =	shalt  }
0x73: {  	_ =	shalt  }
0x74: {  	_ =	shalt  }
0x75: {  	_ =	shalt  }
0x76: {  	_ =	shalt  }
0x77: {  	_ =	shalt  }
0x78: {  	_ =	shalt  }
0x79: {  	_ =	shalt  }
0x7a: {  	_ =	shalt  }
0x7b: {  	_ =	shalt  }
0x7c: {  	_ =	shalt  }
0x7d: {  	_ =	shalt  }
0x7e: {  	_ =	shalt  }
0x7f: {  	_ =	shalt  }
0x80: {  	_ =	shalt  }
0x81: {  	_ =	shalt  }
0x82: {  	_ =	shalt  }
0x83: {  	_ =	shalt  }
0x84: {  	_ =	shalt  }
0x85: {  	_ =	shalt  }
0x86: {  	_ =	shalt  }
0x87: {  	_ =	shalt  }
.Lfunc_end0:
.L_simem_size_0:
called_computation_lowered:
.L_overlay_start_0:
0x88: {  	s2 =	sld [smem:$0x3FD9]  }
0x89: {  	s3 =	sld [smem:$0x3FFE];
	_ =	sdelay $0x1  }
0x8a: {  	s1 =	srdreg.scid  }
0x8b: {  	s0 =	sand.u32 $0x1, s1  }
0x8c: {  	s17 =	sshll.u32 s0, $0xA;
	s2 =	sadd.s32 s3, s2  }
0x8d: {  	s2 =	sadd.s32 s2, s17  }
0x8e: {  	[smem:$0x3FBB] =	sst s2  }
0x8f: {  	_ = 	snop  }
0x90: {  	s2 =	sld [smem:$0x3FC8]  }
0x91: {  	s18 =	sld [smem:$0x3FC7]  }
0x92: {  	s4 =	sld [smem:$0x3FD0];
	(tm) =	ssettm $0x1  }
0x93: {  	s5 =	sld [smem:$0x3FFB];
	_ =	sdelay $0x3  }
0x94: {  	_ =	strace s5  }
0x95: {  	s5 =	sld [smem:$0x3FFC];
	_ =	sdelay $0x3  }
0x96: {  	_ =	strace s5  }
0x97: {  	s5 =	sld [smem:$0x3FFD];
	_ =	sdelay $0x3  }
0x98: {  	_ =	strace s5  }
0x99: {  	_ =	strace $0x8FFFFFFF  }
0x9a: {  	s19 =	sld [smem:$0x3FDB];
	_ =	sdelay $0x1  }
0x9b: {  	s6 =	simm.s32 $_scs_section_size  }
0x9c: {  	s7 =	simm.s32 $_size__tile_overlayer_lowered;
	s8 =	simm.s32 $_tile_overlayer_lowered  }
0x9d: {  	s22 =	simm.s32 $0x1BFF;
	s21 =	sshll.u32 s8, $0x1;
	s5 =	sadd.s32 s6, s19  }
0x9e: {  	s9 =	simm.s32 $0x0;
	s20 =	sshll.u32 s7, $0x1;
	s7 =	sadd.s32 s21, s5  }
0x9f: {  	[timem:s9], [sflag:s22] =	dma.local [hbm:s7], s20  }
0xa0: {  	_ =	swait.ge [sflag:s22], s20  }
0xa1: {  	s6 =	ssub.s32 $0x0, s20;
	[sflag:s22] =	ssyncset.done $0x0  }
0xa2: {  	[sflag:s22] =	ssyncadd.s32 s6;
	_ =	sdelay $0x1  }
0xa3: {  	s23 =	simm.s32 $0x1B8B  }
0xa4: {  	_ =	swait.ge [sflag:s23], $0x1  }
0xa5: {  	[sflag:s23] =	ssyncset.done $0x0  }
0xa6: {  	s25 =	simm.s32 $0x1B8E;
	s24 =	sld [smem:$0x3FFE];
	[sflag:s23] =	ssyncadd.s32 $0xFFFFFFFF  }
0xa7: {  	s26 =	simm.s32 $execute0_lowered;
	[smem:$0x3FD2] =	sst s25  }
0xa8: {  	s7 =	sshll.u32 s26, $0x1;
	_ =	strace $0x80000046;
	[dreg:$0x1] =	wrdreg $0xFFFFFFFF  }
0xa9: {  	s28 =	simm.s32 $_size_execute0_lowered;
	s5 =	sadd.s32 s5, s7;
	[dreg:$0x0] =	wrdreg $0x0  }
0xaa: {  	s7 =	sshll.u32 s28, $0x1;
	[dreg:$0x2] =	wrdreg s5  }
0xab: {  	[dreg:$0x3] =	wrdreg s7  }
0xac: {  	[dreg:$0x4] =	wrdreg $0xC0  }
0xad: {  	_ =	task [dreg:s9], $0x5FFFF  }
0xae: {  	[dreg:$0x1] =	wrdreg $0xFFFFFFFF  }
0xaf: {  	[dreg:$0x0] =	wrdreg $0x60  }
0xb0: {  	[dreg:$0x2] =	wrdreg s2  }
0xb1: {  	[dreg:$0x3] =	wrdreg s18  }
0xb2: {  	[dreg:$0x4] =	wrdreg s24  }
0xb3: {  	[dreg:$0x5] =	wrdreg s4  }
0xb4: {  	[dreg:$0x6] =	wrdreg $0x9  }
0xb5: {  	_ =	task.clear_ibuf [dreg:s9], $0x7FFFF;
	_ =	strace $0x90000046  }
0xb6: {  	s29 =	simm.s32 $0x9;
	_ =	strace $0x80000048  }
0xb7: {  	_ =	swait.ge [sflag:s29], $0x1  }
0xb8: {  	[sflag:s29] =	ssyncadd.s32 $0xFFFFFFFF  }
0xb9: {  	_ =	strace $0x90000048  }
0xba: {  	_ =	sfence  }
0xbb: {  	s30 =	sld [smem:$0x0];
	_ =	sdelay $0x2  }
0xbc: {  	s31 =	sshll.u32 s1, $0xD;
	s1 =	sshrl.u32 s1, $0x2  }
0xbd: {  	s3 =	sand.u32 $0x4000, s31;
	s1 =	sadd.s32 s1, s30  }
0xbe: {  	s0 =	sor.u32 s3, s0;
	s1 =	sshll.u32 s1, $0x11  }
0xbf: {  	s0 =	sor.u32 s1, s0  }
0xc0: {  	s0 =	sadd.s32 $0x8F2B, s0  }
0xc1: {  	[sflag:s0] =	ssyncadd.remote.s32 $0x1  }
0xc2: {  	_ =	sfence.sel $0xFFFF  }
0xc3: {  	[dreg:$0x0] =	wrdreg $0xFFFFFFFF;
	(pc) =	sbr.abs _section_cstart, $3  }
0xc4: {  	[dreg:$0x1] =	wrdreg $0xFFFFFFFF  }
0xc5: {  	_ =	task.clear_ibuf [dreg:s9], $0x2FFFF;
	_ =	strace $0x9FFFFFFF  }
0xc6: {  	(tm) =	ssettm $0x7FFFFFFF  }
0xc7: {  	_ =	shalt  }
tec
execute0_lowered:
.L_overlay_start_1:
0x0: {  	(tag) =	ssettag $0x1  }
0x1: {  	s1 =	rddreg [dreg:$0x0]  }
0x2: {  	s2 =	rddreg [dreg:$0x1]  }
0x3: {  	s0 =	rddreg [dreg:$0x2]  }
0x4: {  	s4 =	rddreg [dreg:$0x3];
	s5 =	simm.s32 $0x0  }
0x5: {  	s7 =	stileid.u32;
	s3 =	srdreg.scid;
	s20 =	simm.s32 $0x1  }
0x6: {  	s21 =	simm.s32 $0x3;
	s28 =	simm.s32 $0x1CC80;
	s13 =	simm.s32 $0x2  }
0x7: {  	s14 =	simm.s32 $0x4;
	s15 =	simm.s32 $0x1D480;
	s16 =	simm.s32 $0x1D880  }
0x8: {  	[smem:$0x7FF] =	sst s5;
	s6 =	sshll.u32 s7, $0x1;
	s9 =	sshrl.u32 s7, $0x2  }
0x9: {  	s3 =	sand.u32 $0x1, s3;
	s6 =	sand.u32 $0x6, s6;
	s7 =	sshll.u32 s9, $0x4  }
0xa: {  	_ =	strace $0x80000047;
	s8 =	sor.u32 s3, s6;
	s6 =	smul.u32 $0xC0000, s9  }
0xb: {  	s0 =	sadd.s32 s7, s0;
	s3 =	ssub.s32 $0x2, s3;
	s9 =	sshll.u32 s9, $0x12  }
0xc: {  	s7 =	sshll.u32 s8, $0xF;
	s10 =	sshrl.u32 s3, $0x1;
	s0 =	sadd.s32 $0x1C000, s0  }
0xd: {  	s8 =	sor.u32 s6, s7;
	s12 =	sor.u32 s9, s7;
	s3 =	ssub.s32 s3, s10  }
0xe: {  	[dreg:$0x6] =	wrdreg s0;
	s22 =	sshrl.u32 s12, $0x3;
	s25 =	smax.u32 s3, $0x1  }
0xf: {  	s11 =	sshrl.u32 s8, $0x3;
	s23 =	sadd.s32 s2, s22;
	[dreg:$0xa] =	wrdreg s25  }
0x10: {  	s17 =	simm.s32 $0x1DC80;
	s11 =	sadd.s32 s1, s11;
	[dreg:$0x7] =	wrdreg s23  }
0x11: {  	s10 =	simm.s32 $0x0;
	s24 =	sadd.s32 $0x20, s11;
	[dreg:$0x5] =	wrdreg s11  }
0x12: {  	s12 =	simm.s32 $0x5;
	s0 =	sadd.s32 $0x20, s23;
	[dreg:$0x8] =	wrdreg s24  }
.Ltmp0:
0x13: {  	s26 =	sadd.s32 $0x8000, s11;
	[dreg:$0x9] =	wrdreg s0;
	(pc) =	sbr.rel .LBB2_1-.Ltmp0, $4  }
0x14: {  	s22 =	simm.s32 $0x100;
	s29 =	sadd.s32 $0x10000, s11;
	[dreg:$0xb] =	wrdreg s26  }
0x15: {  	s25 =	simm.s32 $0x11B00;
	s30 =	sadd.s32 $0x8020, s11;
	[dreg:$0xc] =	wrdreg s29  }
0x16: {  	s31 =	sadd.s32 $0x10020, s11;
	s23 =	simm.s32 $0x400;
	[dreg:$0xd] =	wrdreg s30  }
0x17: {  	s11 =	simm.s32 $0x1D080;
	[dreg:$0xe] =	wrdreg s31;
	s24 =	simm.s32 $0x8D80  }
.LBB2_12:
0x18: {  	s12 =	simm.s32 $0x5  }
0x19: {  	_ =	swait.ge [sflag:s12], $0xC00  }
0x1a: {  	[sflag:s12] =	ssyncset.done $0x0  }
0x1b: {  	s3 =	simm.s32 $0x6;
	[sflag:s12] =	ssyncadd.s32 $0xFFFFF400  }
0x1c: {  	_ =	swait.ge [sflag:s3], $0xC00  }
0x1d: {  	s10 =	rddreg [dreg:$0xf]  }
0x1e: {  	s0 =	rddreg [dreg:$0xa];
	s10 =	sadd.s32 $0x1, s10  }
0x1f: {  	p0 =	sne.s32 s10, s0  }
.Ltmp1:
0x20: {  	_ = 	snop;
	(pc) =	sbr.rel @!p0 .LBB2_13-.Ltmp1, $3  }
0x21: {  	_ =	sdelay $0x1  }
0x22: {  	[sflag:s3] =	ssyncset.done $0x0  }
0x23: {  	[sflag:s3] =	ssyncadd.s32 $0xFFFFF400  }
.LBB2_1:
0x24: {  	[dreg:$0xf] =	wrdreg s10  }
0x25: {  	s0 =	rddreg [dreg:$0x6];
	s3 =	simm.s32 $0x80;
	s31 =	simm.s32 $0x200  }
0x26: {  	[tilespmem:s5], [sflag:$0x5] =	stream.strided.gather [hbm4b:s0+s3], $0x1A880, s31, s3, $0x38;
	[tilespmem:$0x1E080] =	vst v63  }
0x27: {  	s10 =	simm.s32 $0x1A880;
	s3 =	rddreg [dreg:$0x5]  }
0x28: {  	[tilespmem:s10], [sflag:$0x1] =	stream.strided.gather [hbm4b:s3+s22], $0x400, s23, s22, $0x38;
	[tilespmem:$0x1E080] =	vst v63  }
0x29: {  	s18 =	rddreg [dreg:$0xb];
	s19 =	simm.s32 $0x1AC80  }
0x2a: {  	[tilespmem:s19], [sflag:$0x1] =	stream.strided.gather [hbm4b:s18+s22], $0x400, s23, s22, $0x38;
	[tilespmem:$0x1E080] =	vst v63  }
0x2b: {  	s26 =	rddreg [dreg:$0xc];
	s29 =	simm.s32 $0x1B080  }
0x2c: {  	[tilespmem:s29], [sflag:$0x1] =	stream.strided.gather [hbm4b:s26+s22], $0x400, s23, s22, $0x38;
	[tilespmem:$0x1E080] =	vst v63  }
0x2d: {  	s30 =	rddreg [dreg:$0x7];
	s31 =	simm.s32 $0x1C080  }
0x2e: {  	[tilespmem:s31], [sflag:$0x3] =	stream.strided.gather [hbm4b:s30+s22], $0x400, s23, s22, $0x38;
	[tilespmem:$0x1E080] =	vst v63  }
0x2f: {  	s3 =	rddreg [dreg:$0x8];
	s10 =	simm.s32 $0x1B480  }
0x30: {  	[tilespmem:s10], [sflag:$0x2] =	stream.strided.gather [hbm4b:s3+s22], $0x400, s23, s22, $0x38;
	[tilespmem:$0x1E080] =	vst v63  }
0x31: {  	s18 =	rddreg [dreg:$0xd];
	s19 =	simm.s32 $0x1B880  }
0x32: {  	[tilespmem:s19], [sflag:$0x2] =	stream.strided.gather [hbm4b:s18+s22], $0x400, s23, s22, $0x38;
	[tilespmem:$0x1E080] =	vst v63  }
0x33: {  	s26 =	rddreg [dreg:$0xe];
	s29 =	simm.s32 $0x1BC80  }
0x34: {  	[tilespmem:s29], [sflag:$0x2] =	stream.strided.gather [hbm4b:s26+s22], $0x400, s23, s22, $0x38;
	[tilespmem:$0x1E080] =	vst v63  }
0x35: {  	s30 =	rddreg [dreg:$0x9];
	s31 =	simm.s32 $0x1C480  }
0x36: {  	[tilespmem:s31], [sflag:$0x4] =	stream.strided.gather [hbm4b:s30+s22], $0x400, s23, s22, $0x38;
	[tilespmem:$0x1E080] =	vst v63  }
0x37: {  	_ =	swait.ge [sflag:s12], $0x1A880  }
0x38: {  	[sflag:s12] =	ssyncset.done $0x0  }
0x39: {  	[sflag:s12] =	ssyncadd.s32 $0xFFFE5780;
	s12 =	simm.s32 $0x0  }
.LBB2_2:
0x3a: {  	_ =	swait.ge [sflag:s20], $0xC00  }
0x3b: {  	[sflag:s20] =	ssyncset.done $0x0  }
0x3c: {  	[sflag:s20] =	ssyncadd.s32 $0xFFFFF400  }
0x3d: {  	_ =	swait.ge [sflag:s21], $0x400  }
0x3e: {  	p0 =	seq.s32 s12, $0x0;
	[sflag:s21] =	ssyncset.done $0x0  }
0x3f: {  	s0 =	simm.s32 @!p0 $0x5;
	[sflag:s21] =	ssyncadd.s32 $0xFFFFFC00  }
0x40: {  	s18 =	simm.s32 $0x0;
	_ =	swait.ge @!p0 [sflag:s0], $0xC00  }
0x41: {  	s3 =	sand.u32 $0x70, s18;
	s10 =	sand.u32 $0x300, s18;
	[sflag:s0] =	ssyncset.done @!p0 $0x0  }
0x42: {  	s29 =	sor.u32 s3, s10;
	[sflag:s0] =	ssyncadd.s32 @!p0 $0xFFFFF400  }
0x43: {  	v12 =	vld [tilespmem:s29+$0x1AC80]  }
0x44: {  	v16 =	vld [tilespmem:s29+$0x1B080]  }
0x45: {  	v13 =	vld [tilespmem:s29+$0x1A880];
	_ =	sdelay $0x2  }
0x46: {  	v1 =	vmul.f32 $3.199996760e+01, v12  }
0x47: {  	v3 =	vmul.f32 $3.199996760e+01, v16  }
0x48: {  	v2 =	vmul.f32 $3.199996760e+01, v13;
	v0 =	vtrunc.f32 v1  }
0x49: {  	v4 =	vtrunc.f32 v3;
	v0 =	vcvt.f32.s32 v0  }
0x4a: {  	v5 =	vtrunc.f32 v2;
	v4 =	vcvt.f32.s32 v4  }
0x4b: {  	v5 =	vcvt.f32.s32 v5;
	v6 =	vmul.u32 $0x21, v0  }
0x4c: {  	v7 =	vmul.u32 $0x441, v4  }
0x4d: {  	v6 =	vadd.s32 v5, v6  }
0x4e: {  	v14 =	vadd.s32 v7, v6  }
0x4f: {  	v6 =	vcvt.s32.f32 v0;
	v0 =	vadd.s32 $0x1, v14  }
0x50: {  	v5 =	vcvt.s32.f32 v5;
	v15 =	vadd.s32 $0x463, v14  }
0x51: {  	v4 =	vcvt.s32.f32 v4;
	v18 =	vadd.s32 $0x442, v14  }
0x52: {  	v5 =	vsub.f32 v2, v5;
	v2 =	vadd.s32 $0x441, v14;
	v6 =	vsub.f32 v1, v6  }
0x53: {  	v4 =	vsub.f32 v3, v4;
	v19 =	vadd.s32 $0x22, v14;
	v8 =	vld.idx.msk [tilespmem:v14+s18+$0x0], $0xffff  }
0x54: {  	v1 =	vadd.s32 $0x462, v14;
	v9 =	vsub.f32 $1.000000000e+00, v5;
	v7 =	vsub.f32 $1.000000000e+00, v6;
	v10 =	vld.idx.msk [tilespmem:v0+s18+$0x0], $0xffff  }
0x55: {  	v20 =	vadd.s32 $0x21, v14;
	v17 =	vld.idx.msk [tilespmem:v15+s18+$0x0], $0xffff  }
0x56: {  	v21 =	vsub.f32 $1.000000000e+00, v4;
	v22 =	vmul.f32 v6, v5;
	v11 =	vmul.f32 v7, v9;
	v26 =	vld.idx.msk [tilespmem:v18+s18+$0x0], $0xffff  }
0x57: {  	v25 =	vmul.f32 v6, v9;
	v24 =	vmul.f32 v7, v5;
	v27 =	vld.idx.msk [tilespmem:v2+s18+$0x0], $0xffff  }
0x58: {  	v5 =	vmul.f32 v21, v22;
	v28 =	vld.idx.msk [tilespmem:v19+s18+$0x0], $0xffff;
	v7 =	vmul.f32 v21, v11  }
0x59: {  	v23 =	vld.idx.msk [tilespmem:v1+s18+$0x0], $0xffff;
	v6 =	vmul.f32 v4, v25;
	v3 =	vmul.f32 v21, v24  }
0x5a: {  	v29 =	vld.idx.msk [tilespmem:v20+s18+$0x0], $0xffff;
	v9 =	vmul.f32 v24, v4;
	v30 =	vmul.f32 v7, v8  }
0x5b: {  	v8 =	vmul.f32 v11, v4;
	v11 =	vmul.f32 v4, v22  }
0x5c: {  	v53 =	vmul.f32 v3, v10;
	v4 =	vmul.f32 v26, v9  }
0x5d: {  	v10 =	vmul.f32 v21, v25;
	v55 =	vmul.f32 v5, v28  }
0x5e: {  	v23 =	vmul.f32 v23, v6;
	v54 =	vmul.f32 v8, v27  }
0x5f: {  	v17 =	vmul.f32 v17, v11;
	v25 =	vmul.f32 v10, v29  }
0x60: {  	v24 =	vadd.f32 v53, v30;
	v21 =	vadd.f32 v4, v54;
	v4 =	vld [tilespmem:s29+$0x1C080]  }
0x61: {  	v17 =	vadd.f32 v17, v23;
	v22 =	vadd.f32 v55, v25;
	_ =	sdelay $0x1  }
0x62: {  	v17 =	vadd.f32 v17, v21;
	v22 =	vadd.f32 v22, v24;
	_ =	sdelay $0x1  }
0x63: {  	v56 =	vsub.f32 $1.000000000e+00, v4;
	v17 =	vadd.f32 v17, v22;
	_ =	sdelay $0x1  }
0x64: {  	v17 =	vmul.f32 v17, v4;
	v13 =	vmul.f32 v56, v13;
	_ =	sdelay $0x1  }
0x65: {  	v13 =	vadd.f32 v17, v13;
	_ =	sdelay $0x1  }
0x66: {  	[tilespmem:s29+$0x1C880] =	vst v13  }
0x67: {  	v13 =	vld.idx.msk [tilespmem:v14+s24+$0x0], $0xffff  }
0x68: {  	v17 =	vld.idx.msk [tilespmem:v15+s24+$0x0], $0xffff  }
0x69: {  	v57 =	vld.idx.msk [tilespmem:v18+s24+$0x0], $0xffff  }
0x6a: {  	v58 =	vld.idx.msk [tilespmem:v1+s24+$0x0], $0xffff  }
0x6b: {  	v59 =	vld.idx.msk [tilespmem:v0+s24+$0x0], $0xffff  }
0x6c: {  	v60 =	vld.idx.msk [tilespmem:v20+s24+$0x0], $0xffff  }
0x6d: {  	v61 =	vld.idx.msk [tilespmem:v2+s24+$0x0], $0xffff  }
0x6e: {  	v62 =	vld.idx.msk [tilespmem:v19+s24+$0x0], $0xffff;
	_ =	sdelay $0x1  }
0x6f: {  	v13 =	vmul.f32 v13, v7;
	v17 =	vmul.f32 v17, v11  }
0x70: {  	v22 =	vmul.f32 v57, v9;
	v23 =	vmul.f32 v58, v6  }
0x71: {  	v24 =	vmul.f32 v59, v3;
	v26 =	vmul.f32 v61, v8  }
0x72: {  	v25 =	vmul.f32 v60, v10;
	v27 =	vmul.f32 v62, v5  }
0x73: {  	v13 =	vadd.f32 v24, v13;
	v22 =	vadd.f32 v22, v26  }
0x74: {  	v63 =	vadd.f32 v27, v25;
	v17 =	vadd.f32 v17, v23;
	_ =	sdelay $0x1  }
0x75: {  	v13 =	vadd.f32 v63, v13;
	v17 =	vadd.f32 v17, v22;
	_ =	sdelay $0x1  }
0x76: {  	v13 =	vadd.f32 v17, v13;
	_ =	sdelay $0x1  }
0x77: {  	v12 =	vmul.f32 v56, v12;
	v13 =	vmul.f32 v13, v4;
	_ =	sdelay $0x1  }
0x78: {  	v12 =	vadd.f32 v13, v12;
	_ =	sdelay $0x1  }
0x79: {  	[tilespmem:s29+$0x1CC80] =	vst v12  }
0x7a: {  	v17 =	vld.idx.msk [tilespmem:v15+s25+$0x0], $0xffff  }
0x7b: {  	s19 =	sshll.u32 s12, $0xB;
	s26 =	sshll.u32 s12, $0x9;
	v13 =	vld.idx.msk [tilespmem:v14+s25+$0x0], $0xffff  }
0x7c: {  	s3 =	sand.u32 $0x200, s26;
	s0 =	sand.u32 $0x7000, s19;
	v15 =	vld.idx.msk [tilespmem:v20+s25+$0x0], $0xffff  }
0x7d: {  	s30 =	simm.s32 $0x10;
	s31 =	simm.s32 $0x0;
	s0 =	sor.u32 s3, s0;
	v14 =	vld.idx.msk [tilespmem:v19+s25+$0x0], $0xffff  }
0x7e: {  	s10 =	sshll.u32 s12, $0x1;
	s3 =	smov.u32 s29;
	s19 =	sor.u32 s8, s0;
	v12 =	vmul.f32 v56, v16;
	v16 =	vld.idx.msk [tilespmem:v18+s25+$0x0], $0xffff  }
.LBB2_3:
0x7f: {  	p1 =	sne.s32 s30, $0x1F0  }
0x80: {  	v1 =	vld.idx.msk [tilespmem:v1+s25+$0x0], $0xffff;
	s31 =	sadd.s32 $0x20, s31;
	s0 =	smov.u32 s30;
	s30 =	sadd.s32 $0x10, s30  }
0x81: {  	v11 =	vmul.f32 v17, v11;
	s0 =	sand.u32 $0x70, s0;
	s26 =	sand.u32 $0x300, s31;
	v0 =	vld.idx.msk [tilespmem:v0+s25+$0x0], $0xffff  }
0x82: {  	v7 =	vmul.f32 v13, v7;
	s0 =	sor.u32 s0, s26;
	v2 =	vld.idx.msk [tilespmem:v2+s25+$0x0], $0xffff  }
0x83: {  	v10 =	vmul.f32 v15, v10;
	v18 =	vld [tilespmem:s0+$0x1AC80]  }
0x84: {  	v5 =	vmul.f32 v14, v5;
	v19 =	vld [tilespmem:s0+$0x1B080]  }
0x85: {  	v9 =	vmul.f32 v16, v9;
	v20 =	vld [tilespmem:s0+$0x1A880]  }
0x86: {  	v5 =	vadd.f32 v5, v10;
	v1 =	vmul.f32 v1, v6  }
0x87: {  	v0 =	vmul.f32 v0, v3  }
0x88: {  	v2 =	vmul.f32 v2, v8;
	v1 =	vadd.f32 v11, v1;
	v3 =	vmul.f32 $3.199996760e+01, v18  }
0x89: {  	v0 =	vadd.f32 v0, v7;
	v6 =	vmul.f32 $3.199996760e+01, v19  }
0x8a: {  	v2 =	vadd.f32 v9, v2;
	v7 =	vmul.f32 $3.199996760e+01, v20;
	v8 =	vtrunc.f32 v3  }
0x8b: {  	v0 =	vadd.f32 v5, v0;
	v8 =	vcvt.f32.s32 v8;
	v9 =	vtrunc.f32 v6  }
0x8c: {  	v1 =	vadd.f32 v1, v2;
	v5 =	vtrunc.f32 v7;
	v9 =	vcvt.f32.s32 v9  }
0x8d: {  	v2 =	vcvt.f32.s32 v5;
	v5 =	vcvt.s32.f32 v8;
	v8 =	vmul.u32 $0x21, v8  }
0x8e: {  	v0 =	vadd.f32 v1, v0;
	v10 =	vcvt.s32.f32 v9;
	v9 =	vmul.u32 $0x441, v9  }
0x8f: {  	v11 =	vcvt.s32.f32 v2;
	v1 =	vadd.s32 v2, v8  }
0x90: {  	v3 =	vsub.f32 v3, v5;
	v2 =	vmul.f32 v0, v4;
	v13 =	vadd.s32 v9, v1  }
0x91: {  	v0 =	vadd.s32 $0x1, v13;
	v1 =	vadd.s32 $0x462, v13;
	v17 =	vadd.s32 $0x463, v13  }
0x92: {  	v15 =	vadd.s32 $0x21, v13;
	v14 =	vadd.s32 $0x22, v13;
	v2 =	vadd.f32 v2, v12  }
0x93: {  	v4 =	vsub.f32 v7, v11;
	v5 =	vsub.f32 $1.000000000e+00, v3;
	v16 =	vadd.s32 $0x442, v13  }
0x94: {  	[tilespmem:s3+$0x1D080] =	vst v2;
	s3 =	smov.u32 s0  }
0x95: {  	v7 =	vsub.f32 $1.000000000e+00, v4;
	v2 =	vadd.s32 $0x441, v13;
	v8 =	vld.idx.msk [tilespmem:v13+s18+$0x0], $0xffff  }
0x96: {  	v10 =	vsub.f32 v6, v10;
	v11 =	vld.idx.msk [tilespmem:v0+s18+$0x0], $0xffff  }
0x97: {  	v12 =	vld.idx.msk [tilespmem:v17+s18+$0x0], $0xffff  }
0x98: {  	v21 =	vsub.f32 $1.000000000e+00, v10;
	v23 =	vmul.f32 v3, v4;
	v22 =	vmul.f32 v5, v7;
	v24 =	vld.idx.msk [tilespmem:v1+s18+$0x0], $0xffff  }
0x99: {  	v4 =	vmul.f32 v5, v4;
	v25 =	vmul.f32 v3, v7;
	v26 =	vld.idx.msk [tilespmem:v16+s18+$0x0], $0xffff  }
0x9a: {  	v5 =	vmul.f32 v21, v23;
	v7 =	vmul.f32 v21, v22;
	v27 =	vld.idx.msk [tilespmem:v2+s18+$0x0], $0xffff  }
0x9b: {  	v3 =	vmul.f32 v21, v4;
	v28 =	vld.idx.msk [tilespmem:v14+s18+$0x0], $0xffff  }
0x9c: {  	v6 =	vmul.f32 v10, v25;
	v30 =	vmul.f32 v7, v8;
	v29 =	vld.idx.msk [tilespmem:v15+s18+$0x0], $0xffff  }
0x9d: {  	v9 =	vmul.f32 v4, v10;
	v4 =	vmul.f32 v3, v11  }
0x9e: {  	v8 =	vmul.f32 v22, v10;
	v22 =	vmul.f32 v24, v6  }
0x9f: {  	v11 =	vmul.f32 v10, v23;
	v23 =	vadd.f32 v4, v30;
	v4 =	vmul.f32 v26, v9  }
0xa0: {  	v10 =	vmul.f32 v21, v25;
	v21 =	vmul.f32 v8, v27  }
0xa1: {  	v24 =	vmul.f32 v5, v28  }
0xa2: {  	v12 =	vmul.f32 v12, v11;
	v25 =	vmul.f32 v10, v29;
	v21 =	vadd.f32 v4, v21  }
0xa3: {  	v4 =	vld [tilespmem:s3+$0x1C080]  }
0xa4: {  	v12 =	vadd.f32 v12, v22;
	v24 =	vadd.f32 v24, v25;
	_ =	sdelay $0x1  }
0xa5: {  	v12 =	vadd.f32 v12, v21;
	v22 =	vadd.f32 v24, v23;
	_ =	sdelay $0x1  }
0xa6: {  	v12 =	vadd.f32 v12, v22;
	v21 =	vsub.f32 $1.000000000e+00, v4;
	_ =	sdelay $0x1  }
0xa7: {  	v22 =	vmul.f32 v12, v4;
	v20 =	vmul.f32 v21, v20  }
0xa8: {  	v18 =	vmul.f32 v21, v18;
	v12 =	vmul.f32 v21, v19  }
0xa9: {  	v19 =	vadd.f32 v22, v20;
	_ =	sdelay $0x1  }
0xaa: {  	[tilespmem:s3+$0x1C880] =	vst v19  }
0xab: {  	v19 =	vld.idx.msk [tilespmem:v13+s24+$0x0], $0xffff  }
0xac: {  	v20 =	vld.idx.msk [tilespmem:v17+s24+$0x0], $0xffff  }
0xad: {  	v21 =	vld.idx.msk [tilespmem:v16+s24+$0x0], $0xffff  }
0xae: {  	v22 =	vld.idx.msk [tilespmem:v1+s24+$0x0], $0xffff  }
0xaf: {  	v23 =	vld.idx.msk [tilespmem:v0+s24+$0x0], $0xffff  }
0xb0: {  	v24 =	vld.idx.msk [tilespmem:v15+s24+$0x0], $0xffff  }
0xb1: {  	v19 =	vmul.f32 v19, v7;
	v25 =	vld.idx.msk [tilespmem:v2+s24+$0x0], $0xffff  }
0xb2: {  	v20 =	vmul.f32 v20, v11;
	v26 =	vld.idx.msk [tilespmem:v14+s24+$0x0], $0xffff  }
0xb3: {  	v21 =	vmul.f32 v21, v9  }
0xb4: {  	v22 =	vmul.f32 v22, v6  }
0xb5: {  	v23 =	vmul.f32 v23, v3  }
0xb6: {  	v24 =	vmul.f32 v24, v10  }
0xb7: {  	v25 =	vmul.f32 v25, v8  }
0xb8: {  	v26 =	vmul.f32 v26, v5  }
0xb9: {  	v19 =	vadd.f32 v23, v19;
	v21 =	vadd.f32 v21, v25  }
0xba: {  	v20 =	vadd.f32 v20, v22;
	v23 =	vadd.f32 v26, v24;
	_ =	sdelay $0x1  }
0xbb: {  	v20 =	vadd.f32 v20, v21;
	v19 =	vadd.f32 v23, v19;
	_ =	sdelay $0x1  }
0xbc: {  	v19 =	vadd.f32 v20, v19;
	_ =	sdelay $0x1  }
0xbd: {  	v19 =	vmul.f32 v19, v4;
	_ =	sdelay $0x1  }
0xbe: {  	v18 =	vadd.f32 v19, v18;
	_ =	sdelay $0x1  }
0xbf: {  	[tilespmem:s3+$0x1CC80] =	vst v18  }
.Ltmp2:
0xc0: {  	v17 =	vld.idx.msk [tilespmem:v17+s25+$0x0], $0xffff;
	(pc) =	sbr.rel @p1 .LBB2_3-.Ltmp2, $4  }
0xc1: {  	v13 =	vld.idx.msk [tilespmem:v13+s25+$0x0], $0xffff  }
0xc2: {  	v15 =	vld.idx.msk [tilespmem:v15+s25+$0x0], $0xffff  }
0xc3: {  	v14 =	vld.idx.msk [tilespmem:v14+s25+$0x0], $0xffff  }
0xc4: {  	v16 =	vld.idx.msk [tilespmem:v16+s25+$0x0], $0xffff  }
0xc5: {  	_ =	sdelay $0x3  }
0xc6: {  	v1 =	vld.idx.msk [tilespmem:v1+s25+$0x0], $0xffff  }
0xc7: {  	v0 =	vld.idx.msk [tilespmem:v0+s25+$0x0], $0xffff  }
0xc8: {  	v2 =	vld.idx.msk [tilespmem:v2+s25+$0x0], $0xffff;
	_ =	sdelay $0x1  }
0xc9: {  	v11 =	vmul.f32 v17, v11;
	v7 =	vmul.f32 v13, v7  }
0xca: {  	v10 =	vmul.f32 v15, v10;
	v5 =	vmul.f32 v14, v5  }
0xcb: {  	v9 =	vmul.f32 v16, v9;
	v1 =	vmul.f32 v1, v6  }
0xcc: {  	v0 =	vmul.f32 v0, v3;
	v2 =	vmul.f32 v2, v8  }
0xcd: {  	v3 =	vadd.f32 v5, v10;
	v1 =	vadd.f32 v11, v1  }
0xce: {  	v0 =	vadd.f32 v0, v7;
	v2 =	vadd.f32 v9, v2;
	_ =	sdelay $0x1  }
0xcf: {  	v0 =	vadd.f32 v3, v0;
	v1 =	vadd.f32 v1, v2;
	_ =	sdelay $0x1  }
0xd0: {  	v0 =	vadd.f32 v1, v0;
	_ =	sdelay $0x1  }
0xd1: {  	v0 =	vmul.f32 v0, v4;
	_ =	sdelay $0x1  }
0xd2: {  	v0 =	vadd.f32 v0, v12;
	_ =	sdelay $0x1  }
0xd3: {  	[tilespmem:s3+$0x1D080] =	vst v0  }
0xd4: {  	v12 =	vld [tilespmem:s29+$0x1AD00]  }
0xd5: {  	v14 =	vld [tilespmem:s29+$0x1B100]  }
0xd6: {  	v13 =	vld [tilespmem:s29+$0x1A900];
	_ =	sdelay $0x2  }
0xd7: {  	v1 =	vmul.f32 $3.199996760e+01, v12  }
0xd8: {  	v3 =	vmul.f32 $3.199996760e+01, v14  }
0xd9: {  	v2 =	vmul.f32 $3.199996760e+01, v13;
	v0 =	vtrunc.f32 v1  }
0xda: {  	v4 =	vtrunc.f32 v3;
	v0 =	vcvt.f32.s32 v0  }
0xdb: {  	v5 =	vtrunc.f32 v2;
	v4 =	vcvt.f32.s32 v4  }
0xdc: {  	v5 =	vcvt.f32.s32 v5;
	v6 =	vmul.u32 $0x21, v0  }
0xdd: {  	v7 =	vmul.u32 $0x441, v4  }
0xde: {  	v6 =	vadd.s32 v5, v6  }
0xdf: {  	v15 =	vadd.s32 v7, v6  }
0xe0: {  	v6 =	vcvt.s32.f32 v0;
	v0 =	vadd.s32 $0x1, v15  }
0xe1: {  	v5 =	vcvt.s32.f32 v5;
	v16 =	vadd.s32 $0x463, v15  }
0xe2: {  	v4 =	vcvt.s32.f32 v4;
	v19 =	vadd.s32 $0x442, v15  }
0xe3: {  	v5 =	vsub.f32 v2, v5;
	v2 =	vadd.s32 $0x441, v15;
	v6 =	vsub.f32 v1, v6  }
0xe4: {  	v4 =	vsub.f32 v3, v4;
	v20 =	vadd.s32 $0x22, v15;
	v8 =	vld.idx.msk [tilespmem:v15+s5+$0x0], $0xffff  }
0xe5: {  	v1 =	vadd.s32 $0x462, v15;
	v9 =	vsub.f32 $1.000000000e+00, v5;
	v7 =	vsub.f32 $1.000000000e+00, v6;
	v10 =	vld.idx.msk [tilespmem:v0+s5+$0x0], $0xffff  }
0xe6: {  	v21 =	vadd.s32 $0x21, v15;
	v17 =	vld.idx.msk [tilespmem:v16+s5+$0x0], $0xffff  }
0xe7: {  	v18 =	vsub.f32 $1.000000000e+00, v4;
	v22 =	vmul.f32 v6, v5;
	v11 =	vmul.f32 v7, v9;
	v26 =	vld.idx.msk [tilespmem:v19+s5+$0x0], $0xffff  }
0xe8: {  	v25 =	vmul.f32 v6, v9;
	v24 =	vmul.f32 v7, v5;
	v27 =	vld.idx.msk [tilespmem:v2+s5+$0x0], $0xffff  }
0xe9: {  	v5 =	vmul.f32 v18, v22;
	v28 =	vld.idx.msk [tilespmem:v20+s5+$0x0], $0xffff;
	v7 =	vmul.f32 v18, v11  }
0xea: {  	v23 =	vld.idx.msk [tilespmem:v1+s5+$0x0], $0xffff;
	v6 =	vmul.f32 v4, v25;
	v3 =	vmul.f32 v18, v24  }
0xeb: {  	v29 =	vld.idx.msk [tilespmem:v21+s5+$0x0], $0xffff;
	v9 =	vmul.f32 v24, v4;
	v30 =	vmul.f32 v7, v8  }
0xec: {  	v8 =	vmul.f32 v11, v4;
	v11 =	vmul.f32 v4, v22  }
0xed: {  	v55 =	vmul.f32 v3, v10;
	v4 =	vmul.f32 v26, v9  }
0xee: {  	v10 =	vmul.f32 v18, v25;
	v56 =	vmul.f32 v5, v28  }
0xef: {  	v23 =	vmul.f32 v23, v6;
	v18 =	vmul.f32 v8, v27  }
0xf0: {  	v17 =	vmul.f32 v17, v11;
	v25 =	vmul.f32 v10, v29  }
0xf1: {  	v24 =	vadd.f32 v55, v30;
	v18 =	vadd.f32 v4, v18;
	v4 =	vld [tilespmem:s29+$0x1C100]  }
0xf2: {  	v17 =	vadd.f32 v17, v23;
	v22 =	vadd.f32 v56, v25;
	_ =	sdelay $0x1  }
0xf3: {  	v17 =	vadd.f32 v17, v18;
	v22 =	vadd.f32 v22, v24;
	_ =	sdelay $0x1  }
0xf4: {  	v57 =	vsub.f32 $1.000000000e+00, v4;
	v17 =	vadd.f32 v17, v22;
	_ =	sdelay $0x1  }
0xf5: {  	v17 =	vmul.f32 v17, v4;
	v13 =	vmul.f32 v57, v13;
	_ =	sdelay $0x1  }
0xf6: {  	v13 =	vadd.f32 v17, v13;
	_ =	sdelay $0x1  }
0xf7: {  	[tilespmem:s29+$0x1C900] =	vst v13  }
0xf8: {  	v13 =	vld.idx.msk [tilespmem:v15+s24+$0x0], $0xffff  }
0xf9: {  	v17 =	vld.idx.msk [tilespmem:v16+s24+$0x0], $0xffff  }
0xfa: {  	v18 =	vld.idx.msk [tilespmem:v19+s24+$0x0], $0xffff  }
0xfb: {  	v58 =	vld.idx.msk [tilespmem:v1+s24+$0x0], $0xffff  }
0xfc: {  	v59 =	vld.idx.msk [tilespmem:v0+s24+$0x0], $0xffff  }
0xfd: {  	v60 =	vld.idx.msk [tilespmem:v21+s24+$0x0], $0xffff  }
0xfe: {  	v61 =	vld.idx.msk [tilespmem:v2+s24+$0x0], $0xffff  }
0xff: {  	v62 =	vld.idx.msk [tilespmem:v20+s24+$0x0], $0xffff;
	_ =	sdelay $0x1  }
0x100: {  	v13 =	vmul.f32 v13, v7;
	v17 =	vmul.f32 v17, v11  }
0x101: {  	v18 =	vmul.f32 v18, v9;
	v22 =	vmul.f32 v58, v6  }
0x102: {  	v24 =	vmul.f32 v59, v3;
	v26 =	vmul.f32 v61, v8  }
0x103: {  	v25 =	vmul.f32 v60, v10;
	v27 =	vmul.f32 v62, v5  }
0x104: {  	v13 =	vadd.f32 v24, v13;
	v18 =	vadd.f32 v18, v26  }
0x105: {  	v63 =	vadd.f32 v27, v25;
	v17 =	vadd.f32 v17, v22;
	_ =	sdelay $0x1  }
0x106: {  	v13 =	vadd.f32 v63, v13;
	v17 =	vadd.f32 v17, v18;
	_ =	sdelay $0x1  }
0x107: {  	v13 =	vadd.f32 v17, v13;
	_ =	sdelay $0x1  }
0x108: {  	v12 =	vmul.f32 v57, v12;
	v13 =	vmul.f32 v13, v4;
	_ =	sdelay $0x1  }
0x109: {  	v12 =	vadd.f32 v13, v12;
	_ =	sdelay $0x1  }
0x10a: {  	[tilespmem:s29+$0x1CD00] =	vst v12  }
0x10b: {  	v18 =	vld.idx.msk [tilespmem:v16+s25+$0x0], $0xffff  }
0x10c: {  	v17 =	vld.idx.msk [tilespmem:v15+s25+$0x0], $0xffff  }
0x10d: {  	v15 =	vld.idx.msk [tilespmem:v21+s25+$0x0], $0xffff  }
0x10e: {  	v13 =	vld.idx.msk [tilespmem:v20+s25+$0x0], $0xffff  }
0x10f: {  	s3 =	simm.s32 $0x10;
	v12 =	vmul.f32 v57, v14;
	v14 =	vld.idx.msk [tilespmem:v19+s25+$0x0], $0xffff  }
.LBB2_5:
0x110: {  	p1 =	sne.s32 s3, $0x1F0  }
0x111: {  	v1 =	vld.idx.msk [tilespmem:v1+s25+$0x0], $0xffff;
	s18 =	sadd.s32 $0x20, s18;
	s0 =	smov.u32 s3;
	s3 =	sadd.s32 $0x10, s3  }
0x112: {  	v11 =	vmul.f32 v18, v11;
	s0 =	sand.u32 $0x70, s0;
	s26 =	sand.u32 $0x300, s18;
	v0 =	vld.idx.msk [tilespmem:v0+s25+$0x0], $0xffff  }
0x113: {  	v7 =	vmul.f32 v17, v7;
	s0 =	sor.u32 s0, s26;
	v2 =	vld.idx.msk [tilespmem:v2+s25+$0x0], $0xffff  }
0x114: {  	v10 =	vmul.f32 v15, v10;
	v18 =	vld [tilespmem:s0+$0x1AD00]  }
0x115: {  	v5 =	vmul.f32 v13, v5;
	v19 =	vld [tilespmem:s0+$0x1B100]  }
0x116: {  	v9 =	vmul.f32 v14, v9;
	v20 =	vld [tilespmem:s0+$0x1A900]  }
0x117: {  	v5 =	vadd.f32 v5, v10;
	v1 =	vmul.f32 v1, v6  }
0x118: {  	v0 =	vmul.f32 v0, v3  }
0x119: {  	v2 =	vmul.f32 v2, v8;
	v1 =	vadd.f32 v11, v1;
	v3 =	vmul.f32 $3.199996760e+01, v18  }
0x11a: {  	v0 =	vadd.f32 v0, v7;
	v6 =	vmul.f32 $3.199996760e+01, v19  }
0x11b: {  	v2 =	vadd.f32 v9, v2;
	v7 =	vmul.f32 $3.199996760e+01, v20;
	v8 =	vtrunc.f32 v3  }
0x11c: {  	v0 =	vadd.f32 v5, v0;
	v8 =	vcvt.f32.s32 v8;
	v9 =	vtrunc.f32 v6  }
0x11d: {  	v1 =	vadd.f32 v1, v2;
	v5 =	vtrunc.f32 v7;
	v9 =	vcvt.f32.s32 v9  }
0x11e: {  	v2 =	vcvt.f32.s32 v5;
	v5 =	vcvt.s32.f32 v8;
	v8 =	vmul.u32 $0x21, v8  }
0x11f: {  	v0 =	vadd.f32 v1, v0;
	v10 =	vcvt.s32.f32 v9;
	v9 =	vmul.u32 $0x441, v9  }
0x120: {  	v11 =	vcvt.s32.f32 v2;
	v1 =	vadd.s32 v2, v8  }
0x121: {  	v3 =	vsub.f32 v3, v5;
	v2 =	vmul.f32 v0, v4;
	v13 =	vadd.s32 v9, v1  }
0x122: {  	v0 =	vadd.s32 $0x1, v13;
	v1 =	vadd.s32 $0x462, v13;
	v17 =	vadd.s32 $0x463, v13  }
0x123: {  	v15 =	vadd.s32 $0x21, v13;
	v14 =	vadd.s32 $0x22, v13;
	v2 =	vadd.f32 v2, v12  }
0x124: {  	v4 =	vsub.f32 v7, v11;
	v5 =	vsub.f32 $1.000000000e+00, v3;
	v16 =	vadd.s32 $0x442, v13  }
0x125: {  	[tilespmem:s29+$0x1D100] =	vst v2;
	s29 =	smov.u32 s0  }
0x126: {  	v7 =	vsub.f32 $1.000000000e+00, v4;
	v2 =	vadd.s32 $0x441, v13;
	v8 =	vld.idx.msk [tilespmem:v13+s5+$0x0], $0xffff  }
0x127: {  	v10 =	vsub.f32 v6, v10;
	v11 =	vld.idx.msk [tilespmem:v0+s5+$0x0], $0xffff  }
0x128: {  	v12 =	vld.idx.msk [tilespmem:v17+s5+$0x0], $0xffff  }
0x129: {  	v21 =	vsub.f32 $1.000000000e+00, v10;
	v23 =	vmul.f32 v3, v4;
	v22 =	vmul.f32 v5, v7;
	v24 =	vld.idx.msk [tilespmem:v1+s5+$0x0], $0xffff  }
0x12a: {  	v4 =	vmul.f32 v5, v4;
	v25 =	vmul.f32 v3, v7;
	v26 =	vld.idx.msk [tilespmem:v16+s5+$0x0], $0xffff  }
0x12b: {  	v5 =	vmul.f32 v21, v23;
	v7 =	vmul.f32 v21, v22;
	v27 =	vld.idx.msk [tilespmem:v2+s5+$0x0], $0xffff  }
0x12c: {  	v3 =	vmul.f32 v21, v4;
	v28 =	vld.idx.msk [tilespmem:v14+s5+$0x0], $0xffff  }
0x12d: {  	v6 =	vmul.f32 v10, v25;
	v30 =	vmul.f32 v7, v8;
	v29 =	vld.idx.msk [tilespmem:v15+s5+$0x0], $0xffff  }
0x12e: {  	v9 =	vmul.f32 v4, v10;
	v4 =	vmul.f32 v3, v11  }
0x12f: {  	v8 =	vmul.f32 v22, v10;
	v22 =	vmul.f32 v24, v6  }
0x130: {  	v11 =	vmul.f32 v10, v23;
	v23 =	vadd.f32 v4, v30;
	v4 =	vmul.f32 v26, v9  }
0x131: {  	v10 =	vmul.f32 v21, v25;
	v21 =	vmul.f32 v8, v27  }
0x132: {  	v24 =	vmul.f32 v5, v28  }
0x133: {  	v12 =	vmul.f32 v12, v11;
	v25 =	vmul.f32 v10, v29;
	v21 =	vadd.f32 v4, v21  }
0x134: {  	v4 =	vld [tilespmem:s29+$0x1C100]  }
0x135: {  	v12 =	vadd.f32 v12, v22;
	v24 =	vadd.f32 v24, v25;
	_ =	sdelay $0x1  }
0x136: {  	v12 =	vadd.f32 v12, v21;
	v22 =	vadd.f32 v24, v23;
	_ =	sdelay $0x1  }
0x137: {  	v12 =	vadd.f32 v12, v22;
	v21 =	vsub.f32 $1.000000000e+00, v4;
	_ =	sdelay $0x1  }
0x138: {  	v22 =	vmul.f32 v12, v4;
	v20 =	vmul.f32 v21, v20  }
0x139: {  	v18 =	vmul.f32 v21, v18;
	v12 =	vmul.f32 v21, v19  }
0x13a: {  	v19 =	vadd.f32 v22, v20;
	_ =	sdelay $0x1  }
0x13b: {  	[tilespmem:s29+$0x1C900] =	vst v19  }
0x13c: {  	v19 =	vld.idx.msk [tilespmem:v13+s24+$0x0], $0xffff  }
0x13d: {  	v20 =	vld.idx.msk [tilespmem:v17+s24+$0x0], $0xffff  }
0x13e: {  	v21 =	vld.idx.msk [tilespmem:v16+s24+$0x0], $0xffff  }
0x13f: {  	v22 =	vld.idx.msk [tilespmem:v1+s24+$0x0], $0xffff  }
0x140: {  	v23 =	vld.idx.msk [tilespmem:v0+s24+$0x0], $0xffff  }
0x141: {  	v24 =	vld.idx.msk [tilespmem:v15+s24+$0x0], $0xffff  }
0x142: {  	v19 =	vmul.f32 v19, v7;
	v25 =	vld.idx.msk [tilespmem:v2+s24+$0x0], $0xffff  }
0x143: {  	v20 =	vmul.f32 v20, v11;
	v26 =	vld.idx.msk [tilespmem:v14+s24+$0x0], $0xffff  }
0x144: {  	v21 =	vmul.f32 v21, v9  }
0x145: {  	v22 =	vmul.f32 v22, v6  }
0x146: {  	v23 =	vmul.f32 v23, v3  }
0x147: {  	v24 =	vmul.f32 v24, v10  }
0x148: {  	v25 =	vmul.f32 v25, v8  }
0x149: {  	v26 =	vmul.f32 v26, v5  }
0x14a: {  	v19 =	vadd.f32 v23, v19;
	v21 =	vadd.f32 v21, v25  }
0x14b: {  	v20 =	vadd.f32 v20, v22;
	v23 =	vadd.f32 v26, v24;
	_ =	sdelay $0x1  }
0x14c: {  	v20 =	vadd.f32 v20, v21;
	v19 =	vadd.f32 v23, v19;
	_ =	sdelay $0x1  }
0x14d: {  	v19 =	vadd.f32 v20, v19;
	_ =	sdelay $0x1  }
0x14e: {  	v19 =	vmul.f32 v19, v4;
	_ =	sdelay $0x1  }
0x14f: {  	v18 =	vadd.f32 v19, v18;
	_ =	sdelay $0x1  }
0x150: {  	[tilespmem:s29+$0x1CD00] =	vst v18  }
.Ltmp3:
0x151: {  	v18 =	vld.idx.msk [tilespmem:v17+s25+$0x0], $0xffff;
	(pc) =	sbr.rel @p1 .LBB2_5-.Ltmp3, $4  }
0x152: {  	v17 =	vld.idx.msk [tilespmem:v13+s25+$0x0], $0xffff  }
0x153: {  	v15 =	vld.idx.msk [tilespmem:v15+s25+$0x0], $0xffff  }
0x154: {  	v13 =	vld.idx.msk [tilespmem:v14+s25+$0x0], $0xffff  }
0x155: {  	v14 =	vld.idx.msk [tilespmem:v16+s25+$0x0], $0xffff  }
0x156: {  	_ =	sdelay $0x3  }
0x157: {  	v1 =	vld.idx.msk [tilespmem:v1+s25+$0x0], $0xffff  }
0x158: {  	v0 =	vld.idx.msk [tilespmem:v0+s25+$0x0], $0xffff  }
0x159: {  	v2 =	vld.idx.msk [tilespmem:v2+s25+$0x0], $0xffff;
	_ =	sdelay $0x1  }
0x15a: {  	v11 =	vmul.f32 v18, v11;
	v7 =	vmul.f32 v17, v7  }
0x15b: {  	v10 =	vmul.f32 v15, v10;
	v5 =	vmul.f32 v13, v5  }
0x15c: {  	v9 =	vmul.f32 v14, v9;
	v1 =	vmul.f32 v1, v6  }
0x15d: {  	v0 =	vmul.f32 v0, v3;
	v2 =	vmul.f32 v2, v8  }
0x15e: {  	v3 =	vadd.f32 v5, v10;
	v1 =	vadd.f32 v11, v1  }
0x15f: {  	v0 =	vadd.f32 v0, v7;
	v2 =	vadd.f32 v9, v2;
	_ =	sdelay $0x1  }
0x160: {  	v0 =	vadd.f32 v3, v0;
	v1 =	vadd.f32 v1, v2;
	_ =	sdelay $0x1  }
0x161: {  	v0 =	vadd.f32 v1, v0;
	_ =	sdelay $0x1  }
0x162: {  	v0 =	vmul.f32 v0, v4;
	_ =	sdelay $0x1  }
0x163: {  	v0 =	vadd.f32 v0, v12  }
0x164: {  	s18 =	sshrl.u32 s19, $0x3  }
0x165: {  	s3 =	simm.s32 $0x1C880;
	s0 =	sadd.s32 s4, s18;
	[tilespmem:s29+$0x1D100] =	vst v0  }
0x166: {  	[hbm4b:s0+s22] =	stream.strided.scatter [tilespmem:s3], [sflag:$0x5], $0x400, s23, s22, $0x38;
	[tilespmem:$0x1E080] =	vst v63  }
0x167: {  	s26 =	sadd.s32 $0x8000, s0  }
0x168: {  	[hbm4b:s26+s22] =	stream.strided.scatter [tilespmem:s28], [sflag:$0x5], $0x400, s23, s22, $0x38;
	[tilespmem:$0x1E080] =	vst v63  }
0x169: {  	p1 =	seq.s32 s12, $0xF;
	s0 =	sadd.s32 $0x10000, s0  }
0x16a: {  	[hbm4b:s0+s22] =	stream.strided.scatter [tilespmem:s11], [sflag:$0x5], $0x400, s23, s22, $0x38;
	[tilespmem:$0x1E080] =	vst v63  }
0x16b: {  	s0 =	sadd.s32 @!p1 $0x2, s10  }
0x16c: {  	s3 =	sshll.u32 @!p1 s0, $0xA  }
0x16d: {  	s3 =	sadd.s32 @!p1 s7, s3  }
0x16e: {  	s0 =	sshll.u32 @!p1 s0, $0x8;
	s3 =	sand.u32 @!p1 $0x7F000, s3  }
0x16f: {  	s0 =	sand.u32 @!p1 $0x200, s0;
	s19 =	sadd.s32 @!p1 s6, s3  }
0x170: {  	s19 =	sor.u32 @!p1 s0, s19  }
0x171: {  	s30 =	simm.s32 @!p1 $0x1A880;
	s29 =	simm.s32 @!p1 $0x400;
	s19 =	sshrl.u32 @!p1 s19, $0x3  }
0x172: {  	s26 =	simm.s32 @!p1 $0x100;
	s3 =	sadd.s32 @!p1 s9, s3;
	s19 =	sadd.s32 @!p1 s1, s19  }
0x173: {  	[tilespmem:s30], [sflag:$0x1] =	stream.strided.gather @!p1 [hbm4b:s19+s26], $0x400, s29, s26, $0x38;
	[tilespmem:$0x1E080] =	vst v63  }
0x174: {  	s31 =	simm.s32 @!p1 $0x1AC80;
	s0 =	sor.u32 @!p1 s0, s3;
	s30 =	sadd.s32 @!p1 $0x8000, s19  }
0x175: {  	[tilespmem:s31], [sflag:$0x1] =	stream.strided.gather @!p1 [hbm4b:s30+s26], $0x400, s29, s26, $0x38;
	[tilespmem:$0x1E080] =	vst v63  }
0x176: {  	s0 =	sshrl.u32 @!p1 s0, $0x3;
	s19 =	sadd.s32 @!p1 $0x10000, s19;
	s30 =	simm.s32 @!p1 $0x1B080  }
0x177: {  	[tilespmem:s30], [sflag:$0x1] =	stream.strided.gather @!p1 [hbm4b:s19+s26], $0x400, s29, s26, $0x38;
	[tilespmem:$0x1E080] =	vst v63  }
0x178: {  	s3 =	simm.s32 @!p1 $0x1C080;
	s0 =	sadd.s32 @!p1 s2, s0  }
0x179: {  	[tilespmem:s3], [sflag:$0x3] =	stream.strided.gather @!p1 [hbm4b:s0+s26], $0x400, s29, s26, $0x38;
	[tilespmem:$0x1E080] =	vst v63  }
0x17a: {  	_ =	swait.ge [sflag:s13], $0xC00  }
0x17b: {  	[sflag:s13] =	ssyncset.done $0x0  }
0x17c: {  	[sflag:s13] =	ssyncadd.s32 $0xFFFFF400  }
0x17d: {  	_ =	swait.ge [sflag:s14], $0x400  }
0x17e: {  	[sflag:s14] =	ssyncset.done $0x0  }
0x17f: {  	s0 =	simm.s32 @!p0 $0x6;
	[sflag:s14] =	ssyncadd.s32 $0xFFFFFC00  }
0x180: {  	s19 =	simm.s32 $0x0;
	_ =	swait.ge @!p0 [sflag:s0], $0xC00  }
0x181: {  	s3 =	sand.u32 $0x70, s19;
	s26 =	sand.u32 $0x300, s19;
	[sflag:s0] =	ssyncset.done @!p0 $0x0  }
0x182: {  	s3 =	sor.u32 s3, s26;
	[sflag:s0] =	ssyncadd.s32 @!p0 $0xFFFFF400  }
0x183: {  	v12 =	vld [tilespmem:s3+$0x1B880]  }
0x184: {  	v14 =	vld [tilespmem:s3+$0x1BC80]  }
0x185: {  	v13 =	vld [tilespmem:s3+$0x1B480];
	_ =	sdelay $0x2  }
0x186: {  	v1 =	vmul.f32 $3.199996760e+01, v12  }
0x187: {  	v3 =	vmul.f32 $3.199996760e+01, v14  }
0x188: {  	v2 =	vmul.f32 $3.199996760e+01, v13;
	v0 =	vtrunc.f32 v1  }
0x189: {  	v4 =	vtrunc.f32 v3;
	v0 =	vcvt.f32.s32 v0  }
0x18a: {  	v5 =	vtrunc.f32 v2;
	v4 =	vcvt.f32.s32 v4  }
0x18b: {  	v5 =	vcvt.f32.s32 v5;
	v6 =	vmul.u32 $0x21, v0  }
0x18c: {  	v7 =	vmul.u32 $0x441, v4  }
0x18d: {  	v6 =	vadd.s32 v5, v6  }
0x18e: {  	v15 =	vadd.s32 v7, v6  }
0x18f: {  	v6 =	vcvt.s32.f32 v0;
	v0 =	vadd.s32 $0x1, v15  }
0x190: {  	v5 =	vcvt.s32.f32 v5;
	v16 =	vadd.s32 $0x463, v15  }
0x191: {  	v4 =	vcvt.s32.f32 v4;
	v19 =	vadd.s32 $0x442, v15  }
0x192: {  	v5 =	vsub.f32 v2, v5;
	v2 =	vadd.s32 $0x441, v15;
	v6 =	vsub.f32 v1, v6  }
0x193: {  	v4 =	vsub.f32 v3, v4;
	v20 =	vadd.s32 $0x22, v15;
	v8 =	vld.idx.msk [tilespmem:v15+s19+$0x0], $0xffff  }
0x194: {  	v1 =	vadd.s32 $0x462, v15;
	v9 =	vsub.f32 $1.000000000e+00, v5;
	v7 =	vsub.f32 $1.000000000e+00, v6;
	v10 =	vld.idx.msk [tilespmem:v0+s19+$0x0], $0xffff  }
0x195: {  	v21 =	vadd.s32 $0x21, v15;
	v17 =	vld.idx.msk [tilespmem:v16+s19+$0x0], $0xffff  }
0x196: {  	v18 =	vsub.f32 $1.000000000e+00, v4;
	v22 =	vmul.f32 v6, v5;
	v11 =	vmul.f32 v7, v9;
	v26 =	vld.idx.msk [tilespmem:v19+s19+$0x0], $0xffff  }
0x197: {  	v25 =	vmul.f32 v6, v9;
	v24 =	vmul.f32 v7, v5;
	v27 =	vld.idx.msk [tilespmem:v2+s19+$0x0], $0xffff  }
0x198: {  	v5 =	vmul.f32 v18, v22;
	v28 =	vld.idx.msk [tilespmem:v20+s19+$0x0], $0xffff;
	v7 =	vmul.f32 v18, v11  }
0x199: {  	v23 =	vld.idx.msk [tilespmem:v1+s19+$0x0], $0xffff;
	v6 =	vmul.f32 v4, v25;
	v3 =	vmul.f32 v18, v24  }
0x19a: {  	v29 =	vld.idx.msk [tilespmem:v21+s19+$0x0], $0xffff;
	v9 =	vmul.f32 v24, v4;
	v30 =	vmul.f32 v7, v8  }
0x19b: {  	v8 =	vmul.f32 v11, v4;
	v11 =	vmul.f32 v4, v22  }
0x19c: {  	v55 =	vmul.f32 v3, v10;
	v4 =	vmul.f32 v26, v9  }
0x19d: {  	v10 =	vmul.f32 v18, v25;
	v56 =	vmul.f32 v5, v28  }
0x19e: {  	v23 =	vmul.f32 v23, v6;
	v18 =	vmul.f32 v8, v27  }
0x19f: {  	v17 =	vmul.f32 v17, v11;
	v25 =	vmul.f32 v10, v29  }
0x1a0: {  	v24 =	vadd.f32 v55, v30;
	v18 =	vadd.f32 v4, v18;
	v4 =	vld [tilespmem:s3+$0x1C480]  }
0x1a1: {  	v17 =	vadd.f32 v17, v23;
	v22 =	vadd.f32 v56, v25;
	_ =	sdelay $0x1  }
0x1a2: {  	v17 =	vadd.f32 v17, v18;
	v22 =	vadd.f32 v22, v24;
	_ =	sdelay $0x1  }
0x1a3: {  	v57 =	vsub.f32 $1.000000000e+00, v4;
	v17 =	vadd.f32 v17, v22;
	_ =	sdelay $0x1  }
0x1a4: {  	v17 =	vmul.f32 v17, v4;
	v13 =	vmul.f32 v57, v13;
	_ =	sdelay $0x1  }
0x1a5: {  	v13 =	vadd.f32 v17, v13;
	_ =	sdelay $0x1  }
0x1a6: {  	[tilespmem:s3+$0x1D480] =	vst v13  }
0x1a7: {  	v13 =	vld.idx.msk [tilespmem:v15+s24+$0x0], $0xffff  }
0x1a8: {  	v17 =	vld.idx.msk [tilespmem:v16+s24+$0x0], $0xffff  }
0x1a9: {  	v18 =	vld.idx.msk [tilespmem:v19+s24+$0x0], $0xffff  }
0x1aa: {  	v58 =	vld.idx.msk [tilespmem:v1+s24+$0x0], $0xffff  }
0x1ab: {  	v59 =	vld.idx.msk [tilespmem:v0+s24+$0x0], $0xffff  }
0x1ac: {  	v60 =	vld.idx.msk [tilespmem:v21+s24+$0x0], $0xffff  }
0x1ad: {  	v61 =	vld.idx.msk [tilespmem:v2+s24+$0x0], $0xffff  }
0x1ae: {  	v62 =	vld.idx.msk [tilespmem:v20+s24+$0x0], $0xffff;
	_ =	sdelay $0x1  }
0x1af: {  	v13 =	vmul.f32 v13, v7;
	v17 =	vmul.f32 v17, v11  }
0x1b0: {  	v18 =	vmul.f32 v18, v9;
	v22 =	vmul.f32 v58, v6  }
0x1b1: {  	v24 =	vmul.f32 v59, v3;
	v26 =	vmul.f32 v61, v8  }
0x1b2: {  	v25 =	vmul.f32 v60, v10;
	v27 =	vmul.f32 v62, v5  }
0x1b3: {  	v13 =	vadd.f32 v24, v13;
	v18 =	vadd.f32 v18, v26  }
0x1b4: {  	v63 =	vadd.f32 v27, v25;
	v17 =	vadd.f32 v17, v22;
	_ =	sdelay $0x1  }
0x1b5: {  	v13 =	vadd.f32 v63, v13;
	v17 =	vadd.f32 v17, v18;
	_ =	sdelay $0x1  }
0x1b6: {  	v13 =	vadd.f32 v17, v13;
	_ =	sdelay $0x1  }
0x1b7: {  	v12 =	vmul.f32 v57, v12;
	v13 =	vmul.f32 v13, v4;
	_ =	sdelay $0x1  }
0x1b8: {  	v12 =	vadd.f32 v13, v12;
	_ =	sdelay $0x1  }
0x1b9: {  	[tilespmem:s3+$0x1D880] =	vst v12  }
0x1ba: {  	v18 =	vld.idx.msk [tilespmem:v16+s25+$0x0], $0xffff  }
0x1bb: {  	v17 =	vld.idx.msk [tilespmem:v15+s25+$0x0], $0xffff  }
0x1bc: {  	v15 =	vld.idx.msk [tilespmem:v21+s25+$0x0], $0xffff  }
0x1bd: {  	v13 =	vld.idx.msk [tilespmem:v20+s25+$0x0], $0xffff  }
0x1be: {  	s31 =	simm.s32 $0x0;
	s30 =	simm.s32 $0x10;
	s29 =	smov.u32 s3;
	v12 =	vmul.f32 v57, v14;
	v14 =	vld.idx.msk [tilespmem:v19+s25+$0x0], $0xffff  }
.LBB2_7:
0x1bf: {  	p0 =	sne.s32 s30, $0x1F0  }
0x1c0: {  	v1 =	vld.idx.msk [tilespmem:v1+s25+$0x0], $0xffff;
	s31 =	sadd.s32 $0x20, s31;
	s0 =	smov.u32 s30;
	s30 =	sadd.s32 $0x10, s30  }
0x1c1: {  	v11 =	vmul.f32 v18, v11;
	s0 =	sand.u32 $0x70, s0;
	s26 =	sand.u32 $0x300, s31;
	v0 =	vld.idx.msk [tilespmem:v0+s25+$0x0], $0xffff  }
0x1c2: {  	v7 =	vmul.f32 v17, v7;
	s0 =	sor.u32 s0, s26;
	v2 =	vld.idx.msk [tilespmem:v2+s25+$0x0], $0xffff  }
0x1c3: {  	v10 =	vmul.f32 v15, v10;
	v18 =	vld [tilespmem:s0+$0x1B880]  }
0x1c4: {  	v5 =	vmul.f32 v13, v5;
	v19 =	vld [tilespmem:s0+$0x1BC80]  }
0x1c5: {  	v9 =	vmul.f32 v14, v9;
	v20 =	vld [tilespmem:s0+$0x1B480]  }
0x1c6: {  	v5 =	vadd.f32 v5, v10;
	v1 =	vmul.f32 v1, v6  }
0x1c7: {  	v0 =	vmul.f32 v0, v3  }
0x1c8: {  	v2 =	vmul.f32 v2, v8;
	v1 =	vadd.f32 v11, v1;
	v3 =	vmul.f32 $3.199996760e+01, v18  }
0x1c9: {  	v0 =	vadd.f32 v0, v7;
	v6 =	vmul.f32 $3.199996760e+01, v19  }
0x1ca: {  	v2 =	vadd.f32 v9, v2;
	v7 =	vmul.f32 $3.199996760e+01, v20;
	v8 =	vtrunc.f32 v3  }
0x1cb: {  	v0 =	vadd.f32 v5, v0;
	v8 =	vcvt.f32.s32 v8;
	v9 =	vtrunc.f32 v6  }
0x1cc: {  	v1 =	vadd.f32 v1, v2;
	v5 =	vtrunc.f32 v7;
	v9 =	vcvt.f32.s32 v9  }
0x1cd: {  	v2 =	vcvt.f32.s32 v5;
	v5 =	vcvt.s32.f32 v8;
	v8 =	vmul.u32 $0x21, v8  }
0x1ce: {  	v0 =	vadd.f32 v1, v0;
	v10 =	vcvt.s32.f32 v9;
	v9 =	vmul.u32 $0x441, v9  }
0x1cf: {  	v11 =	vcvt.s32.f32 v2;
	v1 =	vadd.s32 v2, v8  }
0x1d0: {  	v3 =	vsub.f32 v3, v5;
	v2 =	vmul.f32 v0, v4;
	v13 =	vadd.s32 v9, v1  }
0x1d1: {  	v0 =	vadd.s32 $0x1, v13;
	v1 =	vadd.s32 $0x462, v13;
	v17 =	vadd.s32 $0x463, v13  }
0x1d2: {  	v15 =	vadd.s32 $0x21, v13;
	v14 =	vadd.s32 $0x22, v13;
	v2 =	vadd.f32 v2, v12  }
0x1d3: {  	v4 =	vsub.f32 v7, v11;
	v5 =	vsub.f32 $1.000000000e+00, v3;
	v16 =	vadd.s32 $0x442, v13  }
0x1d4: {  	[tilespmem:s29+$0x1DC80] =	vst v2;
	s29 =	smov.u32 s0  }
0x1d5: {  	v7 =	vsub.f32 $1.000000000e+00, v4;
	v2 =	vadd.s32 $0x441, v13;
	v8 =	vld.idx.msk [tilespmem:v13+s19+$0x0], $0xffff  }
0x1d6: {  	v10 =	vsub.f32 v6, v10;
	v11 =	vld.idx.msk [tilespmem:v0+s19+$0x0], $0xffff  }
0x1d7: {  	v12 =	vld.idx.msk [tilespmem:v17+s19+$0x0], $0xffff  }
0x1d8: {  	v21 =	vsub.f32 $1.000000000e+00, v10;
	v23 =	vmul.f32 v3, v4;
	v22 =	vmul.f32 v5, v7;
	v24 =	vld.idx.msk [tilespmem:v1+s19+$0x0], $0xffff  }
0x1d9: {  	v4 =	vmul.f32 v5, v4;
	v25 =	vmul.f32 v3, v7;
	v26 =	vld.idx.msk [tilespmem:v16+s19+$0x0], $0xffff  }
0x1da: {  	v5 =	vmul.f32 v21, v23;
	v7 =	vmul.f32 v21, v22;
	v27 =	vld.idx.msk [tilespmem:v2+s19+$0x0], $0xffff  }
0x1db: {  	v3 =	vmul.f32 v21, v4;
	v28 =	vld.idx.msk [tilespmem:v14+s19+$0x0], $0xffff  }
0x1dc: {  	v6 =	vmul.f32 v10, v25;
	v30 =	vmul.f32 v7, v8;
	v29 =	vld.idx.msk [tilespmem:v15+s19+$0x0], $0xffff  }
0x1dd: {  	v9 =	vmul.f32 v4, v10;
	v4 =	vmul.f32 v3, v11  }
0x1de: {  	v8 =	vmul.f32 v22, v10;
	v22 =	vmul.f32 v24, v6  }
0x1df: {  	v11 =	vmul.f32 v10, v23;
	v23 =	vadd.f32 v4, v30;
	v4 =	vmul.f32 v26, v9  }
0x1e0: {  	v10 =	vmul.f32 v21, v25;
	v21 =	vmul.f32 v8, v27  }
0x1e1: {  	v24 =	vmul.f32 v5, v28  }
0x1e2: {  	v12 =	vmul.f32 v12, v11;
	v25 =	vmul.f32 v10, v29;
	v21 =	vadd.f32 v4, v21  }
0x1e3: {  	v4 =	vld [tilespmem:s29+$0x1C480]  }
0x1e4: {  	v12 =	vadd.f32 v12, v22;
	v24 =	vadd.f32 v24, v25;
	_ =	sdelay $0x1  }
0x1e5: {  	v12 =	vadd.f32 v12, v21;
	v22 =	vadd.f32 v24, v23;
	_ =	sdelay $0x1  }
0x1e6: {  	v12 =	vadd.f32 v12, v22;
	v21 =	vsub.f32 $1.000000000e+00, v4;
	_ =	sdelay $0x1  }
0x1e7: {  	v22 =	vmul.f32 v12, v4;
	v20 =	vmul.f32 v21, v20  }
0x1e8: {  	v18 =	vmul.f32 v21, v18;
	v12 =	vmul.f32 v21, v19  }
0x1e9: {  	v19 =	vadd.f32 v22, v20;
	_ =	sdelay $0x1  }
0x1ea: {  	[tilespmem:s29+$0x1D480] =	vst v19  }
0x1eb: {  	v19 =	vld.idx.msk [tilespmem:v13+s24+$0x0], $0xffff  }
0x1ec: {  	v20 =	vld.idx.msk [tilespmem:v17+s24+$0x0], $0xffff  }
0x1ed: {  	v21 =	vld.idx.msk [tilespmem:v16+s24+$0x0], $0xffff  }
0x1ee: {  	v22 =	vld.idx.msk [tilespmem:v1+s24+$0x0], $0xffff  }
0x1ef: {  	v23 =	vld.idx.msk [tilespmem:v0+s24+$0x0], $0xffff  }
0x1f0: {  	v24 =	vld.idx.msk [tilespmem:v15+s24+$0x0], $0xffff  }
0x1f1: {  	v19 =	vmul.f32 v19, v7;
	v25 =	vld.idx.msk [tilespmem:v2+s24+$0x0], $0xffff  }
0x1f2: {  	v20 =	vmul.f32 v20, v11;
	v26 =	vld.idx.msk [tilespmem:v14+s24+$0x0], $0xffff  }
0x1f3: {  	v21 =	vmul.f32 v21, v9  }
0x1f4: {  	v22 =	vmul.f32 v22, v6  }
0x1f5: {  	v23 =	vmul.f32 v23, v3  }
0x1f6: {  	v24 =	vmul.f32 v24, v10  }
0x1f7: {  	v25 =	vmul.f32 v25, v8  }
0x1f8: {  	v26 =	vmul.f32 v26, v5  }
0x1f9: {  	v19 =	vadd.f32 v23, v19;
	v21 =	vadd.f32 v21, v25  }
0x1fa: {  	v20 =	vadd.f32 v20, v22;
	v23 =	vadd.f32 v26, v24;
	_ =	sdelay $0x1  }
0x1fb: {  	v20 =	vadd.f32 v20, v21;
	v19 =	vadd.f32 v23, v19;
	_ =	sdelay $0x1  }
0x1fc: {  	v19 =	vadd.f32 v20, v19;
	_ =	sdelay $0x1  }
0x1fd: {  	v19 =	vmul.f32 v19, v4;
	_ =	sdelay $0x1  }
0x1fe: {  	v18 =	vadd.f32 v19, v18;
	_ =	sdelay $0x1  }
0x1ff: {  	[tilespmem:s29+$0x1D880] =	vst v18  }
.Ltmp4:
0x200: {  	v18 =	vld.idx.msk [tilespmem:v17+s25+$0x0], $0xffff;
	(pc) =	sbr.rel @p0 .LBB2_7-.Ltmp4, $4  }
0x201: {  	v17 =	vld.idx.msk [tilespmem:v13+s25+$0x0], $0xffff  }
0x202: {  	v15 =	vld.idx.msk [tilespmem:v15+s25+$0x0], $0xffff  }
0x203: {  	v13 =	vld.idx.msk [tilespmem:v14+s25+$0x0], $0xffff  }
0x204: {  	v14 =	vld.idx.msk [tilespmem:v16+s25+$0x0], $0xffff  }
0x205: {  	_ =	sdelay $0x3  }
0x206: {  	v1 =	vld.idx.msk [tilespmem:v1+s25+$0x0], $0xffff  }
0x207: {  	v0 =	vld.idx.msk [tilespmem:v0+s25+$0x0], $0xffff  }
0x208: {  	v2 =	vld.idx.msk [tilespmem:v2+s25+$0x0], $0xffff;
	_ =	sdelay $0x1  }
0x209: {  	v11 =	vmul.f32 v18, v11;
	v7 =	vmul.f32 v17, v7  }
0x20a: {  	v10 =	vmul.f32 v15, v10;
	v5 =	vmul.f32 v13, v5  }
0x20b: {  	v9 =	vmul.f32 v14, v9;
	v1 =	vmul.f32 v1, v6  }
0x20c: {  	v0 =	vmul.f32 v0, v3;
	v2 =	vmul.f32 v2, v8  }
0x20d: {  	v3 =	vadd.f32 v5, v10;
	v1 =	vadd.f32 v11, v1  }
0x20e: {  	v0 =	vadd.f32 v0, v7;
	v2 =	vadd.f32 v9, v2;
	_ =	sdelay $0x1  }
0x20f: {  	v0 =	vadd.f32 v3, v0;
	v1 =	vadd.f32 v1, v2;
	_ =	sdelay $0x1  }
0x210: {  	v0 =	vadd.f32 v1, v0;
	_ =	sdelay $0x1  }
0x211: {  	v0 =	vmul.f32 v0, v4;
	_ =	sdelay $0x1  }
0x212: {  	v0 =	vadd.f32 v0, v12;
	_ =	sdelay $0x1  }
0x213: {  	[tilespmem:s29+$0x1DC80] =	vst v0  }
0x214: {  	v12 =	vld [tilespmem:s3+$0x1B900]  }
0x215: {  	v14 =	vld [tilespmem:s3+$0x1BD00]  }
0x216: {  	v13 =	vld [tilespmem:s3+$0x1B500];
	_ =	sdelay $0x2  }
0x217: {  	v1 =	vmul.f32 $3.199996760e+01, v12  }
0x218: {  	v3 =	vmul.f32 $3.199996760e+01, v14  }
0x219: {  	v2 =	vmul.f32 $3.199996760e+01, v13;
	v0 =	vtrunc.f32 v1  }
0x21a: {  	v4 =	vtrunc.f32 v3;
	v0 =	vcvt.f32.s32 v0  }
0x21b: {  	v5 =	vtrunc.f32 v2;
	v4 =	vcvt.f32.s32 v4  }
0x21c: {  	v5 =	vcvt.f32.s32 v5;
	v6 =	vmul.u32 $0x21, v0  }
0x21d: {  	v7 =	vmul.u32 $0x441, v4  }
0x21e: {  	v6 =	vadd.s32 v5, v6  }
0x21f: {  	v15 =	vadd.s32 v7, v6  }
0x220: {  	v6 =	vcvt.s32.f32 v0;
	v0 =	vadd.s32 $0x1, v15  }
0x221: {  	v5 =	vcvt.s32.f32 v5;
	v16 =	vadd.s32 $0x463, v15  }
0x222: {  	v4 =	vcvt.s32.f32 v4;
	v19 =	vadd.s32 $0x442, v15  }
0x223: {  	v5 =	vsub.f32 v2, v5;
	v2 =	vadd.s32 $0x441, v15;
	v6 =	vsub.f32 v1, v6  }
0x224: {  	v4 =	vsub.f32 v3, v4;
	v20 =	vadd.s32 $0x22, v15;
	v8 =	vld.idx.msk [tilespmem:v15+s5+$0x0], $0xffff  }
0x225: {  	v1 =	vadd.s32 $0x462, v15;
	v9 =	vsub.f32 $1.000000000e+00, v5;
	v7 =	vsub.f32 $1.000000000e+00, v6;
	v10 =	vld.idx.msk [tilespmem:v0+s5+$0x0], $0xffff  }
0x226: {  	v21 =	vadd.s32 $0x21, v15;
	v17 =	vld.idx.msk [tilespmem:v16+s5+$0x0], $0xffff  }
0x227: {  	v18 =	vsub.f32 $1.000000000e+00, v4;
	v22 =	vmul.f32 v6, v5;
	v11 =	vmul.f32 v7, v9;
	v26 =	vld.idx.msk [tilespmem:v19+s5+$0x0], $0xffff  }
0x228: {  	v25 =	vmul.f32 v6, v9;
	v24 =	vmul.f32 v7, v5;
	v27 =	vld.idx.msk [tilespmem:v2+s5+$0x0], $0xffff  }
0x229: {  	v5 =	vmul.f32 v18, v22;
	v28 =	vld.idx.msk [tilespmem:v20+s5+$0x0], $0xffff;
	v7 =	vmul.f32 v18, v11  }
0x22a: {  	v23 =	vld.idx.msk [tilespmem:v1+s5+$0x0], $0xffff;
	v6 =	vmul.f32 v4, v25;
	v3 =	vmul.f32 v18, v24  }
0x22b: {  	v29 =	vld.idx.msk [tilespmem:v21+s5+$0x0], $0xffff;
	v9 =	vmul.f32 v24, v4;
	v30 =	vmul.f32 v7, v8  }
0x22c: {  	v8 =	vmul.f32 v11, v4;
	v11 =	vmul.f32 v4, v22  }
0x22d: {  	v55 =	vmul.f32 v3, v10;
	v4 =	vmul.f32 v26, v9  }
0x22e: {  	v10 =	vmul.f32 v18, v25;
	v56 =	vmul.f32 v5, v28  }
0x22f: {  	v23 =	vmul.f32 v23, v6;
	v18 =	vmul.f32 v8, v27  }
0x230: {  	v17 =	vmul.f32 v17, v11;
	v25 =	vmul.f32 v10, v29  }
0x231: {  	v24 =	vadd.f32 v55, v30;
	v18 =	vadd.f32 v4, v18;
	v4 =	vld [tilespmem:s3+$0x1C500]  }
0x232: {  	v17 =	vadd.f32 v17, v23;
	v22 =	vadd.f32 v56, v25;
	_ =	sdelay $0x1  }
0x233: {  	v17 =	vadd.f32 v17, v18;
	v22 =	vadd.f32 v22, v24;
	_ =	sdelay $0x1  }
0x234: {  	v57 =	vsub.f32 $1.000000000e+00, v4;
	v17 =	vadd.f32 v17, v22;
	_ =	sdelay $0x1  }
0x235: {  	v17 =	vmul.f32 v17, v4;
	v13 =	vmul.f32 v57, v13;
	_ =	sdelay $0x1  }
0x236: {  	v13 =	vadd.f32 v17, v13;
	_ =	sdelay $0x1  }
0x237: {  	[tilespmem:s3+$0x1D500] =	vst v13  }
0x238: {  	v13 =	vld.idx.msk [tilespmem:v15+s24+$0x0], $0xffff  }
0x239: {  	v17 =	vld.idx.msk [tilespmem:v16+s24+$0x0], $0xffff  }
0x23a: {  	v18 =	vld.idx.msk [tilespmem:v19+s24+$0x0], $0xffff  }
0x23b: {  	v58 =	vld.idx.msk [tilespmem:v1+s24+$0x0], $0xffff  }
0x23c: {  	v59 =	vld.idx.msk [tilespmem:v0+s24+$0x0], $0xffff  }
0x23d: {  	v60 =	vld.idx.msk [tilespmem:v21+s24+$0x0], $0xffff  }
0x23e: {  	v61 =	vld.idx.msk [tilespmem:v2+s24+$0x0], $0xffff  }
0x23f: {  	v62 =	vld.idx.msk [tilespmem:v20+s24+$0x0], $0xffff;
	_ =	sdelay $0x1  }
0x240: {  	v13 =	vmul.f32 v13, v7;
	v17 =	vmul.f32 v17, v11  }
0x241: {  	v18 =	vmul.f32 v18, v9;
	v22 =	vmul.f32 v58, v6  }
0x242: {  	v24 =	vmul.f32 v59, v3;
	v26 =	vmul.f32 v61, v8  }
0x243: {  	v25 =	vmul.f32 v60, v10;
	v27 =	vmul.f32 v62, v5  }
0x244: {  	v13 =	vadd.f32 v24, v13;
	v18 =	vadd.f32 v18, v26  }
0x245: {  	v63 =	vadd.f32 v27, v25;
	v17 =	vadd.f32 v17, v22;
	_ =	sdelay $0x1  }
0x246: {  	v13 =	vadd.f32 v63, v13;
	v17 =	vadd.f32 v17, v18;
	_ =	sdelay $0x1  }
0x247: {  	v13 =	vadd.f32 v17, v13;
	_ =	sdelay $0x1  }
0x248: {  	v12 =	vmul.f32 v57, v12;
	v13 =	vmul.f32 v13, v4;
	_ =	sdelay $0x1  }
0x249: {  	v12 =	vadd.f32 v13, v12;
	_ =	sdelay $0x1  }
0x24a: {  	[tilespmem:s3+$0x1D900] =	vst v12  }
0x24b: {  	v18 =	vld.idx.msk [tilespmem:v16+s25+$0x0], $0xffff  }
0x24c: {  	v17 =	vld.idx.msk [tilespmem:v15+s25+$0x0], $0xffff  }
0x24d: {  	v15 =	vld.idx.msk [tilespmem:v21+s25+$0x0], $0xffff  }
0x24e: {  	v13 =	vld.idx.msk [tilespmem:v20+s25+$0x0], $0xffff  }
0x24f: {  	s29 =	simm.s32 $0x10;
	v12 =	vmul.f32 v57, v14;
	v14 =	vld.idx.msk [tilespmem:v19+s25+$0x0], $0xffff  }
.LBB2_9:
0x250: {  	p0 =	sne.s32 s29, $0x1F0  }
0x251: {  	v1 =	vld.idx.msk [tilespmem:v1+s25+$0x0], $0xffff;
	s19 =	sadd.s32 $0x20, s19;
	s0 =	smov.u32 s29;
	s29 =	sadd.s32 $0x10, s29  }
0x252: {  	v11 =	vmul.f32 v18, v11;
	s0 =	sand.u32 $0x70, s0;
	s26 =	sand.u32 $0x300, s19;
	v0 =	vld.idx.msk [tilespmem:v0+s25+$0x0], $0xffff  }
0x253: {  	v7 =	vmul.f32 v17, v7;
	s0 =	sor.u32 s0, s26;
	v2 =	vld.idx.msk [tilespmem:v2+s25+$0x0], $0xffff  }
0x254: {  	v10 =	vmul.f32 v15, v10;
	v18 =	vld [tilespmem:s0+$0x1B900]  }
0x255: {  	v5 =	vmul.f32 v13, v5;
	v19 =	vld [tilespmem:s0+$0x1BD00]  }
0x256: {  	v9 =	vmul.f32 v14, v9;
	v20 =	vld [tilespmem:s0+$0x1B500]  }
0x257: {  	v5 =	vadd.f32 v5, v10;
	v1 =	vmul.f32 v1, v6  }
0x258: {  	v0 =	vmul.f32 v0, v3  }
0x259: {  	v2 =	vmul.f32 v2, v8;
	v1 =	vadd.f32 v11, v1;
	v3 =	vmul.f32 $3.199996760e+01, v18  }
0x25a: {  	v0 =	vadd.f32 v0, v7;
	v6 =	vmul.f32 $3.199996760e+01, v19  }
0x25b: {  	v2 =	vadd.f32 v9, v2;
	v7 =	vmul.f32 $3.199996760e+01, v20;
	v8 =	vtrunc.f32 v3  }
0x25c: {  	v0 =	vadd.f32 v5, v0;
	v8 =	vcvt.f32.s32 v8;
	v9 =	vtrunc.f32 v6  }
0x25d: {  	v1 =	vadd.f32 v1, v2;
	v5 =	vtrunc.f32 v7;
	v9 =	vcvt.f32.s32 v9  }
0x25e: {  	v2 =	vcvt.f32.s32 v5;
	v5 =	vcvt.s32.f32 v8;
	v8 =	vmul.u32 $0x21, v8  }
0x25f: {  	v0 =	vadd.f32 v1, v0;
	v10 =	vcvt.s32.f32 v9;
	v9 =	vmul.u32 $0x441, v9  }
0x260: {  	v11 =	vcvt.s32.f32 v2;
	v1 =	vadd.s32 v2, v8  }
0x261: {  	v3 =	vsub.f32 v3, v5;
	v2 =	vmul.f32 v0, v4;
	v13 =	vadd.s32 v9, v1  }
0x262: {  	v0 =	vadd.s32 $0x1, v13;
	v1 =	vadd.s32 $0x462, v13;
	v17 =	vadd.s32 $0x463, v13  }
0x263: {  	v15 =	vadd.s32 $0x21, v13;
	v14 =	vadd.s32 $0x22, v13;
	v2 =	vadd.f32 v2, v12  }
0x264: {  	v4 =	vsub.f32 v7, v11;
	v5 =	vsub.f32 $1.000000000e+00, v3;
	v16 =	vadd.s32 $0x442, v13  }
0x265: {  	[tilespmem:s3+$0x1DD00] =	vst v2;
	s3 =	smov.u32 s0  }
0x266: {  	v7 =	vsub.f32 $1.000000000e+00, v4;
	v2 =	vadd.s32 $0x441, v13;
	v8 =	vld.idx.msk [tilespmem:v13+s5+$0x0], $0xffff  }
0x267: {  	v10 =	vsub.f32 v6, v10;
	v11 =	vld.idx.msk [tilespmem:v0+s5+$0x0], $0xffff  }
0x268: {  	v12 =	vld.idx.msk [tilespmem:v17+s5+$0x0], $0xffff  }
0x269: {  	v21 =	vsub.f32 $1.000000000e+00, v10;
	v23 =	vmul.f32 v3, v4;
	v22 =	vmul.f32 v5, v7;
	v24 =	vld.idx.msk [tilespmem:v1+s5+$0x0], $0xffff  }
0x26a: {  	v4 =	vmul.f32 v5, v4;
	v25 =	vmul.f32 v3, v7;
	v26 =	vld.idx.msk [tilespmem:v16+s5+$0x0], $0xffff  }
0x26b: {  	v5 =	vmul.f32 v21, v23;
	v7 =	vmul.f32 v21, v22;
	v27 =	vld.idx.msk [tilespmem:v2+s5+$0x0], $0xffff  }
0x26c: {  	v3 =	vmul.f32 v21, v4;
	v28 =	vld.idx.msk [tilespmem:v14+s5+$0x0], $0xffff  }
0x26d: {  	v6 =	vmul.f32 v10, v25;
	v30 =	vmul.f32 v7, v8;
	v29 =	vld.idx.msk [tilespmem:v15+s5+$0x0], $0xffff  }
0x26e: {  	v9 =	vmul.f32 v4, v10;
	v4 =	vmul.f32 v3, v11  }
0x26f: {  	v8 =	vmul.f32 v22, v10;
	v22 =	vmul.f32 v24, v6  }
0x270: {  	v11 =	vmul.f32 v10, v23;
	v23 =	vadd.f32 v4, v30;
	v4 =	vmul.f32 v26, v9  }
0x271: {  	v10 =	vmul.f32 v21, v25;
	v21 =	vmul.f32 v8, v27  }
0x272: {  	v24 =	vmul.f32 v5, v28  }
0x273: {  	v12 =	vmul.f32 v12, v11;
	v25 =	vmul.f32 v10, v29;
	v21 =	vadd.f32 v4, v21  }
0x274: {  	v4 =	vld [tilespmem:s3+$0x1C500]  }
0x275: {  	v12 =	vadd.f32 v12, v22;
	v24 =	vadd.f32 v24, v25;
	_ =	sdelay $0x1  }
0x276: {  	v12 =	vadd.f32 v12, v21;
	v22 =	vadd.f32 v24, v23;
	_ =	sdelay $0x1  }
0x277: {  	v12 =	vadd.f32 v12, v22;
	v21 =	vsub.f32 $1.000000000e+00, v4;
	_ =	sdelay $0x1  }
0x278: {  	v22 =	vmul.f32 v12, v4;
	v20 =	vmul.f32 v21, v20  }
0x279: {  	v18 =	vmul.f32 v21, v18;
	v12 =	vmul.f32 v21, v19  }
0x27a: {  	v19 =	vadd.f32 v22, v20;
	_ =	sdelay $0x1  }
0x27b: {  	[tilespmem:s3+$0x1D500] =	vst v19  }
0x27c: {  	v19 =	vld.idx.msk [tilespmem:v13+s24+$0x0], $0xffff  }
0x27d: {  	v20 =	vld.idx.msk [tilespmem:v17+s24+$0x0], $0xffff  }
0x27e: {  	v21 =	vld.idx.msk [tilespmem:v16+s24+$0x0], $0xffff  }
0x27f: {  	v22 =	vld.idx.msk [tilespmem:v1+s24+$0x0], $0xffff  }
0x280: {  	v23 =	vld.idx.msk [tilespmem:v0+s24+$0x0], $0xffff  }
0x281: {  	v24 =	vld.idx.msk [tilespmem:v15+s24+$0x0], $0xffff  }
0x282: {  	v19 =	vmul.f32 v19, v7;
	v25 =	vld.idx.msk [tilespmem:v2+s24+$0x0], $0xffff  }
0x283: {  	v20 =	vmul.f32 v20, v11;
	v26 =	vld.idx.msk [tilespmem:v14+s24+$0x0], $0xffff  }
0x284: {  	v21 =	vmul.f32 v21, v9  }
0x285: {  	v22 =	vmul.f32 v22, v6  }
0x286: {  	v23 =	vmul.f32 v23, v3  }
0x287: {  	v24 =	vmul.f32 v24, v10  }
0x288: {  	v25 =	vmul.f32 v25, v8  }
0x289: {  	v26 =	vmul.f32 v26, v5  }
0x28a: {  	v19 =	vadd.f32 v23, v19;
	v21 =	vadd.f32 v21, v25  }
0x28b: {  	v20 =	vadd.f32 v20, v22;
	v23 =	vadd.f32 v26, v24;
	_ =	sdelay $0x1  }
0x28c: {  	v20 =	vadd.f32 v20, v21;
	v19 =	vadd.f32 v23, v19;
	_ =	sdelay $0x1  }
0x28d: {  	v19 =	vadd.f32 v20, v19;
	_ =	sdelay $0x1  }
0x28e: {  	v19 =	vmul.f32 v19, v4;
	_ =	sdelay $0x1  }
0x28f: {  	v18 =	vadd.f32 v19, v18;
	_ =	sdelay $0x1  }
0x290: {  	[tilespmem:s3+$0x1D900] =	vst v18  }
.Ltmp5:
0x291: {  	v18 =	vld.idx.msk [tilespmem:v17+s25+$0x0], $0xffff;
	(pc) =	sbr.rel @p0 .LBB2_9-.Ltmp5, $4  }
0x292: {  	v17 =	vld.idx.msk [tilespmem:v13+s25+$0x0], $0xffff  }
0x293: {  	v15 =	vld.idx.msk [tilespmem:v15+s25+$0x0], $0xffff  }
0x294: {  	v13 =	vld.idx.msk [tilespmem:v14+s25+$0x0], $0xffff  }
0x295: {  	v14 =	vld.idx.msk [tilespmem:v16+s25+$0x0], $0xffff  }
0x296: {  	_ =	sdelay $0x3  }
0x297: {  	v1 =	vld.idx.msk [tilespmem:v1+s25+$0x0], $0xffff  }
0x298: {  	v0 =	vld.idx.msk [tilespmem:v0+s25+$0x0], $0xffff  }
0x299: {  	v2 =	vld.idx.msk [tilespmem:v2+s25+$0x0], $0xffff;
	_ =	sdelay $0x1  }
0x29a: {  	v11 =	vmul.f32 v18, v11;
	v7 =	vmul.f32 v17, v7  }
0x29b: {  	v10 =	vmul.f32 v15, v10;
	v5 =	vmul.f32 v13, v5  }
0x29c: {  	v9 =	vmul.f32 v14, v9;
	v1 =	vmul.f32 v1, v6  }
0x29d: {  	v0 =	vmul.f32 v0, v3;
	v2 =	vmul.f32 v2, v8  }
0x29e: {  	v63 =	vadd.f32 v5, v10;
	v1 =	vadd.f32 v11, v1  }
0x29f: {  	v0 =	vadd.f32 v0, v7;
	v2 =	vadd.f32 v9, v2;
	_ =	sdelay $0x1  }
0x2a0: {  	v0 =	vadd.f32 v63, v0;
	v1 =	vadd.f32 v1, v2;
	_ =	sdelay $0x1  }
0x2a1: {  	v0 =	vadd.f32 v1, v0;
	_ =	sdelay $0x1  }
0x2a2: {  	v0 =	vmul.f32 v0, v4;
	_ =	sdelay $0x1  }
0x2a3: {  	v0 =	vadd.f32 v0, v12  }
0x2a4: {  	s0 =	sadd.s32 s18, s4  }
0x2a5: {  	s30 =	sadd.s32 $0x20, s0;
	[tilespmem:s3+$0x1DD00] =	vst v0  }
0x2a6: {  	[hbm4b:s30+s22] =	stream.strided.scatter [tilespmem:s15], [sflag:$0x6], $0x400, s23, s22, $0x38;
	[tilespmem:$0x1E080] =	vst v63  }
.Ltmp6:
0x2a7: {  	_ = 	snop;
	(pc) =	sbr.rel @p1 .LBB2_12-.Ltmp6, $4  }
0x2a8: {  	s31 =	sadd.s32 $0x8020, s0  }
0x2a9: {  	[hbm4b:s31+s22] =	stream.strided.scatter [tilespmem:s16], [sflag:$0x6], $0x400, s23, s22, $0x38;
	[tilespmem:$0x1E080] =	vst v63  }
0x2aa: {  	s0 =	sadd.s32 $0x10020, s0  }
0x2ab: {  	[hbm4b:s0+s22] =	stream.strided.scatter [tilespmem:s17], [sflag:$0x6], $0x400, s23, s22, $0x38;
	[tilespmem:$0x1E080] =	vst v63  }
0x2ac: {  	s0 =	sadd.s32 $0x3, s10  }
0x2ad: {  	s3 =	sshll.u32 s0, $0xA  }
0x2ae: {  	s3 =	sadd.s32 s7, s3  }
0x2af: {  	s0 =	sshll.u32 s0, $0x8;
	s3 =	sand.u32 $0x7F000, s3  }
0x2b0: {  	s0 =	sand.u32 $0x300, s0;
	s26 =	sadd.s32 s6, s3  }
0x2b1: {  	s10 =	sor.u32 s0, s26  }
0x2b2: {  	s10 =	sshrl.u32 s10, $0x3  }
0x2b3: {  	s18 =	simm.s32 $0x1B480;
	s10 =	sadd.s32 s1, s10  }
0x2b4: {  	[tilespmem:s18], [sflag:$0x2] =	stream.strided.gather [hbm4b:s10+s22], $0x400, s23, s22, $0x38;
	[tilespmem:$0x1E080] =	vst v63  }
0x2b5: {  	s19 =	simm.s32 $0x1B880;
	s3 =	sadd.s32 s9, s3;
	s29 =	sadd.s32 $0x8000, s10  }
0x2b6: {  	[tilespmem:s19], [sflag:$0x2] =	stream.strided.gather [hbm4b:s29+s22], $0x400, s23, s22, $0x38;
	[tilespmem:$0x1E080] =	vst v63  }
.Ltmp7:
0x2b7: {  	s0 =	sor.u32 s0, s3;
	(pc) =	sbr.rel .LBB2_2-.Ltmp7, $4  }
0x2b8: {  	s30 =	simm.s32 $0x1BC80;
	s0 =	sshrl.u32 s0, $0x3;
	s10 =	sadd.s32 $0x10000, s10  }
0x2b9: {  	[tilespmem:s30], [sflag:$0x2] =	stream.strided.gather [hbm4b:s10+s22], $0x400, s23, s22, $0x38;
	[tilespmem:$0x1E080] =	vst v63  }
0x2ba: {  	s31 =	simm.s32 $0x1C480;
	s12 =	sadd.s32 $0x1, s12;
	s0 =	sadd.s32 s2, s0  }
0x2bb: {  	[tilespmem:s31], [sflag:$0x4] =	stream.strided.gather [hbm4b:s0+s22], $0x400, s23, s22, $0x38;
	[tilespmem:$0x1E080] =	vst v63  }
.LBB2_13:
0x2bc: {  	_ =	sfence.sel $0x180000  }
0x2bd: {  	[bflag:$0x0] =	sbarrier.arrive $0xFFFF  }
0x2be: {  	_ =	strace $0x90000047  }
0x2bf: {  	s0 =	stileid.u32;
	[bflag:$0x2] =	sbarrier.arrive $0xFFFF  }
0x2c0: {  	p0 =	sne.s32 s0, $0x0;
	s0 =	rddreg [dreg:$0x4]  }
0x2c1: {  	s0 =	sadd.s32 @!p0 $0x100000, s0  }
0x2c2: {  	[sflag:s0] =	ssyncadd.tile.s32 @!p0 $0x1;
	_ =	shalt  }
.Lfunc_end2:
_tile_overlayer_lowered:
.L_overlay_start_2:
0x2c3: {  	(tag) =	ssettag $0x2  }
0x2c4: {  	s0 =	rddreg [dreg:$0x0];
	s2 =	stileid.u32  }
0x2c5: {  	s1 =	rddreg [dreg:$0x1];
	p0 =	sne.s32 s2, $0x0  }
0x2c6: {  	s3 =	rddreg [dreg:$0x2];
	[bflag:$0x3] =	sbarrier.arrive $0xFFFF;
	s2 =	simm.s32 @!p0 $0x1C07  }
0x2c7: {  	[timem:s3], [sflag:s2] =	dma.local @!p0 [hbm:s0], s1  }
0x2c8: {  	s0 =	simm.s32 @!p0 $0x7  }
0x2c9: {  	_ =	swait.ge @!p0 [sflag:s0], s1  }
0x2ca: {  	s1 =	ssub.s32 @!p0 $0x0, s1;
	[sflag:s0] =	ssyncset.done @!p0 $0x0  }
0x2cb: {  	[sflag:s0] =	ssyncadd.s32 @!p0 s1  }
0x2cc: {  	[bflag:$0x3] =	sbarrier.arrive $0xFFFF  }
0x2cd: {  	_ =	shalt  }

</sc_bundles>
